<compile_context>
chip_gen: v7x
topology: tpu7x:2x2x1
jax: 0.10.2.dev20260603
libtpu: 0.0.44.dev20260713+nightly
codegen_flags: <defaults>
</compile_context>

<pallas_src>
import functools

import jax
import jax.numpy as jnp
from jax import lax
from jax.experimental import pallas as pl
from jax.experimental.pallas import tpu as pltpu
from jax.experimental.pallas import tpu_sc as plsc

B = 16384

_info = plsc.get_sparse_core_info()
_NC, _NS, _L = _info.num_cores, _info.num_subcores, _info.num_lanes
_NW = _NC * _NS
_BPW = B // _NW
_NH = 4
_H = _BPW // _NH


def _forward_chunk(s, k0, e0):
    s = jnp.minimum(jnp.maximum(s, -60.0), 60.0)
    k0 = jnp.minimum(jnp.maximum(k0, -60.0), 60.0)
    e0 = jnp.minimum(jnp.maximum(e0, -60.0), 60.0)
    a = jnp.exp(-s)
    b = jnp.exp(-k0)
    c = jnp.exp(-e0)
    num = b - a
    den = (1.0 + a) * (1.0 + b) * (1.0 + c)
    t = 27.2 * num / den
    x = jnp.exp(-t)
    return 1.0 / (1.0 + jnp.exp(-x))


@functools.partial(
    pl.kernel,
    mesh=plsc.VectorSubcoreMesh(core_axis_name="c", subcore_axis_name="s"),
    out_type=jax.ShapeDtypeStruct((B,), jnp.float32),
    scratch_types=(
        [pltpu.VMEM((_H,), jnp.int32) for _ in range(2 * _NH)]
        + [pltpu.VMEM((_H,), jnp.float32) for _ in range(4 * _NH)]
        + [pltpu.SemaphoreType.DMA for _ in range(3 + _NH)]
    ),
)
def _sc_forward(stu_hbm, ex_hbm, stab_hbm, ktab_hbm, etab_hbm, out_hbm, *scr):
    sidx = scr[0:_NH]
    eidx = scr[_NH:2 * _NH]
    sv = scr[2 * _NH:3 * _NH]
    kv = scr[3 * _NH:4 * _NH]
    ev = scr[4 * _NH:5 * _NH]
    ov = scr[5 * _NH:6 * _NH]
    sem_i, sem_o = scr[6 * _NH], scr[6 * _NH + 1]
    sem_g = scr[6 * _NH + 2:]
    wid = lax.axis_index("s") * _NC + lax.axis_index("c")
    base = wid * _BPW
    idx_copies = []
    for h in range(_NH):
        src = pl.ds(base + h * _H, _H)
        idx_copies.append(pltpu.async_copy(stu_hbm.at[src], sidx[h], sem_i))
        idx_copies.append(pltpu.async_copy(ex_hbm.at[src], eidx[h], sem_i))
    for cp in idx_copies:
        cp.wait()
    gathers = []
    for h in range(_NH):
        gathers.append((
            pltpu.async_copy(stab_hbm.at[sidx[h]], sv[h], sem_g[h]),
            pltpu.async_copy(ktab_hbm.at[eidx[h]], kv[h], sem_g[h]),
            pltpu.async_copy(etab_hbm.at[eidx[h]], ev[h], sem_g[h]),
        ))
    out_copies = []
    for h in range(_NH):
        for cp in gathers[h]:
            cp.wait()
        for i in range(_H // _L):
            sl = pl.ds(i * _L, _L)
            ov[h][sl] = _forward_chunk(sv[h][sl], kv[h][sl], ev[h][sl])
        out_copies.append(pltpu.async_copy(
            ov[h], out_hbm.at[pl.ds(base + h * _H, _H)], sem_o))
    for cp in out_copies:
        cp.wait()


def _flatten(tab):
    return tab.reshape(-1)


def kernel(stu_id, input_exercise, inut_word, inut_format, inut_section,
           inut_wordlen, inut_cefr, input_knowledge_point,
           student_emb, k_difficulty_emb, e_difficulty_emb):
    del inut_word, inut_format, inut_section, inut_wordlen, inut_cefr
    del input_knowledge_point
    return _sc_forward(
        stu_id.astype(jnp.int32),
        input_exercise.astype(jnp.int32),
        _flatten(student_emb),
        _flatten(k_difficulty_emb),
        _flatten(e_difficulty_emb),
    )

# --- scband reference (transcript-rebuilt; emitter-appended) ---
"""Pipeline reference for scband-net-nolinear-16484084483099 (READ-ONLY COPY).

The authoritative reference and input builder live on the scoring server;
editing this copy changes nothing except your own understanding.
"""

import jax, jax.numpy as jnp
import numpy as np

B = 16384
STUDENT_N = 1000000
EXER_N = 100000
WORD_N = 1000
KNOW_N = 128


def setup_inputs(seed: int = 0) -> dict:
    key = jax.random.key(seed)
    ks = jax.random.split(key, 12)
    inp = {
        "stu_id": jax.random.randint(ks[0], (B,), 0, STUDENT_N, dtype=jnp.int64 if jax.config.jax_enable_x64 else jnp.int32),
        "input_exercise": jax.random.randint(ks[1], (B,), 0, EXER_N),
        "inut_word": jax.random.randint(ks[2], (B,), 0, WORD_N),
        "inut_format": jax.random.randint(ks[3], (B,), 0, 10),
        "inut_section": jax.random.randint(ks[4], (B,), 0, 10),
        "inut_wordlen": jax.random.randint(ks[5], (B,), 0, 20),
        "inut_cefr": jax.random.randint(ks[6], (B,), 0, 6),
        "input_knowledge_point": jax.random.normal(ks[7], (B, KNOW_N), dtype=jnp.float32),
        # learned parameters (xavier_normal on [N,1] weights ~ small std)
        "student_emb": jax.random.normal(ks[8], (STUDENT_N, 1), dtype=jnp.float32) * 0.04,
        "k_difficulty_emb": jax.random.normal(ks[9], (EXER_N, 1), dtype=jnp.float32) * 0.14,
        "e_difficulty_emb": jax.random.normal(ks[10], (EXER_N, 1), dtype=jnp.float32) * 0.14,
    }
    return inp


def reference(stu_id, input_exercise, inut_word, inut_format, inut_section,
              inut_wordlen, inut_cefr, input_knowledge_point,
              student_emb, k_difficulty_emb, e_difficulty_emb):
    # stat_emb = 8 * (sigmoid(student_emb(stu_id)) - 0.5)
    stat_emb = 8.0 * (jax.nn.sigmoid(jnp.take(student_emb, stu_id, axis=0)) - 0.5)
    # e_difficulty = sigmoid(e_difficulty(input_exercise)) * 2
    e_difficulty = jax.nn.sigmoid(jnp.take(e_difficulty_emb, input_exercise, axis=0)) * 2.0
    # k_difficulty = 8 * (sigmoid(k_difficulty(input_exercise)) - 0.5)
    k_difficulty = 8.0 * (jax.nn.sigmoid(jnp.take(k_difficulty_emb, input_exercise, axis=0)) - 0.5)
    input_x = jnp.exp(-1.7 * e_difficulty * (stat_emb - k_difficulty))
    output_1 = jax.nn.sigmoid(input_x)
    return output_1.reshape(-1)


if False:  # reference __main__ guard neutralized (emitter)
    out = reference(**setup_inputs())
    print(out.shape, out.dtype)

if __name__ == "__main__":
    import jax
    _d = setup_inputs()
    print(jax.jit(kernel)(*tuple(_d.values())))

</pallas_src>

<mosaic_0001>
#map = affine_map<(d0, d1) -> (0)>
module attributes {stable_mosaic.version = 14 : i64} {
  func.func @_sc_forward(%arg0: i32, %arg1: i32, %arg2: memref<16384xi32, #tpu.memory_space<hbm>>, %arg3: memref<16384xi32, #tpu.memory_space<hbm>>, %arg4: memref<1000000xf32, #tpu.memory_space<hbm>>, %arg5: memref<100000xf32, #tpu.memory_space<hbm>>, %arg6: memref<100000xf32, #tpu.memory_space<hbm>>, %arg7: memref<16384xf32, #tpu.memory_space<hbm>>, %arg8: memref<128xi32, #tpu.memory_space<vmem>>, %arg9: memref<128xi32, #tpu.memory_space<vmem>>, %arg10: memref<128xi32, #tpu.memory_space<vmem>>, %arg11: memref<128xi32, #tpu.memory_space<vmem>>, %arg12: memref<128xi32, #tpu.memory_space<vmem>>, %arg13: memref<128xi32, #tpu.memory_space<vmem>>, %arg14: memref<128xi32, #tpu.memory_space<vmem>>, %arg15: memref<128xi32, #tpu.memory_space<vmem>>, %arg16: memref<128xf32, #tpu.memory_space<vmem>>, %arg17: memref<128xf32, #tpu.memory_space<vmem>>, %arg18: memref<128xf32, #tpu.memory_space<vmem>>, %arg19: memref<128xf32, #tpu.memory_space<vmem>>, %arg20: memref<128xf32, #tpu.memory_space<vmem>>, %arg21: memref<128xf32, #tpu.memory_space<vmem>>, %arg22: memref<128xf32, #tpu.memory_space<vmem>>, %arg23: memref<128xf32, #tpu.memory_space<vmem>>, %arg24: memref<128xf32, #tpu.memory_space<vmem>>, %arg25: memref<128xf32, #tpu.memory_space<vmem>>, %arg26: memref<128xf32, #tpu.memory_space<vmem>>, %arg27: memref<128xf32, #tpu.memory_space<vmem>>, %arg28: memref<128xf32, #tpu.memory_space<vmem>>, %arg29: memref<128xf32, #tpu.memory_space<vmem>>, %arg30: memref<128xf32, #tpu.memory_space<vmem>>, %arg31: memref<128xf32, #tpu.memory_space<vmem>>, %arg32: memref<!tpu.dma_semaphore, #tpu.memory_space<semaphore_mem>>, %arg33: memref<!tpu.dma_semaphore, #tpu.memory_space<semaphore_mem>>, %arg34: memref<!tpu.dma_semaphore, #tpu.memory_space<semaphore_mem>>, %arg35: memref<!tpu.dma_semaphore, #tpu.memory_space<semaphore_mem>>, %arg36: memref<!tpu.dma_semaphore, #tpu.memory_space<semaphore_mem>>, %arg37: memref<!tpu.dma_semaphore, #tpu.memory_space<semaphore_mem>>, %arg38: memref<!tpu.dma_semaphore, #tpu.memory_space<semaphore_mem>>) attributes {dimension_semantics = [#tpu.dimension_semantics<core_parallel>, #tpu.dimension_semantics<subcore_parallel>], iteration_bounds = array<i64: 2, 16>, scalar_prefetch = 0 : i64, scratch_operands = 31 : i64, tpu.core_type = #tpu.core_type<sc_vector_subcore>, window_params = [{transform_indices = #map}, {transform_indices = #map}, {transform_indices = #map}, {transform_indices = #map}, {transform_indices = #map}, {transform_indices = #map}]} {
    %mul3A = arith.constant 2 : i32
    %mul3A_0 = arith.muli %arg1, %mul3A : i32
    %add3A = arith.addi %mul3A_0, %arg0 : i32
    %mul3A_1 = arith.constant 512 : i32
    %mul3A_2 = arith.muli %add3A, %mul3A_1 : i32
    %add3A_3 = arith.constant 0 : i32
    %add3A_4 = arith.addi %mul3A_2, %add3A_3 : i32
    %dma_start3A = tpu.memref_slice %arg2[%add3A_4] : memref<16384xi32, #tpu.memory_space<hbm>> -> memref<128xi32, #tpu.memory_space<hbm>>
    %dma_start3A_5 = tpu.memref_slice %arg2[%add3A_4] : memref<16384xi32, #tpu.memory_space<hbm>> -> memref<128xi32, #tpu.memory_space<hbm>>
    tpu.enqueue_dma source(%dma_start3A_5 : memref<128xi32, #tpu.memory_space<hbm>>) target(%arg8 : memref<128xi32, #tpu.memory_space<vmem>>) target_semaphore(%arg32 : memref<!tpu.dma_semaphore, #tpu.memory_space<semaphore_mem>>)
    %dma_start3A_6 = tpu.memref_slice %arg3[%add3A_4] : memref<16384xi32, #tpu.memory_space<hbm>> -> memref<128xi32, #tpu.memory_space<hbm>>
    %dma_start3A_7 = tpu.memref_slice %arg3[%add3A_4] : memref<16384xi32, #tpu.memory_space<hbm>> -> memref<128xi32, #tpu.memory_space<hbm>>
    tpu.enqueue_dma source(%dma_start3A_7 : memref<128xi32, #tpu.memory_space<hbm>>) target(%arg12 : memref<128xi32, #tpu.memory_space<vmem>>) target_semaphore(%arg32 : memref<!tpu.dma_semaphore, #tpu.memory_space<semaphore_mem>>)
    %add3A_8 = arith.constant 128 : i32
    %add3A_9 = arith.addi %mul3A_2, %add3A_8 : i32
    %dma_start3A_10 = tpu.memref_slice %arg2[%add3A_9] : memref<16384xi32, #tpu.memory_space<hbm>> -> memref<128xi32, #tpu.memory_space<hbm>>
    %dma_start3A_11 = tpu.memref_slice %arg2[%add3A_9] : memref<16384xi32, #tpu.memory_space<hbm>> -> memref<128xi32, #tpu.memory_space<hbm>>
    tpu.enqueue_dma source(%dma_start3A_11 : memref<128xi32, #tpu.memory_space<hbm>>) target(%arg9 : memref<128xi32, #tpu.memory_space<vmem>>) target_semaphore(%arg32 : memref<!tpu.dma_semaphore, #tpu.memory_space<semaphore_mem>>)
    %dma_start3A_12 = tpu.memref_slice %arg3[%add3A_9] : memref<16384xi32, #tpu.memory_space<hbm>> -> memref<128xi32, #tpu.memory_space<hbm>>
    %dma_start3A_13 = tpu.memref_slice %arg3[%add3A_9] : memref<16384xi32, #tpu.memory_space<hbm>> -> memref<128xi32, #tpu.memory_space<hbm>>
    tpu.enqueue_dma source(%dma_start3A_13 : memref<128xi32, #tpu.memory_space<hbm>>) target(%arg13 : memref<128xi32, #tpu.memory_space<vmem>>) target_semaphore(%arg32 : memref<!tpu.dma_semaphore, #tpu.memory_space<semaphore_mem>>)
    %add3A_14 = arith.constant 256 : i32
    %add3A_15 = arith.addi %mul3A_2, %add3A_14 : i32
    %dma_start3A_16 = tpu.memref_slice %arg2[%add3A_15] : memref<16384xi32, #tpu.memory_space<hbm>> -> memref<128xi32, #tpu.memory_space<hbm>>
    %dma_start3A_17 = tpu.memref_slice %arg2[%add3A_15] : memref<16384xi32, #tpu.memory_space<hbm>> -> memref<128xi32, #tpu.memory_space<hbm>>
    tpu.enqueue_dma source(%dma_start3A_17 : memref<128xi32, #tpu.memory_space<hbm>>) target(%arg10 : memref<128xi32, #tpu.memory_space<vmem>>) target_semaphore(%arg32 : memref<!tpu.dma_semaphore, #tpu.memory_space<semaphore_mem>>)
    %dma_start3A_18 = tpu.memref_slice %arg3[%add3A_15] : memref<16384xi32, #tpu.memory_space<hbm>> -> memref<128xi32, #tpu.memory_space<hbm>>
    %dma_start3A_19 = tpu.memref_slice %arg3[%add3A_15] : memref<16384xi32, #tpu.memory_space<hbm>> -> memref<128xi32, #tpu.memory_space<hbm>>
    tpu.enqueue_dma source(%dma_start3A_19 : memref<128xi32, #tpu.memory_space<hbm>>) target(%arg14 : memref<128xi32, #tpu.memory_space<vmem>>) target_semaphore(%arg32 : memref<!tpu.dma_semaphore, #tpu.memory_space<semaphore_mem>>)
    %add3A_20 = arith.constant 384 : i32
    %add3A_21 = arith.addi %mul3A_2, %add3A_20 : i32
    %dma_start3A_22 = tpu.memref_slice %arg2[%add3A_21] : memref<16384xi32, #tpu.memory_space<hbm>> -> memref<128xi32, #tpu.memory_space<hbm>>
    %dma_start3A_23 = tpu.memref_slice %arg2[%add3A_21] : memref<16384xi32, #tpu.memory_space<hbm>> -> memref<128xi32, #tpu.memory_space<hbm>>
    tpu.enqueue_dma source(%dma_start3A_23 : memref<128xi32, #tpu.memory_space<hbm>>) target(%arg11 : memref<128xi32, #tpu.memory_space<vmem>>) target_semaphore(%arg32 : memref<!tpu.dma_semaphore, #tpu.memory_space<semaphore_mem>>)
    %dma_start3A_24 = tpu.memref_slice %arg3[%add3A_21] : memref<16384xi32, #tpu.memory_space<hbm>> -> memref<128xi32, #tpu.memory_space<hbm>>
    %dma_start3A_25 = tpu.memref_slice %arg3[%add3A_21] : memref<16384xi32, #tpu.memory_space<hbm>> -> memref<128xi32, #tpu.memory_space<hbm>>
    tpu.enqueue_dma source(%dma_start3A_25 : memref<128xi32, #tpu.memory_space<hbm>>) target(%arg15 : memref<128xi32, #tpu.memory_space<vmem>>) target_semaphore(%arg32 : memref<!tpu.dma_semaphore, #tpu.memory_space<semaphore_mem>>)
    %dma_wait3A = tpu.memref_slice %arg2[%add3A_4] : memref<16384xi32, #tpu.memory_space<hbm>> -> memref<128xi32, #tpu.memory_space<hbm>>
    %dma_wait3A_26 = tpu.memref_slice %arg2[%add3A_4] : memref<16384xi32, #tpu.memory_space<hbm>> -> memref<128xi32, #tpu.memory_space<hbm>>
    tpu.wait_dma2 semaphore(%arg32 : memref<!tpu.dma_semaphore, #tpu.memory_space<semaphore_mem>>) src(%dma_wait3A_26 : memref<128xi32, #tpu.memory_space<hbm>>) dst(%arg8 : memref<128xi32, #tpu.memory_space<vmem>>)
    %dma_wait3A_27 = tpu.memref_slice %arg3[%add3A_4] : memref<16384xi32, #tpu.memory_space<hbm>> -> memref<128xi32, #tpu.memory_space<hbm>>
    %dma_wait3A_28 = tpu.memref_slice %arg3[%add3A_4] : memref<16384xi32, #tpu.memory_space<hbm>> -> memref<128xi32, #tpu.memory_space<hbm>>
    tpu.wait_dma2 semaphore(%arg32 : memref<!tpu.dma_semaphore, #tpu.memory_space<semaphore_mem>>) src(%dma_wait3A_28 : memref<128xi32, #tpu.memory_space<hbm>>) dst(%arg12 : memref<128xi32, #tpu.memory_space<vmem>>)
    %dma_wait3A_29 = tpu.memref_slice %arg2[%add3A_9] : memref<16384xi32, #tpu.memory_space<hbm>> -> memref<128xi32, #tpu.memory_space<hbm>>
    %dma_wait3A_30 = tpu.memref_slice %arg2[%add3A_9] : memref<16384xi32, #tpu.memory_space<hbm>> -> memref<128xi32, #tpu.memory_space<hbm>>
    tpu.wait_dma2 semaphore(%arg32 : memref<!tpu.dma_semaphore, #tpu.memory_space<semaphore_mem>>) src(%dma_wait3A_30 : memref<128xi32, #tpu.memory_space<hbm>>) dst(%arg9 : memref<128xi32, #tpu.memory_space<vmem>>)
    %dma_wait3A_31 = tpu.memref_slice %arg3[%add3A_9] : memref<16384xi32, #tpu.memory_space<hbm>> -> memref<128xi32, #tpu.memory_space<hbm>>
    %dma_wait3A_32 = tpu.memref_slice %arg3[%add3A_9] : memref<16384xi32, #tpu.memory_space<hbm>> -> memref<128xi32, #tpu.memory_space<hbm>>
    tpu.wait_dma2 semaphore(%arg32 : memref<!tpu.dma_semaphore, #tpu.memory_space<semaphore_mem>>) src(%dma_wait3A_32 : memref<128xi32, #tpu.memory_space<hbm>>) dst(%arg13 : memref<128xi32, #tpu.memory_space<vmem>>)
    %dma_wait3A_33 = tpu.memref_slice %arg2[%add3A_15] : memref<16384xi32, #tpu.memory_space<hbm>> -> memref<128xi32, #tpu.memory_space<hbm>>
    %dma_wait3A_34 = tpu.memref_slice %arg2[%add3A_15] : memref<16384xi32, #tpu.memory_space<hbm>> -> memref<128xi32, #tpu.memory_space<hbm>>
    tpu.wait_dma2 semaphore(%arg32 : memref<!tpu.dma_semaphore, #tpu.memory_space<semaphore_mem>>) src(%dma_wait3A_34 : memref<128xi32, #tpu.memory_space<hbm>>) dst(%arg10 : memref<128xi32, #tpu.memory_space<vmem>>)
    %dma_wait3A_35 = tpu.memref_slice %arg3[%add3A_15] : memref<16384xi32, #tpu.memory_space<hbm>> -> memref<128xi32, #tpu.memory_space<hbm>>
    %dma_wait3A_36 = tpu.memref_slice %arg3[%add3A_15] : memref<16384xi32, #tpu.memory_space<hbm>> -> memref<128xi32, #tpu.memory_space<hbm>>
    tpu.wait_dma2 semaphore(%arg32 : memref<!tpu.dma_semaphore, #tpu.memory_space<semaphore_mem>>) src(%dma_wait3A_36 : memref<128xi32, #tpu.memory_space<hbm>>) dst(%arg14 : memref<128xi32, #tpu.memory_space<vmem>>)
    %dma_wait3A_37 = tpu.memref_slice %arg2[%add3A_21] : memref<16384xi32, #tpu.memory_space<hbm>> -> memref<128xi32, #tpu.memory_space<hbm>>
    %dma_wait3A_38 = tpu.memref_slice %arg2[%add3A_21] : memref<16384xi32, #tpu.memory_space<hbm>> -> memref<128xi32, #tpu.memory_space<hbm>>
    tpu.wait_dma2 semaphore(%arg32 : memref<!tpu.dma_semaphore, #tpu.memory_space<semaphore_mem>>) src(%dma_wait3A_38 : memref<128xi32, #tpu.memory_space<hbm>>) dst(%arg11 : memref<128xi32, #tpu.memory_space<vmem>>)
    %dma_wait3A_39 = tpu.memref_slice %arg3[%add3A_21] : memref<16384xi32, #tpu.memory_space<hbm>> -> memref<128xi32, #tpu.memory_space<hbm>>
    %dma_wait3A_40 = tpu.memref_slice %arg3[%add3A_21] : memref<16384xi32, #tpu.memory_space<hbm>> -> memref<128xi32, #tpu.memory_space<hbm>>
    tpu.wait_dma2 semaphore(%arg32 : memref<!tpu.dma_semaphore, #tpu.memory_space<semaphore_mem>>) src(%dma_wait3A_40 : memref<128xi32, #tpu.memory_space<hbm>>) dst(%arg15 : memref<128xi32, #tpu.memory_space<vmem>>)
    %dma_start3A_41 = arith.constant 0 : i32
    %dma_start3A_42 = tpu.memref_slice %arg4[%dma_start3A_41] : memref<1000000xf32, #tpu.memory_space<hbm>> -> memref<1000000xf32, #tpu.memory_space<hbm>>
    tpu.enqueue_indirect_dma source(%dma_start3A_42 : memref<1000000xf32, #tpu.memory_space<hbm>>) target(%arg16 : memref<128xf32, #tpu.memory_space<vmem>>) offsets(%arg8 : memref<128xi32, #tpu.memory_space<vmem>>) semaphore(%arg34 : memref<!tpu.dma_semaphore, #tpu.memory_space<semaphore_mem>>)
    %dma_start3A_43 = arith.constant 0 : i32
    %dma_start3A_44 = tpu.memref_slice %arg5[%dma_start3A_43] : memref<100000xf32, #tpu.memory_space<hbm>> -> memref<100000xf32, #tpu.memory_space<hbm>>
    tpu.enqueue_indirect_dma source(%dma_start3A_44 : memref<100000xf32, #tpu.memory_space<hbm>>) target(%arg20 : memref<128xf32, #tpu.memory_space<vmem>>) offsets(%arg12 : memref<128xi32, #tpu.memory_space<vmem>>) semaphore(%arg34 : memref<!tpu.dma_semaphore, #tpu.memory_space<semaphore_mem>>)
    %dma_start3A_45 = arith.constant 0 : i32
    %dma_start3A_46 = tpu.memref_slice %arg6[%dma_start3A_45] : memref<100000xf32, #tpu.memory_space<hbm>> -> memref<100000xf32, #tpu.memory_space<hbm>>
    tpu.enqueue_indirect_dma source(%dma_start3A_46 : memref<100000xf32, #tpu.memory_space<hbm>>) target(%arg24 : memref<128xf32, #tpu.memory_space<vmem>>) offsets(%arg12 : memref<128xi32, #tpu.memory_space<vmem>>) semaphore(%arg34 : memref<!tpu.dma_semaphore, #tpu.memory_space<semaphore_mem>>)
    %dma_start3A_47 = arith.constant 0 : i32
    %dma_start3A_48 = tpu.memref_slice %arg4[%dma_start3A_47] : memref<1000000xf32, #tpu.memory_space<hbm>> -> memref<1000000xf32, #tpu.memory_space<hbm>>
    tpu.enqueue_indirect_dma source(%dma_start3A_48 : memref<1000000xf32, #tpu.memory_space<hbm>>) target(%arg17 : memref<128xf32, #tpu.memory_space<vmem>>) offsets(%arg9 : memref<128xi32, #tpu.memory_space<vmem>>) semaphore(%arg35 : memref<!tpu.dma_semaphore, #tpu.memory_space<semaphore_mem>>)
    %dma_start3A_49 = arith.constant 0 : i32
    %dma_start3A_50 = tpu.memref_slice %arg5[%dma_start3A_49] : memref<100000xf32, #tpu.memory_space<hbm>> -> memref<100000xf32, #tpu.memory_space<hbm>>
    tpu.enqueue_indirect_dma source(%dma_start3A_50 : memref<100000xf32, #tpu.memory_space<hbm>>) target(%arg21 : memref<128xf32, #tpu.memory_space<vmem>>) offsets(%arg13 : memref<128xi32, #tpu.memory_space<vmem>>) semaphore(%arg35 : memref<!tpu.dma_semaphore, #tpu.memory_space<semaphore_mem>>)
    %dma_start3A_51 = arith.constant 0 : i32
    %dma_start3A_52 = tpu.memref_slice %arg6[%dma_start3A_51] : memref<100000xf32, #tpu.memory_space<hbm>> -> memref<100000xf32, #tpu.memory_space<hbm>>
    tpu.enqueue_indirect_dma source(%dma_start3A_52 : memref<100000xf32, #tpu.memory_space<hbm>>) target(%arg25 : memref<128xf32, #tpu.memory_space<vmem>>) offsets(%arg13 : memref<128xi32, #tpu.memory_space<vmem>>) semaphore(%arg35 : memref<!tpu.dma_semaphore, #tpu.memory_space<semaphore_mem>>)
    %dma_start3A_53 = arith.constant 0 : i32
    %dma_start3A_54 = tpu.memref_slice %arg4[%dma_start3A_53] : memref<1000000xf32, #tpu.memory_space<hbm>> -> memref<1000000xf32, #tpu.memory_space<hbm>>
    tpu.enqueue_indirect_dma source(%dma_start3A_54 : memref<1000000xf32, #tpu.memory_space<hbm>>) target(%arg18 : memref<128xf32, #tpu.memory_space<vmem>>) offsets(%arg10 : memref<128xi32, #tpu.memory_space<vmem>>) semaphore(%arg36 : memref<!tpu.dma_semaphore, #tpu.memory_space<semaphore_mem>>)
    %dma_start3A_55 = arith.constant 0 : i32
    %dma_start3A_56 = tpu.memref_slice %arg5[%dma_start3A_55] : memref<100000xf32, #tpu.memory_space<hbm>> -> memref<100000xf32, #tpu.memory_space<hbm>>
    tpu.enqueue_indirect_dma source(%dma_start3A_56 : memref<100000xf32, #tpu.memory_space<hbm>>) target(%arg22 : memref<128xf32, #tpu.memory_space<vmem>>) offsets(%arg14 : memref<128xi32, #tpu.memory_space<vmem>>) semaphore(%arg36 : memref<!tpu.dma_semaphore, #tpu.memory_space<semaphore_mem>>)
    %dma_start3A_57 = arith.constant 0 : i32
    %dma_start3A_58 = tpu.memref_slice %arg6[%dma_start3A_57] : memref<100000xf32, #tpu.memory_space<hbm>> -> memref<100000xf32, #tpu.memory_space<hbm>>
    tpu.enqueue_indirect_dma source(%dma_start3A_58 : memref<100000xf32, #tpu.memory_space<hbm>>) target(%arg26 : memref<128xf32, #tpu.memory_space<vmem>>) offsets(%arg14 : memref<128xi32, #tpu.memory_space<vmem>>) semaphore(%arg36 : memref<!tpu.dma_semaphore, #tpu.memory_space<semaphore_mem>>)
    %dma_start3A_59 = arith.constant 0 : i32
    %dma_start3A_60 = tpu.memref_slice %arg4[%dma_start3A_59] : memref<1000000xf32, #tpu.memory_space<hbm>> -> memref<1000000xf32, #tpu.memory_space<hbm>>
    tpu.enqueue_indirect_dma source(%dma_start3A_60 : memref<1000000xf32, #tpu.memory_space<hbm>>) target(%arg19 : memref<128xf32, #tpu.memory_space<vmem>>) offsets(%arg11 : memref<128xi32, #tpu.memory_space<vmem>>) semaphore(%arg37 : memref<!tpu.dma_semaphore, #tpu.memory_space<semaphore_mem>>)
    %dma_start3A_61 = arith.constant 0 : i32
    %dma_start3A_62 = tpu.memref_slice %arg5[%dma_start3A_61] : memref<100000xf32, #tpu.memory_space<hbm>> -> memref<100000xf32, #tpu.memory_space<hbm>>
    tpu.enqueue_indirect_dma source(%dma_start3A_62 : memref<100000xf32, #tpu.memory_space<hbm>>) target(%arg23 : memref<128xf32, #tpu.memory_space<vmem>>) offsets(%arg15 : memref<128xi32, #tpu.memory_space<vmem>>) semaphore(%arg37 : memref<!tpu.dma_semaphore, #tpu.memory_space<semaphore_mem>>)
    %dma_start3A_63 = arith.constant 0 : i32
    %dma_start3A_64 = tpu.memref_slice %arg6[%dma_start3A_63] : memref<100000xf32, #tpu.memory_space<hbm>> -> memref<100000xf32, #tpu.memory_space<hbm>>
    tpu.enqueue_indirect_dma source(%dma_start3A_64 : memref<100000xf32, #tpu.memory_space<hbm>>) target(%arg27 : memref<128xf32, #tpu.memory_space<vmem>>) offsets(%arg15 : memref<128xi32, #tpu.memory_space<vmem>>) semaphore(%arg37 : memref<!tpu.dma_semaphore, #tpu.memory_space<semaphore_mem>>)
    %dma_wait3A_65 = arith.constant 0 : i32
    %dma_wait3A_66 = tpu.memref_slice %arg4[%dma_wait3A_65] : memref<1000000xf32, #tpu.memory_space<hbm>> -> memref<1000000xf32, #tpu.memory_space<hbm>>
    tpu.wait_indirect_dma semaphore(%arg34 : memref<!tpu.dma_semaphore, #tpu.memory_space<semaphore_mem>>) src(%dma_wait3A_66 : memref<1000000xf32, #tpu.memory_space<hbm>>) dst(%arg16 : memref<128xf32, #tpu.memory_space<vmem>>)
    %dma_wait3A_67 = arith.constant 0 : i32
    %dma_wait3A_68 = tpu.memref_slice %arg5[%dma_wait3A_67] : memref<100000xf32, #tpu.memory_space<hbm>> -> memref<100000xf32, #tpu.memory_space<hbm>>
    tpu.wait_indirect_dma semaphore(%arg34 : memref<!tpu.dma_semaphore, #tpu.memory_space<semaphore_mem>>) src(%dma_wait3A_68 : memref<100000xf32, #tpu.memory_space<hbm>>) dst(%arg20 : memref<128xf32, #tpu.memory_space<vmem>>)
    %dma_wait3A_69 = arith.constant 0 : i32
    %dma_wait3A_70 = tpu.memref_slice %arg6[%dma_wait3A_69] : memref<100000xf32, #tpu.memory_space<hbm>> -> memref<100000xf32, #tpu.memory_space<hbm>>
    tpu.wait_indirect_dma semaphore(%arg34 : memref<!tpu.dma_semaphore, #tpu.memory_space<semaphore_mem>>) src(%dma_wait3A_70 : memref<100000xf32, #tpu.memory_space<hbm>>) dst(%arg24 : memref<128xf32, #tpu.memory_space<vmem>>)
    %get3A = arith.constant 0 : index
    %get3A_71 = tpu.vector_load %arg16[%get3A] {strides = array<i32>} : memref<128xf32, #tpu.memory_space<vmem>>, vector<16xf32>,
    %get3A_72 = vector.shape_cast %get3A_71 : vector<16xf32> to vector<16xf32>
    %get3A_73 = arith.constant 0 : index
    %get3A_74 = tpu.vector_load %arg20[%get3A_73] {strides = array<i32>} : memref<128xf32, #tpu.memory_space<vmem>>, vector<16xf32>,
    %get3A_75 = vector.shape_cast %get3A_74 : vector<16xf32> to vector<16xf32>
    %get3A_76 = arith.constant 0 : index
    %get3A_77 = tpu.vector_load %arg24[%get3A_76] {strides = array<i32>} : memref<128xf32, #tpu.memory_space<vmem>>, vector<16xf32>,
    %get3A_78 = vector.shape_cast %get3A_77 : vector<16xf32> to vector<16xf32>
    %max3A = arith.constant -6.000000e+01 : f32
    %max3A_79 = vector.broadcast %max3A : f32 to vector<16xf32>
    %max3A_80 = arith.maximumf %get3A_72, %max3A_79 : vector<16xf32>
    %min3A = arith.constant 6.000000e+01 : f32
    %min3A_81 = vector.broadcast %min3A : f32 to vector<16xf32>
    %min3A_82 = arith.minimumf %max3A_80, %min3A_81 : vector<16xf32>
    %max3A_83 = arith.constant -6.000000e+01 : f32
    %max3A_84 = vector.broadcast %max3A_83 : f32 to vector<16xf32>
    %max3A_85 = arith.maximumf %get3A_75, %max3A_84 : vector<16xf32>
    %min3A_86 = arith.constant 6.000000e+01 : f32
    %min3A_87 = vector.broadcast %min3A_86 : f32 to vector<16xf32>
    %min3A_88 = arith.minimumf %max3A_85, %min3A_87 : vector<16xf32>
    %max3A_89 = arith.constant -6.000000e+01 : f32
    %max3A_90 = vector.broadcast %max3A_89 : f32 to vector<16xf32>
    %max3A_91 = arith.maximumf %get3A_78, %max3A_90 : vector<16xf32>
    %min3A_92 = arith.constant 6.000000e+01 : f32
    %min3A_93 = vector.broadcast %min3A_92 : f32 to vector<16xf32>
    %min3A_94 = arith.minimumf %max3A_91, %min3A_93 : vector<16xf32>
    %neg3A = arith.constant 0.000000e+00 : f32
    %neg3A_95 = vector.broadcast %neg3A : f32 to vector<16xf32>
    %neg3A_96 = arith.subf %neg3A_95, %min3A_82 : vector<16xf32>
    %exp3A = math.exp %neg3A_96 : vector<16xf32>
    %neg3A_97 = arith.constant 0.000000e+00 : f32
    %neg3A_98 = vector.broadcast %neg3A_97 : f32 to vector<16xf32>
    %neg3A_99 = arith.subf %neg3A_98, %min3A_88 : vector<16xf32>
    %exp3A_100 = math.exp %neg3A_99 : vector<16xf32>
    %neg3A_101 = arith.constant 0.000000e+00 : f32
    %neg3A_102 = vector.broadcast %neg3A_101 : f32 to vector<16xf32>
    %neg3A_103 = arith.subf %neg3A_102, %min3A_94 : vector<16xf32>
    %exp3A_104 = math.exp %neg3A_103 : vector<16xf32>
    %sub3A = arith.subf %exp3A_100, %exp3A : vector<16xf32>
    %add3A_105 = arith.constant 1.000000e+00 : f32
    %add3A_106 = vector.broadcast %add3A_105 : f32 to vector<16xf32>
    %add3A_107 = arith.addf %add3A_106, %exp3A : vector<16xf32>
    %add3A_108 = arith.constant 1.000000e+00 : f32
    %add3A_109 = vector.broadcast %add3A_108 : f32 to vector<16xf32>
    %add3A_110 = arith.addf %add3A_109, %exp3A_100 : vector<16xf32>
    %mul3A_111 = arith.mulf %add3A_107, %add3A_110 : vector<16xf32>
    %add3A_112 = arith.constant 1.000000e+00 : f32
    %add3A_113 = vector.broadcast %add3A_112 : f32 to vector<16xf32>
    %add3A_114 = arith.addf %add3A_113, %exp3A_104 : vector<16xf32>
    %mul3A_115 = arith.mulf %mul3A_111, %add3A_114 : vector<16xf32>
    %mul3A_116 = arith.constant 2.720000e+01 : f32
    %mul3A_117 = vector.broadcast %mul3A_116 : f32 to vector<16xf32>
    %mul3A_118 = arith.mulf %mul3A_117, %sub3A : vector<16xf32>
    %div3A = arith.divf %mul3A_118, %mul3A_115 : vector<16xf32>
    %neg3A_119 = arith.constant 0.000000e+00 : f32
    %neg3A_120 = vector.broadcast %neg3A_119 : f32 to vector<16xf32>
    %neg3A_121 = arith.subf %neg3A_120, %div3A : vector<16xf32>
    %exp3A_122 = math.exp %neg3A_121 : vector<16xf32>
    %neg3A_123 = arith.constant 0.000000e+00 : f32
    %neg3A_124 = vector.broadcast %neg3A_123 : f32 to vector<16xf32>
    %neg3A_125 = arith.subf %neg3A_124, %exp3A_122 : vector<16xf32>
    %exp3A_126 = math.exp %neg3A_125 : vector<16xf32>
    %add3A_127 = arith.constant 1.000000e+00 : f32
    %add3A_128 = vector.broadcast %add3A_127 : f32 to vector<16xf32>
    %add3A_129 = arith.addf %add3A_128, %exp3A_126 : vector<16xf32>
    %div3A_130 = arith.constant 1.000000e+00 : f32
    %div3A_131 = vector.broadcast %div3A_130 : f32 to vector<16xf32>
    %div3A_132 = arith.divf %div3A_131, %add3A_129 : vector<16xf32>
    %swap3A = arith.constant 0 : index
    %swap3A_133 = tpu.vector_load %arg28[%swap3A] {strides = array<i32>} : memref<128xf32, #tpu.memory_space<vmem>>, vector<16xf32>,
    %swap3A_134 = vector.shape_cast %swap3A_133 : vector<16xf32> to vector<16xf32>
    %swap3A_135 = vector.shape_cast %div3A_132 : vector<16xf32> to vector<16xf32>
    tpu.vector_store %arg28[%swap3A], %swap3A_135 {strides = array<i32>} : memref<128xf32, #tpu.memory_space<vmem>>, vector<16xf32>,
    %get3A_136 = arith.constant 16 : index
    %get3A_137 = tpu.vector_load %arg16[%get3A_136] {strides = array<i32>} : memref<128xf32, #tpu.memory_space<vmem>>, vector<16xf32>,
    %get3A_138 = vector.shape_cast %get3A_137 : vector<16xf32> to vector<16xf32>
    %get3A_139 = arith.constant 16 : index
    %get3A_140 = tpu.vector_load %arg20[%get3A_139] {strides = array<i32>} : memref<128xf32, #tpu.memory_space<vmem>>, vector<16xf32>,
    %get3A_141 = vector.shape_cast %get3A_140 : vector<16xf32> to vector<16xf32>
    %get3A_142 = arith.constant 16 : index
    %get3A_143 = tpu.vector_load %arg24[%get3A_142] {strides = array<i32>} : memref<128xf32, #tpu.memory_space<vmem>>, vector<16xf32>,
    %get3A_144 = vector.shape_cast %get3A_143 : vector<16xf32> to vector<16xf32>
    %max3A_145 = arith.constant -6.000000e+01 : f32
    %max3A_146 = vector.broadcast %max3A_145 : f32 to vector<16xf32>
    %max3A_147 = arith.maximumf %get3A_138, %max3A_146 : vector<16xf32>
    %min3A_148 = arith.constant 6.000000e+01 : f32
    %min3A_149 = vector.broadcast %min3A_148 : f32 to vector<16xf32>
    %min3A_150 = arith.minimumf %max3A_147, %min3A_149 : vector<16xf32>
    %max3A_151 = arith.constant -6.000000e+01 : f32
    %max3A_152 = vector.broadcast %max3A_151 : f32 to vector<16xf32>
    %max3A_153 = arith.maximumf %get3A_141, %max3A_152 : vector<16xf32>
    %min3A_154 = arith.constant 6.000000e+01 : f32
    %min3A_155 = vector.broadcast %min3A_154 : f32 to vector<16xf32>
    %min3A_156 = arith.minimumf %max3A_153, %min3A_155 : vector<16xf32>
    %max3A_157 = arith.constant -6.000000e+01 : f32
    %max3A_158 = vector.broadcast %max3A_157 : f32 to vector<16xf32>
    %max3A_159 = arith.maximumf %get3A_144, %max3A_158 : vector<16xf32>
    %min3A_160 = arith.constant 6.000000e+01 : f32
    %min3A_161 = vector.broadcast %min3A_160 : f32 to vector<16xf32>
    %min3A_162 = arith.minimumf %max3A_159, %min3A_161 : vector<16xf32>
    %neg3A_163 = arith.constant 0.000000e+00 : f32
    %neg3A_164 = vector.broadcast %neg3A_163 : f32 to vector<16xf32>
    %neg3A_165 = arith.subf %neg3A_164, %min3A_150 : vector<16xf32>
    %exp3A_166 = math.exp %neg3A_165 : vector<16xf32>
    %neg3A_167 = arith.constant 0.000000e+00 : f32
    %neg3A_168 = vector.broadcast %neg3A_167 : f32 to vector<16xf32>
    %neg3A_169 = arith.subf %neg3A_168, %min3A_156 : vector<16xf32>
    %exp3A_170 = math.exp %neg3A_169 : vector<16xf32>
    %neg3A_171 = arith.constant 0.000000e+00 : f32
    %neg3A_172 = vector.broadcast %neg3A_171 : f32 to vector<16xf32>
    %neg3A_173 = arith.subf %neg3A_172, %min3A_162 : vector<16xf32>
    %exp3A_174 = math.exp %neg3A_173 : vector<16xf32>
    %sub3A_175 = arith.subf %exp3A_170, %exp3A_166 : vector<16xf32>
    %add3A_176 = arith.constant 1.000000e+00 : f32
    %add3A_177 = vector.broadcast %add3A_176 : f32 to vector<16xf32>
    %add3A_178 = arith.addf %add3A_177, %exp3A_166 : vector<16xf32>
    %add3A_179 = arith.constant 1.000000e+00 : f32
    %add3A_180 = vector.broadcast %add3A_179 : f32 to vector<16xf32>
    %add3A_181 = arith.addf %add3A_180, %exp3A_170 : vector<16xf32>
    %mul3A_182 = arith.mulf %add3A_178, %add3A_181 : vector<16xf32>
    %add3A_183 = arith.constant 1.000000e+00 : f32
    %add3A_184 = vector.broadcast %add3A_183 : f32 to vector<16xf32>
    %add3A_185 = arith.addf %add3A_184, %exp3A_174 : vector<16xf32>
    %mul3A_186 = arith.mulf %mul3A_182, %add3A_185 : vector<16xf32>
    %mul3A_187 = arith.constant 2.720000e+01 : f32
    %mul3A_188 = vector.broadcast %mul3A_187 : f32 to vector<16xf32>
    %mul3A_189 = arith.mulf %mul3A_188, %sub3A_175 : vector<16xf32>
    %div3A_190 = arith.divf %mul3A_189, %mul3A_186 : vector<16xf32>
    %neg3A_191 = arith.constant 0.000000e+00 : f32
    %neg3A_192 = vector.broadcast %neg3A_191 : f32 to vector<16xf32>
    %neg3A_193 = arith.subf %neg3A_192, %div3A_190 : vector<16xf32>
    %exp3A_194 = math.exp %neg3A_193 : vector<16xf32>
    %neg3A_195 = arith.constant 0.000000e+00 : f32
    %neg3A_196 = vector.broadcast %neg3A_195 : f32 to vector<16xf32>
    %neg3A_197 = arith.subf %neg3A_196, %exp3A_194 : vector<16xf32>
    %exp3A_198 = math.exp %neg3A_197 : vector<16xf32>
    %add3A_199 = arith.constant 1.000000e+00 : f32
    %add3A_200 = vector.broadcast %add3A_199 : f32 to vector<16xf32>
    %add3A_201 = arith.addf %add3A_200, %exp3A_198 : vector<16xf32>
    %div3A_202 = arith.constant 1.000000e+00 : f32
    %div3A_203 = vector.broadcast %div3A_202 : f32 to vector<16xf32>
    %div3A_204 = arith.divf %div3A_203, %add3A_201 : vector<16xf32>
    %swap3A_205 = arith.constant 16 : index
    %swap3A_206 = tpu.vector_load %arg28[%swap3A_205] {strides = array<i32>} : memref<128xf32, #tpu.memory_space<vmem>>, vector<16xf32>,
    %swap3A_207 = vector.shape_cast %swap3A_206 : vector<16xf32> to vector<16xf32>
    %swap3A_208 = vector.shape_cast %div3A_204 : vector<16xf32> to vector<16xf32>
    tpu.vector_store %arg28[%swap3A_205], %swap3A_208 {strides = array<i32>} : memref<128xf32, #tpu.memory_space<vmem>>, vector<16xf32>,
    %get3A_209 = arith.constant 32 : index
    %get3A_210 = tpu.vector_load %arg16[%get3A_209] {strides = array<i32>} : memref<128xf32, #tpu.memory_space<vmem>>, vector<16xf32>,
    %get3A_211 = vector.shape_cast %get3A_210 : vector<16xf32> to vector<16xf32>
    %get3A_212 = arith.constant 32 : index
    %get3A_213 = tpu.vector_load %arg20[%get3A_212] {strides = array<i32>} : memref<128xf32, #tpu.memory_space<vmem>>, vector<16xf32>,
    %get3A_214 = vector.shape_cast %get3A_213 : vector<16xf32> to vector<16xf32>
    %get3A_215 = arith.constant 32 : index
    %get3A_216 = tpu.vector_load %arg24[%get3A_215] {strides = array<i32>} : memref<128xf32, #tpu.memory_space<vmem>>, vector<16xf32>,
    %get3A_217 = vector.shape_cast %get3A_216 : vector<16xf32> to vector<16xf32>
    %max3A_218 = arith.constant -6.000000e+01 : f32
    %max3A_219 = vector.broadcast %max3A_218 : f32 to vector<16xf32>
    %max3A_220 = arith.maximumf %get3A_211, %max3A_219 : vector<16xf32>
    %min3A_221 = arith.constant 6.000000e+01 : f32
    %min3A_222 = vector.broadcast %min3A_221 : f32 to vector<16xf32>
    %min3A_223 = arith.minimumf %max3A_220, %min3A_222 : vector<16xf32>
    %max3A_224 = arith.constant -6.000000e+01 : f32
    %max3A_225 = vector.broadcast %max3A_224 : f32 to vector<16xf32>
    %max3A_226 = arith.maximumf %get3A_214, %max3A_225 : vector<16xf32>
    %min3A_227 = arith.constant 6.000000e+01 : f32
    %min3A_228 = vector.broadcast %min3A_227 : f32 to vector<16xf32>
    %min3A_229 = arith.minimumf %max3A_226, %min3A_228 : vector<16xf32>
    %max3A_230 = arith.constant -6.000000e+01 : f32
    %max3A_231 = vector.broadcast %max3A_230 : f32 to vector<16xf32>
    %max3A_232 = arith.maximumf %get3A_217, %max3A_231 : vector<16xf32>
    %min3A_233 = arith.constant 6.000000e+01 : f32
    %min3A_234 = vector.broadcast %min3A_233 : f32 to vector<16xf32>
    %min3A_235 = arith.minimumf %max3A_232, %min3A_234 : vector<16xf32>
    %neg3A_236 = arith.constant 0.000000e+00 : f32
    %neg3A_237 = vector.broadcast %neg3A_236 : f32 to vector<16xf32>
    %neg3A_238 = arith.subf %neg3A_237, %min3A_223 : vector<16xf32>
    %exp3A_239 = math.exp %neg3A_238 : vector<16xf32>
    %neg3A_240 = arith.constant 0.000000e+00 : f32
    %neg3A_241 = vector.broadcast %neg3A_240 : f32 to vector<16xf32>
    %neg3A_242 = arith.subf %neg3A_241, %min3A_229 : vector<16xf32>
    %exp3A_243 = math.exp %neg3A_242 : vector<16xf32>
    %neg3A_244 = arith.constant 0.000000e+00 : f32
    %neg3A_245 = vector.broadcast %neg3A_244 : f32 to vector<16xf32>
    %neg3A_246 = arith.subf %neg3A_245, %min3A_235 : vector<16xf32>
    %exp3A_247 = math.exp %neg3A_246 : vector<16xf32>
    %sub3A_248 = arith.subf %exp3A_243, %exp3A_239 : vector<16xf32>
    %add3A_249 = arith.constant 1.000000e+00 : f32
    %add3A_250 = vector.broadcast %add3A_249 : f32 to vector<16xf32>
    %add3A_251 = arith.addf %add3A_250, %exp3A_239 : vector<16xf32>
    %add3A_252 = arith.constant 1.000000e+00 : f32
    %add3A_253 = vector.broadcast %add3A_252 : f32 to vector<16xf32>
    %add3A_254 = arith.addf %add3A_253, %exp3A_243 : vector<16xf32>
    %mul3A_255 = arith.mulf %add3A_251, %add3A_254 : vector<16xf32>
    %add3A_256 = arith.constant 1.000000e+00 : f32
    %add3A_257 = vector.broadcast %add3A_256 : f32 to vector<16xf32>
    %add3A_258 = arith.addf %add3A_257, %exp3A_247 : vector<16xf32>
    %mul3A_259 = arith.mulf %mul3A_255, %add3A_258 : vector<16xf32>
    %mul3A_260 = arith.constant 2.720000e+01 : f32
    %mul3A_261 = vector.broadcast %mul3A_260 : f32 to vector<16xf32>
    %mul3A_262 = arith.mulf %mul3A_261, %sub3A_248 : vector<16xf32>
    %div3A_263 = arith.divf %mul3A_262, %mul3A_259 : vector<16xf32>
    %neg3A_264 = arith.constant 0.000000e+00 : f32
    %neg3A_265 = vector.broadcast %neg3A_264 : f32 to vector<16xf32>
    %neg3A_266 = arith.subf %neg3A_265, %div3A_263 : vector<16xf32>
    %exp3A_267 = math.exp %neg3A_266 : vector<16xf32>
    %neg3A_268 = arith.constant 0.000000e+00 : f32
    %neg3A_269 = vector.broadcast %neg3A_268 : f32 to vector<16xf32>
    %neg3A_270 = arith.subf %neg3A_269, %exp3A_267 : vector<16xf32>
    %exp3A_271 = math.exp %neg3A_270 : vector<16xf32>
    %add3A_272 = arith.constant 1.000000e+00 : f32
    %add3A_273 = vector.broadcast %add3A_272 : f32 to vector<16xf32>
    %add3A_274 = arith.addf %add3A_273, %exp3A_271 : vector<16xf32>
    %div3A_275 = arith.constant 1.000000e+00 : f32
    %div3A_276 = vector.broadcast %div3A_275 : f32 to vector<16xf32>
    %div3A_277 = arith.divf %div3A_276, %add3A_274 : vector<16xf32>
    %swap3A_278 = arith.constant 32 : index
    %swap3A_279 = tpu.vector_load %arg28[%swap3A_278] {strides = array<i32>} : memref<128xf32, #tpu.memory_space<vmem>>, vector<16xf32>,
    %swap3A_280 = vector.shape_cast %swap3A_279 : vector<16xf32> to vector<16xf32>
    %swap3A_281 = vector.shape_cast %div3A_277 : vector<16xf32> to vector<16xf32>
    tpu.vector_store %arg28[%swap3A_278], %swap3A_281 {strides = array<i32>} : memref<128xf32, #tpu.memory_space<vmem>>, vector<16xf32>,
    %get3A_282 = arith.constant 48 : index
    %get3A_283 = tpu.vector_load %arg16[%get3A_282] {strides = array<i32>} : memref<128xf32, #tpu.memory_space<vmem>>, vector<16xf32>,
    %get3A_284 = vector.shape_cast %get3A_283 : vector<16xf32> to vector<16xf32>
    %get3A_285 = arith.constant 48 : index
    %get3A_286 = tpu.vector_load %arg20[%get3A_285] {strides = array<i32>} : memref<128xf32, #tpu.memory_space<vmem>>, vector<16xf32>,
    %get3A_287 = vector.shape_cast %get3A_286 : vector<16xf32> to vector<16xf32>
    %get3A_288 = arith.constant 48 : index
    %get3A_289 = tpu.vector_load %arg24[%get3A_288] {strides = array<i32>} : memref<128xf32, #tpu.memory_space<vmem>>, vector<16xf32>,
    %get3A_290 = vector.shape_cast %get3A_289 : vector<16xf32> to vector<16xf32>
    %max3A_291 = arith.constant -6.000000e+01 : f32
    %max3A_292 = vector.broadcast %max3A_291 : f32 to vector<16xf32>
    %max3A_293 = arith.maximumf %get3A_284, %max3A_292 : vector<16xf32>
    %min3A_294 = arith.constant 6.000000e+01 : f32
    %min3A_295 = vector.broadcast %min3A_294 : f32 to vector<16xf32>
    %min3A_296 = arith.minimumf %max3A_293, %min3A_295 : vector<16xf32>
    %max3A_297 = arith.constant -6.000000e+01 : f32
    %max3A_298 = vector.broadcast %max3A_297 : f32 to vector<16xf32>
    %max3A_299 = arith.maximumf %get3A_287, %max3A_298 : vector<16xf32>
    %min3A_300 = arith.constant 6.000000e+01 : f32
    %min3A_301 = vector.broadcast %min3A_300 : f32 to vector<16xf32>
    %min3A_302 = arith.minimumf %max3A_299, %min3A_301 : vector<16xf32>
    %max3A_303 = arith.constant -6.000000e+01 : f32
    %max3A_304 = vector.broadcast %max3A_303 : f32 to vector<16xf32>
    %max3A_305 = arith.maximumf %get3A_290, %max3A_304 : vector<16xf32>
    %min3A_306 = arith.constant 6.000000e+01 : f32
    %min3A_307 = vector.broadcast %min3A_306 : f32 to vector<16xf32>
    %min3A_308 = arith.minimumf %max3A_305, %min3A_307 : vector<16xf32>
    %neg3A_309 = arith.constant 0.000000e+00 : f32
    %neg3A_310 = vector.broadcast %neg3A_309 : f32 to vector<16xf32>
    %neg3A_311 = arith.subf %neg3A_310, %min3A_296 : vector<16xf32>
    %exp3A_312 = math.exp %neg3A_311 : vector<16xf32>
    %neg3A_313 = arith.constant 0.000000e+00 : f32
    %neg3A_314 = vector.broadcast %neg3A_313 : f32 to vector<16xf32>
    %neg3A_315 = arith.subf %neg3A_314, %min3A_302 : vector<16xf32>
    %exp3A_316 = math.exp %neg3A_315 : vector<16xf32>
    %neg3A_317 = arith.constant 0.000000e+00 : f32
    %neg3A_318 = vector.broadcast %neg3A_317 : f32 to vector<16xf32>
    %neg3A_319 = arith.subf %neg3A_318, %min3A_308 : vector<16xf32>
    %exp3A_320 = math.exp %neg3A_319 : vector<16xf32>
    %sub3A_321 = arith.subf %exp3A_316, %exp3A_312 : vector<16xf32>
    %add3A_322 = arith.constant 1.000000e+00 : f32
    %add3A_323 = vector.broadcast %add3A_322 : f32 to vector<16xf32>
    %add3A_324 = arith.addf %add3A_323, %exp3A_312 : vector<16xf32>
    %add3A_325 = arith.constant 1.000000e+00 : f32
    %add3A_326 = vector.broadcast %add3A_325 : f32 to vector<16xf32>
    %add3A_327 = arith.addf %add3A_326, %exp3A_316 : vector<16xf32>
    %mul3A_328 = arith.mulf %add3A_324, %add3A_327 : vector<16xf32>
    %add3A_329 = arith.constant 1.000000e+00 : f32
    %add3A_330 = vector.broadcast %add3A_329 : f32 to vector<16xf32>
    %add3A_331 = arith.addf %add3A_330, %exp3A_320 : vector<16xf32>
    %mul3A_332 = arith.mulf %mul3A_328, %add3A_331 : vector<16xf32>
    %mul3A_333 = arith.constant 2.720000e+01 : f32
    %mul3A_334 = vector.broadcast %mul3A_333 : f32 to vector<16xf32>
    %mul3A_335 = arith.mulf %mul3A_334, %sub3A_321 : vector<16xf32>
    %div3A_336 = arith.divf %mul3A_335, %mul3A_332 : vector<16xf32>
    %neg3A_337 = arith.constant 0.000000e+00 : f32
    %neg3A_338 = vector.broadcast %neg3A_337 : f32 to vector<16xf32>
    %neg3A_339 = arith.subf %neg3A_338, %div3A_336 : vector<16xf32>
    %exp3A_340 = math.exp %neg3A_339 : vector<16xf32>
    %neg3A_341 = arith.constant 0.000000e+00 : f32
    %neg3A_342 = vector.broadcast %neg3A_341 : f32 to vector<16xf32>
    %neg3A_343 = arith.subf %neg3A_342, %exp3A_340 : vector<16xf32>
    %exp3A_344 = math.exp %neg3A_343 : vector<16xf32>
    %add3A_345 = arith.constant 1.000000e+00 : f32
    %add3A_346 = vector.broadcast %add3A_345 : f32 to vector<16xf32>
    %add3A_347 = arith.addf %add3A_346, %exp3A_344 : vector<16xf32>
    %div3A_348 = arith.constant 1.000000e+00 : f32
    %div3A_349 = vector.broadcast %div3A_348 : f32 to vector<16xf32>
    %div3A_350 = arith.divf %div3A_349, %add3A_347 : vector<16xf32>
    %swap3A_351 = arith.constant 48 : index
    %swap3A_352 = tpu.vector_load %arg28[%swap3A_351] {strides = array<i32>} : memref<128xf32, #tpu.memory_space<vmem>>, vector<16xf32>,
    %swap3A_353 = vector.shape_cast %swap3A_352 : vector<16xf32> to vector<16xf32>
    %swap3A_354 = vector.shape_cast %div3A_350 : vector<16xf32> to vector<16xf32>
    tpu.vector_store %arg28[%swap3A_351], %swap3A_354 {strides = array<i32>} : memref<128xf32, #tpu.memory_space<vmem>>, vector<16xf32>,
    %get3A_355 = arith.constant 64 : index
    %get3A_356 = tpu.vector_load %arg16[%get3A_355] {strides = array<i32>} : memref<128xf32, #tpu.memory_space<vmem>>, vector<16xf32>,
    %get3A_357 = vector.shape_cast %get3A_356 : vector<16xf32> to vector<16xf32>
    %get3A_358 = arith.constant 64 : index
    %get3A_359 = tpu.vector_load %arg20[%get3A_358] {strides = array<i32>} : memref<128xf32, #tpu.memory_space<vmem>>, vector<16xf32>,
    %get3A_360 = vector.shape_cast %get3A_359 : vector<16xf32> to vector<16xf32>
    %get3A_361 = arith.constant 64 : index
    %get3A_362 = tpu.vector_load %arg24[%get3A_361] {strides = array<i32>} : memref<128xf32, #tpu.memory_space<vmem>>, vector<16xf32>,
    %get3A_363 = vector.shape_cast %get3A_362 : vector<16xf32> to vector<16xf32>
    %max3A_364 = arith.constant -6.000000e+01 : f32
    %max3A_365 = vector.broadcast %max3A_364 : f32 to vector<16xf32>
    %max3A_366 = arith.maximumf %get3A_357, %max3A_365 : vector<16xf32>
    %min3A_367 = arith.constant 6.000000e+01 : f32
    %min3A_368 = vector.broadcast %min3A_367 : f32 to vector<16xf32>
    %min3A_369 = arith.minimumf %max3A_366, %min3A_368 : vector<16xf32>
    %max3A_370 = arith.constant -6.000000e+01 : f32
    %max3A_371 = vector.broadcast %max3A_370 : f32 to vector<16xf32>
    %max3A_372 = arith.maximumf %get3A_360, %max3A_371 : vector<16xf32>
    %min3A_373 = arith.constant 6.000000e+01 : f32
    %min3A_374 = vector.broadcast %min3A_373 : f32 to vector<16xf32>
    %min3A_375 = arith.minimumf %max3A_372, %min3A_374 : vector<16xf32>
    %max3A_376 = arith.constant -6.000000e+01 : f32
    %max3A_377 = vector.broadcast %max3A_376 : f32 to vector<16xf32>
    %max3A_378 = arith.maximumf %get3A_363, %max3A_377 : vector<16xf32>
    %min3A_379 = arith.constant 6.000000e+01 : f32
    %min3A_380 = vector.broadcast %min3A_379 : f32 to vector<16xf32>
    %min3A_381 = arith.minimumf %max3A_378, %min3A_380 : vector<16xf32>
    %neg3A_382 = arith.constant 0.000000e+00 : f32
    %neg3A_383 = vector.broadcast %neg3A_382 : f32 to vector<16xf32>
    %neg3A_384 = arith.subf %neg3A_383, %min3A_369 : vector<16xf32>
    %exp3A_385 = math.exp %neg3A_384 : vector<16xf32>
    %neg3A_386 = arith.constant 0.000000e+00 : f32
    %neg3A_387 = vector.broadcast %neg3A_386 : f32 to vector<16xf32>
    %neg3A_388 = arith.subf %neg3A_387, %min3A_375 : vector<16xf32>
    %exp3A_389 = math.exp %neg3A_388 : vector<16xf32>
    %neg3A_390 = arith.constant 0.000000e+00 : f32
    %neg3A_391 = vector.broadcast %neg3A_390 : f32 to vector<16xf32>
    %neg3A_392 = arith.subf %neg3A_391, %min3A_381 : vector<16xf32>
    %exp3A_393 = math.exp %neg3A_392 : vector<16xf32>
    %sub3A_394 = arith.subf %exp3A_389, %exp3A_385 : vector<16xf32>
    %add3A_395 = arith.constant 1.000000e+00 : f32
    %add3A_396 = vector.broadcast %add3A_395 : f32 to vector<16xf32>
    %add3A_397 = arith.addf %add3A_396, %exp3A_385 : vector<16xf32>
    %add3A_398 = arith.constant 1.000000e+00 : f32
    %add3A_399 = vector.broadcast %add3A_398 : f32 to vector<16xf32>
    %add3A_400 = arith.addf %add3A_399, %exp3A_389 : vector<16xf32>
    %mul3A_401 = arith.mulf %add3A_397, %add3A_400 : vector<16xf32>
    %add3A_402 = arith.constant 1.000000e+00 : f32
    %add3A_403 = vector.broadcast %add3A_402 : f32 to vector<16xf32>
    %add3A_404 = arith.addf %add3A_403, %exp3A_393 : vector<16xf32>
    %mul3A_405 = arith.mulf %mul3A_401, %add3A_404 : vector<16xf32>
    %mul3A_406 = arith.constant 2.720000e+01 : f32
    %mul3A_407 = vector.broadcast %mul3A_406 : f32 to vector<16xf32>
    %mul3A_408 = arith.mulf %mul3A_407, %sub3A_394 : vector<16xf32>
    %div3A_409 = arith.divf %mul3A_408, %mul3A_405 : vector<16xf32>
    %neg3A_410 = arith.constant 0.000000e+00 : f32
    %neg3A_411 = vector.broadcast %neg3A_410 : f32 to vector<16xf32>
    %neg3A_412 = arith.subf %neg3A_411, %div3A_409 : vector<16xf32>
    %exp3A_413 = math.exp %neg3A_412 : vector<16xf32>
    %neg3A_414 = arith.constant 0.000000e+00 : f32
    %neg3A_415 = vector.broadcast %neg3A_414 : f32 to vector<16xf32>
    %neg3A_416 = arith.subf %neg3A_415, %exp3A_413 : vector<16xf32>
    %exp3A_417 = math.exp %neg3A_416 : vector<16xf32>
    %add3A_418 = arith.constant 1.000000e+00 : f32
    %add3A_419 = vector.broadcast %add3A_418 : f32 to vector<16xf32>
    %add3A_420 = arith.addf %add3A_419, %exp3A_417 : vector<16xf32>
    %div3A_421 = arith.constant 1.000000e+00 : f32
    %div3A_422 = vector.broadcast %div3A_421 : f32 to vector<16xf32>
    %div3A_423 = arith.divf %div3A_422, %add3A_420 : vector<16xf32>
    %swap3A_424 = arith.constant 64 : index
    %swap3A_425 = tpu.vector_load %arg28[%swap3A_424] {strides = array<i32>} : memref<128xf32, #tpu.memory_space<vmem>>, vector<16xf32>,
    %swap3A_426 = vector.shape_cast %swap3A_425 : vector<16xf32> to vector<16xf32>
    %swap3A_427 = vector.shape_cast %div3A_423 : vector<16xf32> to vector<16xf32>
    tpu.vector_store %arg28[%swap3A_424], %swap3A_427 {strides = array<i32>} : memref<128xf32, #tpu.memory_space<vmem>>, vector<16xf32>,
    %get3A_428 = arith.constant 80 : index
    %get3A_429 = tpu.vector_load %arg16[%get3A_428] {strides = array<i32>} : memref<128xf32, #tpu.memory_space<vmem>>, vector<16xf32>,
    %get3A_430 = vector.shape_cast %get3A_429 : vector<16xf32> to vector<16xf32>
    %get3A_431 = arith.constant 80 : index
    %get3A_432 = tpu.vector_load %arg20[%get3A_431] {strides = array<i32>} : memref<128xf32, #tpu.memory_space<vmem>>, vector<16xf32>,
    %get3A_433 = vector.shape_cast %get3A_432 : vector<16xf32> to vector<16xf32>
    %get3A_434 = arith.constant 80 : index
    %get3A_435 = tpu.vector_load %arg24[%get3A_434] {strides = array<i32>} : memref<128xf32, #tpu.memory_space<vmem>>, vector<16xf32>,
    %get3A_436 = vector.shape_cast %get3A_435 : vector<16xf32> to vector<16xf32>
    %max3A_437 = arith.constant -6.000000e+01 : f32
    %max3A_438 = vector.broadcast %max3A_437 : f32 to vector<16xf32>
    %max3A_439 = arith.maximumf %get3A_430, %max3A_438 : vector<16xf32>
    %min3A_440 = arith.constant 6.000000e+01 : f32
    %min3A_441 = vector.broadcast %min3A_440 : f32 to vector<16xf32>
    %min3A_442 = arith.minimumf %max3A_439, %min3A_441 : vector<16xf32>
    %max3A_443 = arith.constant -6.000000e+01 : f32
    %max3A_444 = vector.broadcast %max3A_443 : f32 to vector<16xf32>
    %max3A_445 = arith.maximumf %get3A_433, %max3A_444 : vector<16xf32>
    %min3A_446 = arith.constant 6.000000e+01 : f32
    %min3A_447 = vector.broadcast %min3A_446 : f32 to vector<16xf32>
    %min3A_448 = arith.minimumf %max3A_445, %min3A_447 : vector<16xf32>
    %max3A_449 = arith.constant -6.000000e+01 : f32
    %max3A_450 = vector.broadcast %max3A_449 : f32 to vector<16xf32>
    %max3A_451 = arith.maximumf %get3A_436, %max3A_450 : vector<16xf32>
    %min3A_452 = arith.constant 6.000000e+01 : f32
    %min3A_453 = vector.broadcast %min3A_452 : f32 to vector<16xf32>
    %min3A_454 = arith.minimumf %max3A_451, %min3A_453 : vector<16xf32>
    %neg3A_455 = arith.constant 0.000000e+00 : f32
    %neg3A_456 = vector.broadcast %neg3A_455 : f32 to vector<16xf32>
    %neg3A_457 = arith.subf %neg3A_456, %min3A_442 : vector<16xf32>
    %exp3A_458 = math.exp %neg3A_457 : vector<16xf32>
    %neg3A_459 = arith.constant 0.000000e+00 : f32
    %neg3A_460 = vector.broadcast %neg3A_459 : f32 to vector<16xf32>
    %neg3A_461 = arith.subf %neg3A_460, %min3A_448 : vector<16xf32>
    %exp3A_462 = math.exp %neg3A_461 : vector<16xf32>
    %neg3A_463 = arith.constant 0.000000e+00 : f32
    %neg3A_464 = vector.broadcast %neg3A_463 : f32 to vector<16xf32>
    %neg3A_465 = arith.subf %neg3A_464, %min3A_454 : vector<16xf32>
    %exp3A_466 = math.exp %neg3A_465 : vector<16xf32>
    %sub3A_467 = arith.subf %exp3A_462, %exp3A_458 : vector<16xf32>
    %add3A_468 = arith.constant 1.000000e+00 : f32
    %add3A_469 = vector.broadcast %add3A_468 : f32 to vector<16xf32>
    %add3A_470 = arith.addf %add3A_469, %exp3A_458 : vector<16xf32>
    %add3A_471 = arith.constant 1.000000e+00 : f32
    %add3A_472 = vector.broadcast %add3A_471 : f32 to vector<16xf32>
    %add3A_473 = arith.addf %add3A_472, %exp3A_462 : vector<16xf32>
    %mul3A_474 = arith.mulf %add3A_470, %add3A_473 : vector<16xf32>
    %add3A_475 = arith.constant 1.000000e+00 : f32
    %add3A_476 = vector.broadcast %add3A_475 : f32 to vector<16xf32>
    %add3A_477 = arith.addf %add3A_476, %exp3A_466 : vector<16xf32>
    %mul3A_478 = arith.mulf %mul3A_474, %add3A_477 : vector<16xf32>
    %mul3A_479 = arith.constant 2.720000e+01 : f32
    %mul3A_480 = vector.broadcast %mul3A_479 : f32 to vector<16xf32>
    %mul3A_481 = arith.mulf %mul3A_480, %sub3A_467 : vector<16xf32>
    %div3A_482 = arith.divf %mul3A_481, %mul3A_478 : vector<16xf32>
    %neg3A_483 = arith.constant 0.000000e+00 : f32
    %neg3A_484 = vector.broadcast %neg3A_483 : f32 to vector<16xf32>
    %neg3A_485 = arith.subf %neg3A_484, %div3A_482 : vector<16xf32>
    %exp3A_486 = math.exp %neg3A_485 : vector<16xf32>
    %neg3A_487 = arith.constant 0.000000e+00 : f32
    %neg3A_488 = vector.broadcast %neg3A_487 : f32 to vector<16xf32>
    %neg3A_489 = arith.subf %neg3A_488, %exp3A_486 : vector<16xf32>
    %exp3A_490 = math.exp %neg3A_489 : vector<16xf32>
    %add3A_491 = arith.constant 1.000000e+00 : f32
    %add3A_492 = vector.broadcast %add3A_491 : f32 to vector<16xf32>
    %add3A_493 = arith.addf %add3A_492, %exp3A_490 : vector<16xf32>
    %div3A_494 = arith.constant 1.000000e+00 : f32
    %div3A_495 = vector.broadcast %div3A_494 : f32 to vector<16xf32>
    %div3A_496 = arith.divf %div3A_495, %add3A_493 : vector<16xf32>
    %swap3A_497 = arith.constant 80 : index
    %swap3A_498 = tpu.vector_load %arg28[%swap3A_497] {strides = array<i32>} : memref<128xf32, #tpu.memory_space<vmem>>, vector<16xf32>,
    %swap3A_499 = vector.shape_cast %swap3A_498 : vector<16xf32> to vector<16xf32>
    %swap3A_500 = vector.shape_cast %div3A_496 : vector<16xf32> to vector<16xf32>
    tpu.vector_store %arg28[%swap3A_497], %swap3A_500 {strides = array<i32>} : memref<128xf32, #tpu.memory_space<vmem>>, vector<16xf32>,
    %get3A_501 = arith.constant 96 : index
    %get3A_502 = tpu.vector_load %arg16[%get3A_501] {strides = array<i32>} : memref<128xf32, #tpu.memory_space<vmem>>, vector<16xf32>,
    %get3A_503 = vector.shape_cast %get3A_502 : vector<16xf32> to vector<16xf32>
    %get3A_504 = arith.constant 96 : index
    %get3A_505 = tpu.vector_load %arg20[%get3A_504] {strides = array<i32>} : memref<128xf32, #tpu.memory_space<vmem>>, vector<16xf32>,
    %get3A_506 = vector.shape_cast %get3A_505 : vector<16xf32> to vector<16xf32>
    %get3A_507 = arith.constant 96 : index
    %get3A_508 = tpu.vector_load %arg24[%get3A_507] {strides = array<i32>} : memref<128xf32, #tpu.memory_space<vmem>>, vector<16xf32>,
    %get3A_509 = vector.shape_cast %get3A_508 : vector<16xf32> to vector<16xf32>
    %max3A_510 = arith.constant -6.000000e+01 : f32
    %max3A_511 = vector.broadcast %max3A_510 : f32 to vector<16xf32>
    %max3A_512 = arith.maximumf %get3A_503, %max3A_511 : vector<16xf32>
    %min3A_513 = arith.constant 6.000000e+01 : f32
    %min3A_514 = vector.broadcast %min3A_513 : f32 to vector<16xf32>
    %min3A_515 = arith.minimumf %max3A_512, %min3A_514 : vector<16xf32>
    %max3A_516 = arith.constant -6.000000e+01 : f32
    %max3A_517 = vector.broadcast %max3A_516 : f32 to vector<16xf32>
    %max3A_518 = arith.maximumf %get3A_506, %max3A_517 : vector<16xf32>
    %min3A_519 = arith.constant 6.000000e+01 : f32
    %min3A_520 = vector.broadcast %min3A_519 : f32 to vector<16xf32>
    %min3A_521 = arith.minimumf %max3A_518, %min3A_520 : vector<16xf32>
    %max3A_522 = arith.constant -6.000000e+01 : f32
    %max3A_523 = vector.broadcast %max3A_522 : f32 to vector<16xf32>
    %max3A_524 = arith.maximumf %get3A_509, %max3A_523 : vector<16xf32>
    %min3A_525 = arith.constant 6.000000e+01 : f32
    %min3A_526 = vector.broadcast %min3A_525 : f32 to vector<16xf32>
    %min3A_527 = arith.minimumf %max3A_524, %min3A_526 : vector<16xf32>
    %neg3A_528 = arith.constant 0.000000e+00 : f32
    %neg3A_529 = vector.broadcast %neg3A_528 : f32 to vector<16xf32>
    %neg3A_530 = arith.subf %neg3A_529, %min3A_515 : vector<16xf32>
    %exp3A_531 = math.exp %neg3A_530 : vector<16xf32>
    %neg3A_532 = arith.constant 0.000000e+00 : f32
    %neg3A_533 = vector.broadcast %neg3A_532 : f32 to vector<16xf32>
    %neg3A_534 = arith.subf %neg3A_533, %min3A_521 : vector<16xf32>
    %exp3A_535 = math.exp %neg3A_534 : vector<16xf32>
    %neg3A_536 = arith.constant 0.000000e+00 : f32
    %neg3A_537 = vector.broadcast %neg3A_536 : f32 to vector<16xf32>
    %neg3A_538 = arith.subf %neg3A_537, %min3A_527 : vector<16xf32>
    %exp3A_539 = math.exp %neg3A_538 : vector<16xf32>
    %sub3A_540 = arith.subf %exp3A_535, %exp3A_531 : vector<16xf32>
    %add3A_541 = arith.constant 1.000000e+00 : f32
    %add3A_542 = vector.broadcast %add3A_541 : f32 to vector<16xf32>
    %add3A_543 = arith.addf %add3A_542, %exp3A_531 : vector<16xf32>
    %add3A_544 = arith.constant 1.000000e+00 : f32
    %add3A_545 = vector.broadcast %add3A_544 : f32 to vector<16xf32>
    %add3A_546 = arith.addf %add3A_545, %exp3A_535 : vector<16xf32>
    %mul3A_547 = arith.mulf %add3A_543, %add3A_546 : vector<16xf32>
    %add3A_548 = arith.constant 1.000000e+00 : f32
    %add3A_549 = vector.broadcast %add3A_548 : f32 to vector<16xf32>
    %add3A_550 = arith.addf %add3A_549, %exp3A_539 : vector<16xf32>
    %mul3A_551 = arith.mulf %mul3A_547, %add3A_550 : vector<16xf32>
    %mul3A_552 = arith.constant 2.720000e+01 : f32
    %mul3A_553 = vector.broadcast %mul3A_552 : f32 to vector<16xf32>
    %mul3A_554 = arith.mulf %mul3A_553, %sub3A_540 : vector<16xf32>
    %div3A_555 = arith.divf %mul3A_554, %mul3A_551 : vector<16xf32>
    %neg3A_556 = arith.constant 0.000000e+00 : f32
    %neg3A_557 = vector.broadcast %neg3A_556 : f32 to vector<16xf32>
    %neg3A_558 = arith.subf %neg3A_557, %div3A_555 : vector<16xf32>
    %exp3A_559 = math.exp %neg3A_558 : vector<16xf32>
    %neg3A_560 = arith.constant 0.000000e+00 : f32
    %neg3A_561 = vector.broadcast %neg3A_560 : f32 to vector<16xf32>
    %neg3A_562 = arith.subf %neg3A_561, %exp3A_559 : vector<16xf32>
    %exp3A_563 = math.exp %neg3A_562 : vector<16xf32>
    %add3A_564 = arith.constant 1.000000e+00 : f32
    %add3A_565 = vector.broadcast %add3A_564 : f32 to vector<16xf32>
    %add3A_566 = arith.addf %add3A_565, %exp3A_563 : vector<16xf32>
    %div3A_567 = arith.constant 1.000000e+00 : f32
    %div3A_568 = vector.broadcast %div3A_567 : f32 to vector<16xf32>
    %div3A_569 = arith.divf %div3A_568, %add3A_566 : vector<16xf32>
    %swap3A_570 = arith.constant 96 : index
    %swap3A_571 = tpu.vector_load %arg28[%swap3A_570] {strides = array<i32>} : memref<128xf32, #tpu.memory_space<vmem>>, vector<16xf32>,
    %swap3A_572 = vector.shape_cast %swap3A_571 : vector<16xf32> to vector<16xf32>
    %swap3A_573 = vector.shape_cast %div3A_569 : vector<16xf32> to vector<16xf32>
    tpu.vector_store %arg28[%swap3A_570], %swap3A_573 {strides = array<i32>} : memref<128xf32, #tpu.memory_space<vmem>>, vector<16xf32>,
    %get3A_574 = arith.constant 112 : index
    %get3A_575 = tpu.vector_load %arg16[%get3A_574] {strides = array<i32>} : memref<128xf32, #tpu.memory_space<vmem>>, vector<16xf32>,
    %get3A_576 = vector.shape_cast %get3A_575 : vector<16xf32> to vector<16xf32>
    %get3A_577 = arith.constant 112 : index
    %get3A_578 = tpu.vector_load %arg20[%get3A_577] {strides = array<i32>} : memref<128xf32, #tpu.memory_space<vmem>>, vector<16xf32>,
    %get3A_579 = vector.shape_cast %get3A_578 : vector<16xf32> to vector<16xf32>
    %get3A_580 = arith.constant 112 : index
    %get3A_581 = tpu.vector_load %arg24[%get3A_580] {strides = array<i32>} : memref<128xf32, #tpu.memory_space<vmem>>, vector<16xf32>,
    %get3A_582 = vector.shape_cast %get3A_581 : vector<16xf32> to vector<16xf32>
    %max3A_583 = arith.constant -6.000000e+01 : f32
    %max3A_584 = vector.broadcast %max3A_583 : f32 to vector<16xf32>
    %max3A_585 = arith.maximumf %get3A_576, %max3A_584 : vector<16xf32>
    %min3A_586 = arith.constant 6.000000e+01 : f32
    %min3A_587 = vector.broadcast %min3A_586 : f32 to vector<16xf32>
    %min3A_588 = arith.minimumf %max3A_585, %min3A_587 : vector<16xf32>
    %max3A_589 = arith.constant -6.000000e+01 : f32
    %max3A_590 = vector.broadcast %max3A_589 : f32 to vector<16xf32>
    %max3A_591 = arith.maximumf %get3A_579, %max3A_590 : vector<16xf32>
    %min3A_592 = arith.constant 6.000000e+01 : f32
    %min3A_593 = vector.broadcast %min3A_592 : f32 to vector<16xf32>
    %min3A_594 = arith.minimumf %max3A_591, %min3A_593 : vector<16xf32>
    %max3A_595 = arith.constant -6.000000e+01 : f32
    %max3A_596 = vector.broadcast %max3A_595 : f32 to vector<16xf32>
    %max3A_597 = arith.maximumf %get3A_582, %max3A_596 : vector<16xf32>
    %min3A_598 = arith.constant 6.000000e+01 : f32
    %min3A_599 = vector.broadcast %min3A_598 : f32 to vector<16xf32>
    %min3A_600 = arith.minimumf %max3A_597, %min3A_599 : vector<16xf32>
    %neg3A_601 = arith.constant 0.000000e+00 : f32
    %neg3A_602 = vector.broadcast %neg3A_601 : f32 to vector<16xf32>
    %neg3A_603 = arith.subf %neg3A_602, %min3A_588 : vector<16xf32>
    %exp3A_604 = math.exp %neg3A_603 : vector<16xf32>
    %neg3A_605 = arith.constant 0.000000e+00 : f32
    %neg3A_606 = vector.broadcast %neg3A_605 : f32 to vector<16xf32>
    %neg3A_607 = arith.subf %neg3A_606, %min3A_594 : vector<16xf32>
    %exp3A_608 = math.exp %neg3A_607 : vector<16xf32>
    %neg3A_609 = arith.constant 0.000000e+00 : f32
    %neg3A_610 = vector.broadcast %neg3A_609 : f32 to vector<16xf32>
    %neg3A_611 = arith.subf %neg3A_610, %min3A_600 : vector<16xf32>
    %exp3A_612 = math.exp %neg3A_611 : vector<16xf32>
    %sub3A_613 = arith.subf %exp3A_608, %exp3A_604 : vector<16xf32>
    %add3A_614 = arith.constant 1.000000e+00 : f32
    %add3A_615 = vector.broadcast %add3A_614 : f32 to vector<16xf32>
    %add3A_616 = arith.addf %add3A_615, %exp3A_604 : vector<16xf32>
    %add3A_617 = arith.constant 1.000000e+00 : f32
    %add3A_618 = vector.broadcast %add3A_617 : f32 to vector<16xf32>
    %add3A_619 = arith.addf %add3A_618, %exp3A_608 : vector<16xf32>
    %mul3A_620 = arith.mulf %add3A_616, %add3A_619 : vector<16xf32>
    %add3A_621 = arith.constant 1.000000e+00 : f32
    %add3A_622 = vector.broadcast %add3A_621 : f32 to vector<16xf32>
    %add3A_623 = arith.addf %add3A_622, %exp3A_612 : vector<16xf32>
    %mul3A_624 = arith.mulf %mul3A_620, %add3A_623 : vector<16xf32>
    %mul3A_625 = arith.constant 2.720000e+01 : f32
    %mul3A_626 = vector.broadcast %mul3A_625 : f32 to vector<16xf32>
    %mul3A_627 = arith.mulf %mul3A_626, %sub3A_613 : vector<16xf32>
    %div3A_628 = arith.divf %mul3A_627, %mul3A_624 : vector<16xf32>
    %neg3A_629 = arith.constant 0.000000e+00 : f32
    %neg3A_630 = vector.broadcast %neg3A_629 : f32 to vector<16xf32>
    %neg3A_631 = arith.subf %neg3A_630, %div3A_628 : vector<16xf32>
    %exp3A_632 = math.exp %neg3A_631 : vector<16xf32>
    %neg3A_633 = arith.constant 0.000000e+00 : f32
    %neg3A_634 = vector.broadcast %neg3A_633 : f32 to vector<16xf32>
    %neg3A_635 = arith.subf %neg3A_634, %exp3A_632 : vector<16xf32>
    %exp3A_636 = math.exp %neg3A_635 : vector<16xf32>
    %add3A_637 = arith.constant 1.000000e+00 : f32
    %add3A_638 = vector.broadcast %add3A_637 : f32 to vector<16xf32>
    %add3A_639 = arith.addf %add3A_638, %exp3A_636 : vector<16xf32>
    %div3A_640 = arith.constant 1.000000e+00 : f32
    %div3A_641 = vector.broadcast %div3A_640 : f32 to vector<16xf32>
    %div3A_642 = arith.divf %div3A_641, %add3A_639 : vector<16xf32>
    %swap3A_643 = arith.constant 112 : index
    %swap3A_644 = tpu.vector_load %arg28[%swap3A_643] {strides = array<i32>} : memref<128xf32, #tpu.memory_space<vmem>>, vector<16xf32>,
    %swap3A_645 = vector.shape_cast %swap3A_644 : vector<16xf32> to vector<16xf32>
    %swap3A_646 = vector.shape_cast %div3A_642 : vector<16xf32> to vector<16xf32>
    tpu.vector_store %arg28[%swap3A_643], %swap3A_646 {strides = array<i32>} : memref<128xf32, #tpu.memory_space<vmem>>, vector<16xf32>,
    %add3A_647 = arith.constant 0 : i32
    %add3A_648 = arith.addi %mul3A_2, %add3A_647 : i32
    %dma_start3A_649 = tpu.memref_slice %arg7[%add3A_648] : memref<16384xf32, #tpu.memory_space<hbm>> -> memref<128xf32, #tpu.memory_space<hbm>>
    %dma_start3A_650 = tpu.memref_slice %arg7[%add3A_648] : memref<16384xf32, #tpu.memory_space<hbm>> -> memref<128xf32, #tpu.memory_space<hbm>>
    tpu.enqueue_dma source(%arg28 : memref<128xf32, #tpu.memory_space<vmem>>) target(%dma_start3A_650 : memref<128xf32, #tpu.memory_space<hbm>>) target_semaphore(%arg33 : memref<!tpu.dma_semaphore, #tpu.memory_space<semaphore_mem>>)
    %dma_wait3A_651 = arith.constant 0 : i32
    %dma_wait3A_652 = tpu.memref_slice %arg4[%dma_wait3A_651] : memref<1000000xf32, #tpu.memory_space<hbm>> -> memref<1000000xf32, #tpu.memory_space<hbm>>
    tpu.wait_indirect_dma semaphore(%arg35 : memref<!tpu.dma_semaphore, #tpu.memory_space<semaphore_mem>>) src(%dma_wait3A_652 : memref<1000000xf32, #tpu.memory_space<hbm>>) dst(%arg17 : memref<128xf32, #tpu.memory_space<vmem>>)
    %dma_wait3A_653 = arith.constant 0 : i32
    %dma_wait3A_654 = tpu.memref_slice %arg5[%dma_wait3A_653] : memref<100000xf32, #tpu.memory_space<hbm>> -> memref<100000xf32, #tpu.memory_space<hbm>>
    tpu.wait_indirect_dma semaphore(%arg35 : memref<!tpu.dma_semaphore, #tpu.memory_space<semaphore_mem>>) src(%dma_wait3A_654 : memref<100000xf32, #tpu.memory_space<hbm>>) dst(%arg21 : memref<128xf32, #tpu.memory_space<vmem>>)
    %dma_wait3A_655 = arith.constant 0 : i32
    %dma_wait3A_656 = tpu.memref_slice %arg6[%dma_wait3A_655] : memref<100000xf32, #tpu.memory_space<hbm>> -> memref<100000xf32, #tpu.memory_space<hbm>>
    tpu.wait_indirect_dma semaphore(%arg35 : memref<!tpu.dma_semaphore, #tpu.memory_space<semaphore_mem>>) src(%dma_wait3A_656 : memref<100000xf32, #tpu.memory_space<hbm>>) dst(%arg25 : memref<128xf32, #tpu.memory_space<vmem>>)
    %get3A_657 = arith.constant 0 : index
    %get3A_658 = tpu.vector_load %arg17[%get3A_657] {strides = array<i32>} : memref<128xf32, #tpu.memory_space<vmem>>, vector<16xf32>,
    %get3A_659 = vector.shape_cast %get3A_658 : vector<16xf32> to vector<16xf32>
    %get3A_660 = arith.constant 0 : index
    %get3A_661 = tpu.vector_load %arg21[%get3A_660] {strides = array<i32>} : memref<128xf32, #tpu.memory_space<vmem>>, vector<16xf32>,
    %get3A_662 = vector.shape_cast %get3A_661 : vector<16xf32> to vector<16xf32>
    %get3A_663 = arith.constant 0 : index
    %get3A_664 = tpu.vector_load %arg25[%get3A_663] {strides = array<i32>} : memref<128xf32, #tpu.memory_space<vmem>>, vector<16xf32>,
    %get3A_665 = vector.shape_cast %get3A_664 : vector<16xf32> to vector<16xf32>
    %max3A_666 = arith.constant -6.000000e+01 : f32
    %max3A_667 = vector.broadcast %max3A_666 : f32 to vector<16xf32>
    %max3A_668 = arith.maximumf %get3A_659, %max3A_667 : vector<16xf32>
    %min3A_669 = arith.constant 6.000000e+01 : f32
    %min3A_670 = vector.broadcast %min3A_669 : f32 to vector<16xf32>
    %min3A_671 = arith.minimumf %max3A_668, %min3A_670 : vector<16xf32>
    %max3A_672 = arith.constant -6.000000e+01 : f32
    %max3A_673 = vector.broadcast %max3A_672 : f32 to vector<16xf32>
    %max3A_674 = arith.maximumf %get3A_662, %max3A_673 : vector<16xf32>
    %min3A_675 = arith.constant 6.000000e+01 : f32
    %min3A_676 = vector.broadcast %min3A_675 : f32 to vector<16xf32>
    %min3A_677 = arith.minimumf %max3A_674, %min3A_676 : vector<16xf32>
    %max3A_678 = arith.constant -6.000000e+01 : f32
    %max3A_679 = vector.broadcast %max3A_678 : f32 to vector<16xf32>
    %max3A_680 = arith.maximumf %get3A_665, %max3A_679 : vector<16xf32>
    %min3A_681 = arith.constant 6.000000e+01 : f32
    %min3A_682 = vector.broadcast %min3A_681 : f32 to vector<16xf32>
    %min3A_683 = arith.minimumf %max3A_680, %min3A_682 : vector<16xf32>
    %neg3A_684 = arith.constant 0.000000e+00 : f32
    %neg3A_685 = vector.broadcast %neg3A_684 : f32 to vector<16xf32>
    %neg3A_686 = arith.subf %neg3A_685, %min3A_671 : vector<16xf32>
    %exp3A_687 = math.exp %neg3A_686 : vector<16xf32>
    %neg3A_688 = arith.constant 0.000000e+00 : f32
    %neg3A_689 = vector.broadcast %neg3A_688 : f32 to vector<16xf32>
    %neg3A_690 = arith.subf %neg3A_689, %min3A_677 : vector<16xf32>
    %exp3A_691 = math.exp %neg3A_690 : vector<16xf32>
    %neg3A_692 = arith.constant 0.000000e+00 : f32
    %neg3A_693 = vector.broadcast %neg3A_692 : f32 to vector<16xf32>
    %neg3A_694 = arith.subf %neg3A_693, %min3A_683 : vector<16xf32>
    %exp3A_695 = math.exp %neg3A_694 : vector<16xf32>
    %sub3A_696 = arith.subf %exp3A_691, %exp3A_687 : vector<16xf32>
    %add3A_697 = arith.constant 1.000000e+00 : f32
    %add3A_698 = vector.broadcast %add3A_697 : f32 to vector<16xf32>
    %add3A_699 = arith.addf %add3A_698, %exp3A_687 : vector<16xf32>
    %add3A_700 = arith.constant 1.000000e+00 : f32
    %add3A_701 = vector.broadcast %add3A_700 : f32 to vector<16xf32>
    %add3A_702 = arith.addf %add3A_701, %exp3A_691 : vector<16xf32>
    %mul3A_703 = arith.mulf %add3A_699, %add3A_702 : vector<16xf32>
    %add3A_704 = arith.constant 1.000000e+00 : f32
    %add3A_705 = vector.broadcast %add3A_704 : f32 to vector<16xf32>
    %add3A_706 = arith.addf %add3A_705, %exp3A_695 : vector<16xf32>
    %mul3A_707 = arith.mulf %mul3A_703, %add3A_706 : vector<16xf32>
    %mul3A_708 = arith.constant 2.720000e+01 : f32
    %mul3A_709 = vector.broadcast %mul3A_708 : f32 to vector<16xf32>
    %mul3A_710 = arith.mulf %mul3A_709, %sub3A_696 : vector<16xf32>
    %div3A_711 = arith.divf %mul3A_710, %mul3A_707 : vector<16xf32>
    %neg3A_712 = arith.constant 0.000000e+00 : f32
    %neg3A_713 = vector.broadcast %neg3A_712 : f32 to vector<16xf32>
    %neg3A_714 = arith.subf %neg3A_713, %div3A_711 : vector<16xf32>
    %exp3A_715 = math.exp %neg3A_714 : vector<16xf32>
    %neg3A_716 = arith.constant 0.000000e+00 : f32
    %neg3A_717 = vector.broadcast %neg3A_716 : f32 to vector<16xf32>
    %neg3A_718 = arith.subf %neg3A_717, %exp3A_715 : vector<16xf32>
    %exp3A_719 = math.exp %neg3A_718 : vector<16xf32>
    %add3A_720 = arith.constant 1.000000e+00 : f32
    %add3A_721 = vector.broadcast %add3A_720 : f32 to vector<16xf32>
    %add3A_722 = arith.addf %add3A_721, %exp3A_719 : vector<16xf32>
    %div3A_723 = arith.constant 1.000000e+00 : f32
    %div3A_724 = vector.broadcast %div3A_723 : f32 to vector<16xf32>
    %div3A_725 = arith.divf %div3A_724, %add3A_722 : vector<16xf32>
    %swap3A_726 = arith.constant 0 : index
    %swap3A_727 = tpu.vector_load %arg29[%swap3A_726] {strides = array<i32>} : memref<128xf32, #tpu.memory_space<vmem>>, vector<16xf32>,
    %swap3A_728 = vector.shape_cast %swap3A_727 : vector<16xf32> to vector<16xf32>
    %swap3A_729 = vector.shape_cast %div3A_725 : vector<16xf32> to vector<16xf32>
    tpu.vector_store %arg29[%swap3A_726], %swap3A_729 {strides = array<i32>} : memref<128xf32, #tpu.memory_space<vmem>>, vector<16xf32>,
    %get3A_730 = arith.constant 16 : index
    %get3A_731 = tpu.vector_load %arg17[%get3A_730] {strides = array<i32>} : memref<128xf32, #tpu.memory_space<vmem>>, vector<16xf32>,
    %get3A_732 = vector.shape_cast %get3A_731 : vector<16xf32> to vector<16xf32>
    %get3A_733 = arith.constant 16 : index
    %get3A_734 = tpu.vector_load %arg21[%get3A_733] {strides = array<i32>} : memref<128xf32, #tpu.memory_space<vmem>>, vector<16xf32>,
    %get3A_735 = vector.shape_cast %get3A_734 : vector<16xf32> to vector<16xf32>
    %get3A_736 = arith.constant 16 : index
    %get3A_737 = tpu.vector_load %arg25[%get3A_736] {strides = array<i32>} : memref<128xf32, #tpu.memory_space<vmem>>, vector<16xf32>,
    %get3A_738 = vector.shape_cast %get3A_737 : vector<16xf32> to vector<16xf32>
    %max3A_739 = arith.constant -6.000000e+01 : f32
    %max3A_740 = vector.broadcast %max3A_739 : f32 to vector<16xf32>
    %max3A_741 = arith.maximumf %get3A_732, %max3A_740 : vector<16xf32>
    %min3A_742 = arith.constant 6.000000e+01 : f32
    %min3A_743 = vector.broadcast %min3A_742 : f32 to vector<16xf32>
    %min3A_744 = arith.minimumf %max3A_741, %min3A_743 : vector<16xf32>
    %max3A_745 = arith.constant -6.000000e+01 : f32
    %max3A_746 = vector.broadcast %max3A_745 : f32 to vector<16xf32>
    %max3A_747 = arith.maximumf %get3A_735, %max3A_746 : vector<16xf32>
    %min3A_748 = arith.constant 6.000000e+01 : f32
    %min3A_749 = vector.broadcast %min3A_748 : f32 to vector<16xf32>
    %min3A_750 = arith.minimumf %max3A_747, %min3A_749 : vector<16xf32>
    %max3A_751 = arith.constant -6.000000e+01 : f32
    %max3A_752 = vector.broadcast %max3A_751 : f32 to vector<16xf32>
    %max3A_753 = arith.maximumf %get3A_738, %max3A_752 : vector<16xf32>
    %min3A_754 = arith.constant 6.000000e+01 : f32
    %min3A_755 = vector.broadcast %min3A_754 : f32 to vector<16xf32>
    %min3A_756 = arith.minimumf %max3A_753, %min3A_755 : vector<16xf32>
    %neg3A_757 = arith.constant 0.000000e+00 : f32
    %neg3A_758 = vector.broadcast %neg3A_757 : f32 to vector<16xf32>
    %neg3A_759 = arith.subf %neg3A_758, %min3A_744 : vector<16xf32>
    %exp3A_760 = math.exp %neg3A_759 : vector<16xf32>
    %neg3A_761 = arith.constant 0.000000e+00 : f32
    %neg3A_762 = vector.broadcast %neg3A_761 : f32 to vector<16xf32>
    %neg3A_763 = arith.subf %neg3A_762, %min3A_750 : vector<16xf32>
    %exp3A_764 = math.exp %neg3A_763 : vector<16xf32>
    %neg3A_765 = arith.constant 0.000000e+00 : f32
    %neg3A_766 = vector.broadcast %neg3A_765 : f32 to vector<16xf32>
    %neg3A_767 = arith.subf %neg3A_766, %min3A_756 : vector<16xf32>
    %exp3A_768 = math.exp %neg3A_767 : vector<16xf32>
    %sub3A_769 = arith.subf %exp3A_764, %exp3A_760 : vector<16xf32>
    %add3A_770 = arith.constant 1.000000e+00 : f32
    %add3A_771 = vector.broadcast %add3A_770 : f32 to vector<16xf32>
    %add3A_772 = arith.addf %add3A_771, %exp3A_760 : vector<16xf32>
    %add3A_773 = arith.constant 1.000000e+00 : f32
    %add3A_774 = vector.broadcast %add3A_773 : f32 to vector<16xf32>
    %add3A_775 = arith.addf %add3A_774, %exp3A_764 : vector<16xf32>
    %mul3A_776 = arith.mulf %add3A_772, %add3A_775 : vector<16xf32>
    %add3A_777 = arith.constant 1.000000e+00 : f32
    %add3A_778 = vector.broadcast %add3A_777 : f32 to vector<16xf32>
    %add3A_779 = arith.addf %add3A_778, %exp3A_768 : vector<16xf32>
    %mul3A_780 = arith.mulf %mul3A_776, %add3A_779 : vector<16xf32>
    %mul3A_781 = arith.constant 2.720000e+01 : f32
    %mul3A_782 = vector.broadcast %mul3A_781 : f32 to vector<16xf32>
    %mul3A_783 = arith.mulf %mul3A_782, %sub3A_769 : vector<16xf32>
    %div3A_784 = arith.divf %mul3A_783, %mul3A_780 : vector<16xf32>
    %neg3A_785 = arith.constant 0.000000e+00 : f32
    %neg3A_786 = vector.broadcast %neg3A_785 : f32 to vector<16xf32>
    %neg3A_787 = arith.subf %neg3A_786, %div3A_784 : vector<16xf32>
    %exp3A_788 = math.exp %neg3A_787 : vector<16xf32>
    %neg3A_789 = arith.constant 0.000000e+00 : f32
    %neg3A_790 = vector.broadcast %neg3A_789 : f32 to vector<16xf32>
    %neg3A_791 = arith.subf %neg3A_790, %exp3A_788 : vector<16xf32>
    %exp3A_792 = math.exp %neg3A_791 : vector<16xf32>
    %add3A_793 = arith.constant 1.000000e+00 : f32
    %add3A_794 = vector.broadcast %add3A_793 : f32 to vector<16xf32>
    %add3A_795 = arith.addf %add3A_794, %exp3A_792 : vector<16xf32>
    %div3A_796 = arith.constant 1.000000e+00 : f32
    %div3A_797 = vector.broadcast %div3A_796 : f32 to vector<16xf32>
    %div3A_798 = arith.divf %div3A_797, %add3A_795 : vector<16xf32>
    %swap3A_799 = arith.constant 16 : index
    %swap3A_800 = tpu.vector_load %arg29[%swap3A_799] {strides = array<i32>} : memref<128xf32, #tpu.memory_space<vmem>>, vector<16xf32>,
    %swap3A_801 = vector.shape_cast %swap3A_800 : vector<16xf32> to vector<16xf32>
    %swap3A_802 = vector.shape_cast %div3A_798 : vector<16xf32> to vector<16xf32>
    tpu.vector_store %arg29[%swap3A_799], %swap3A_802 {strides = array<i32>} : memref<128xf32, #tpu.memory_space<vmem>>, vector<16xf32>,
    %get3A_803 = arith.constant 32 : index
    %get3A_804 = tpu.vector_load %arg17[%get3A_803] {strides = array<i32>} : memref<128xf32, #tpu.memory_space<vmem>>, vector<16xf32>,
    %get3A_805 = vector.shape_cast %get3A_804 : vector<16xf32> to vector<16xf32>
    %get3A_806 = arith.constant 32 : index
    %get3A_807 = tpu.vector_load %arg21[%get3A_806] {strides = array<i32>} : memref<128xf32, #tpu.memory_space<vmem>>, vector<16xf32>,
    %get3A_808 = vector.shape_cast %get3A_807 : vector<16xf32> to vector<16xf32>
    %get3A_809 = arith.constant 32 : index
    %get3A_810 = tpu.vector_load %arg25[%get3A_809] {strides = array<i32>} : memref<128xf32, #tpu.memory_space<vmem>>, vector<16xf32>,
    %get3A_811 = vector.shape_cast %get3A_810 : vector<16xf32> to vector<16xf32>
    %max3A_812 = arith.constant -6.000000e+01 : f32
    %max3A_813 = vector.broadcast %max3A_812 : f32 to vector<16xf32>
    %max3A_814 = arith.maximumf %get3A_805, %max3A_813 : vector<16xf32>
    %min3A_815 = arith.constant 6.000000e+01 : f32
    %min3A_816 = vector.broadcast %min3A_815 : f32 to vector<16xf32>
    %min3A_817 = arith.minimumf %max3A_814, %min3A_816 : vector<16xf32>
    %max3A_818 = arith.constant -6.000000e+01 : f32
    %max3A_819 = vector.broadcast %max3A_818 : f32 to vector<16xf32>
    %max3A_820 = arith.maximumf %get3A_808, %max3A_819 : vector<16xf32>
    %min3A_821 = arith.constant 6.000000e+01 : f32
    %min3A_822 = vector.broadcast %min3A_821 : f32 to vector<16xf32>
    %min3A_823 = arith.minimumf %max3A_820, %min3A_822 : vector<16xf32>
    %max3A_824 = arith.constant -6.000000e+01 : f32
    %max3A_825 = vector.broadcast %max3A_824 : f32 to vector<16xf32>
    %max3A_826 = arith.maximumf %get3A_811, %max3A_825 : vector<16xf32>
    %min3A_827 = arith.constant 6.000000e+01 : f32
    %min3A_828 = vector.broadcast %min3A_827 : f32 to vector<16xf32>
    %min3A_829 = arith.minimumf %max3A_826, %min3A_828 : vector<16xf32>
    %neg3A_830 = arith.constant 0.000000e+00 : f32
    %neg3A_831 = vector.broadcast %neg3A_830 : f32 to vector<16xf32>
    %neg3A_832 = arith.subf %neg3A_831, %min3A_817 : vector<16xf32>
    %exp3A_833 = math.exp %neg3A_832 : vector<16xf32>
    %neg3A_834 = arith.constant 0.000000e+00 : f32
    %neg3A_835 = vector.broadcast %neg3A_834 : f32 to vector<16xf32>
    %neg3A_836 = arith.subf %neg3A_835, %min3A_823 : vector<16xf32>
    %exp3A_837 = math.exp %neg3A_836 : vector<16xf32>
    %neg3A_838 = arith.constant 0.000000e+00 : f32
    %neg3A_839 = vector.broadcast %neg3A_838 : f32 to vector<16xf32>
    %neg3A_840 = arith.subf %neg3A_839, %min3A_829 : vector<16xf32>
    %exp3A_841 = math.exp %neg3A_840 : vector<16xf32>
    %sub3A_842 = arith.subf %exp3A_837, %exp3A_833 : vector<16xf32>
    %add3A_843 = arith.constant 1.000000e+00 : f32
    %add3A_844 = vector.broadcast %add3A_843 : f32 to vector<16xf32>
    %add3A_845 = arith.addf %add3A_844, %exp3A_833 : vector<16xf32>
    %add3A_846 = arith.constant 1.000000e+00 : f32
    %add3A_847 = vector.broadcast %add3A_846 : f32 to vector<16xf32>
    %add3A_848 = arith.addf %add3A_847, %exp3A_837 : vector<16xf32>
    %mul3A_849 = arith.mulf %add3A_845, %add3A_848 : vector<16xf32>
    %add3A_850 = arith.constant 1.000000e+00 : f32
    %add3A_851 = vector.broadcast %add3A_850 : f32 to vector<16xf32>
    %add3A_852 = arith.addf %add3A_851, %exp3A_841 : vector<16xf32>
    %mul3A_853 = arith.mulf %mul3A_849, %add3A_852 : vector<16xf32>
    %mul3A_854 = arith.constant 2.720000e+01 : f32
    %mul3A_855 = vector.broadcast %mul3A_854 : f32 to vector<16xf32>
    %mul3A_856 = arith.mulf %mul3A_855, %sub3A_842 : vector<16xf32>
    %div3A_857 = arith.divf %mul3A_856, %mul3A_853 : vector<16xf32>
    %neg3A_858 = arith.constant 0.000000e+00 : f32
    %neg3A_859 = vector.broadcast %neg3A_858 : f32 to vector<16xf32>
    %neg3A_860 = arith.subf %neg3A_859, %div3A_857 : vector<16xf32>
    %exp3A_861 = math.exp %neg3A_860 : vector<16xf32>
    %neg3A_862 = arith.constant 0.000000e+00 : f32
    %neg3A_863 = vector.broadcast %neg3A_862 : f32 to vector<16xf32>
    %neg3A_864 = arith.subf %neg3A_863, %exp3A_861 : vector<16xf32>
    %exp3A_865 = math.exp %neg3A_864 : vector<16xf32>
    %add3A_866 = arith.constant 1.000000e+00 : f32
    %add3A_867 = vector.broadcast %add3A_866 : f32 to vector<16xf32>
    %add3A_868 = arith.addf %add3A_867, %exp3A_865 : vector<16xf32>
    %div3A_869 = arith.constant 1.000000e+00 : f32
    %div3A_870 = vector.broadcast %div3A_869 : f32 to vector<16xf32>
    %div3A_871 = arith.divf %div3A_870, %add3A_868 : vector<16xf32>
    %swap3A_872 = arith.constant 32 : index
    %swap3A_873 = tpu.vector_load %arg29[%swap3A_872] {strides = array<i32>} : memref<128xf32, #tpu.memory_space<vmem>>, vector<16xf32>,
    %swap3A_874 = vector.shape_cast %swap3A_873 : vector<16xf32> to vector<16xf32>
    %swap3A_875 = vector.shape_cast %div3A_871 : vector<16xf32> to vector<16xf32>
    tpu.vector_store %arg29[%swap3A_872], %swap3A_875 {strides = array<i32>} : memref<128xf32, #tpu.memory_space<vmem>>, vector<16xf32>,
    %get3A_876 = arith.constant 48 : index
    %get3A_877 = tpu.vector_load %arg17[%get3A_876] {strides = array<i32>} : memref<128xf32, #tpu.memory_space<vmem>>, vector<16xf32>,
    %get3A_878 = vector.shape_cast %get3A_877 : vector<16xf32> to vector<16xf32>
    %get3A_879 = arith.constant 48 : index
    %get3A_880 = tpu.vector_load %arg21[%get3A_879] {strides = array<i32>} : memref<128xf32, #tpu.memory_space<vmem>>, vector<16xf32>,
    %get3A_881 = vector.shape_cast %get3A_880 : vector<16xf32> to vector<16xf32>
    %get3A_882 = arith.constant 48 : index
    %get3A_883 = tpu.vector_load %arg25[%get3A_882] {strides = array<i32>} : memref<128xf32, #tpu.memory_space<vmem>>, vector<16xf32>,
    %get3A_884 = vector.shape_cast %get3A_883 : vector<16xf32> to vector<16xf32>
    %max3A_885 = arith.constant -6.000000e+01 : f32
    %max3A_886 = vector.broadcast %max3A_885 : f32 to vector<16xf32>
    %max3A_887 = arith.maximumf %get3A_878, %max3A_886 : vector<16xf32>
    %min3A_888 = arith.constant 6.000000e+01 : f32
    %min3A_889 = vector.broadcast %min3A_888 : f32 to vector<16xf32>
    %min3A_890 = arith.minimumf %max3A_887, %min3A_889 : vector<16xf32>
    %max3A_891 = arith.constant -6.000000e+01 : f32
    %max3A_892 = vector.broadcast %max3A_891 : f32 to vector<16xf32>
    %max3A_893 = arith.maximumf %get3A_881, %max3A_892 : vector<16xf32>
    %min3A_894 = arith.constant 6.000000e+01 : f32
    %min3A_895 = vector.broadcast %min3A_894 : f32 to vector<16xf32>
    %min3A_896 = arith.minimumf %max3A_893, %min3A_895 : vector<16xf32>
    %max3A_897 = arith.constant -6.000000e+01 : f32
    %max3A_898 = vector.broadcast %max3A_897 : f32 to vector<16xf32>
    %max3A_899 = arith.maximumf %get3A_884, %max3A_898 : vector<16xf32>
    %min3A_900 = arith.constant 6.000000e+01 : f32
    %min3A_901 = vector.broadcast %min3A_900 : f32 to vector<16xf32>
    %min3A_902 = arith.minimumf %max3A_899, %min3A_901 : vector<16xf32>
    %neg3A_903 = arith.constant 0.000000e+00 : f32
    %neg3A_904 = vector.broadcast %neg3A_903 : f32 to vector<16xf32>
    %neg3A_905 = arith.subf %neg3A_904, %min3A_890 : vector<16xf32>
    %exp3A_906 = math.exp %neg3A_905 : vector<16xf32>
    %neg3A_907 = arith.constant 0.000000e+00 : f32
    %neg3A_908 = vector.broadcast %neg3A_907 : f32 to vector<16xf32>
    %neg3A_909 = arith.subf %neg3A_908, %min3A_896 : vector<16xf32>
    %exp3A_910 = math.exp %neg3A_909 : vector<16xf32>
    %neg3A_911 = arith.constant 0.000000e+00 : f32
    %neg3A_912 = vector.broadcast %neg3A_911 : f32 to vector<16xf32>
    %neg3A_913 = arith.subf %neg3A_912, %min3A_902 : vector<16xf32>
    %exp3A_914 = math.exp %neg3A_913 : vector<16xf32>
    %sub3A_915 = arith.subf %exp3A_910, %exp3A_906 : vector<16xf32>
    %add3A_916 = arith.constant 1.000000e+00 : f32
    %add3A_917 = vector.broadcast %add3A_916 : f32 to vector<16xf32>
    %add3A_918 = arith.addf %add3A_917, %exp3A_906 : vector<16xf32>
    %add3A_919 = arith.constant 1.000000e+00 : f32
    %add3A_920 = vector.broadcast %add3A_919 : f32 to vector<16xf32>
    %add3A_921 = arith.addf %add3A_920, %exp3A_910 : vector<16xf32>
    %mul3A_922 = arith.mulf %add3A_918, %add3A_921 : vector<16xf32>
    %add3A_923 = arith.constant 1.000000e+00 : f32
    %add3A_924 = vector.broadcast %add3A_923 : f32 to vector<16xf32>
    %add3A_925 = arith.addf %add3A_924, %exp3A_914 : vector<16xf32>
    %mul3A_926 = arith.mulf %mul3A_922, %add3A_925 : vector<16xf32>
    %mul3A_927 = arith.constant 2.720000e+01 : f32
    %mul3A_928 = vector.broadcast %mul3A_927 : f32 to vector<16xf32>
    %mul3A_929 = arith.mulf %mul3A_928, %sub3A_915 : vector<16xf32>
    %div3A_930 = arith.divf %mul3A_929, %mul3A_926 : vector<16xf32>
    %neg3A_931 = arith.constant 0.000000e+00 : f32
    %neg3A_932 = vector.broadcast %neg3A_931 : f32 to vector<16xf32>
    %neg3A_933 = arith.subf %neg3A_932, %div3A_930 : vector<16xf32>
    %exp3A_934 = math.exp %neg3A_933 : vector<16xf32>
    %neg3A_935 = arith.constant 0.000000e+00 : f32
    %neg3A_936 = vector.broadcast %neg3A_935 : f32 to vector<16xf32>
    %neg3A_937 = arith.subf %neg3A_936, %exp3A_934 : vector<16xf32>
    %exp3A_938 = math.exp %neg3A_937 : vector<16xf32>
    %add3A_939 = arith.constant 1.000000e+00 : f32
    %add3A_940 = vector.broadcast %add3A_939 : f32 to vector<16xf32>
    %add3A_941 = arith.addf %add3A_940, %exp3A_938 : vector<16xf32>
    %div3A_942 = arith.constant 1.000000e+00 : f32
    %div3A_943 = vector.broadcast %div3A_942 : f32 to vector<16xf32>
    %div3A_944 = arith.divf %div3A_943, %add3A_941 : vector<16xf32>
    %swap3A_945 = arith.constant 48 : index
    %swap3A_946 = tpu.vector_load %arg29[%swap3A_945] {strides = array<i32>} : memref<128xf32, #tpu.memory_space<vmem>>, vector<16xf32>,
    %swap3A_947 = vector.shape_cast %swap3A_946 : vector<16xf32> to vector<16xf32>
    %swap3A_948 = vector.shape_cast %div3A_944 : vector<16xf32> to vector<16xf32>
    tpu.vector_store %arg29[%swap3A_945], %swap3A_948 {strides = array<i32>} : memref<128xf32, #tpu.memory_space<vmem>>, vector<16xf32>,
    %get3A_949 = arith.constant 64 : index
    %get3A_950 = tpu.vector_load %arg17[%get3A_949] {strides = array<i32>} : memref<128xf32, #tpu.memory_space<vmem>>, vector<16xf32>,
    %get3A_951 = vector.shape_cast %get3A_950 : vector<16xf32> to vector<16xf32>
    %get3A_952 = arith.constant 64 : index
    %get3A_953 = tpu.vector_load %arg21[%get3A_952] {strides = array<i32>} : memref<128xf32, #tpu.memory_space<vmem>>, vector<16xf32>,
    %get3A_954 = vector.shape_cast %get3A_953 : vector<16xf32> to vector<16xf32>
    %get3A_955 = arith.constant 64 : index
    %get3A_956 = tpu.vector_load %arg25[%get3A_955] {strides = array<i32>} : memref<128xf32, #tpu.memory_space<vmem>>, vector<16xf32>,
    %get3A_957 = vector.shape_cast %get3A_956 : vector<16xf32> to vector<16xf32>
    %max3A_958 = arith.constant -6.000000e+01 : f32
    %max3A_959 = vector.broadcast %max3A_958 : f32 to vector<16xf32>
    %max3A_960 = arith.maximumf %get3A_951, %max3A_959 : vector<16xf32>
    %min3A_961 = arith.constant 6.000000e+01 : f32
    %min3A_962 = vector.broadcast %min3A_961 : f32 to vector<16xf32>
    %min3A_963 = arith.minimumf %max3A_960, %min3A_962 : vector<16xf32>
    %max3A_964 = arith.constant -6.000000e+01 : f32
    %max3A_965 = vector.broadcast %max3A_964 : f32 to vector<16xf32>
    %max3A_966 = arith.maximumf %get3A_954, %max3A_965 : vector<16xf32>
    %min3A_967 = arith.constant 6.000000e+01 : f32
    %min3A_968 = vector.broadcast %min3A_967 : f32 to vector<16xf32>
    %min3A_969 = arith.minimumf %max3A_966, %min3A_968 : vector<16xf32>
    %max3A_970 = arith.constant -6.000000e+01 : f32
    %max3A_971 = vector.broadcast %max3A_970 : f32 to vector<16xf32>
    %max3A_972 = arith.maximumf %get3A_957, %max3A_971 : vector<16xf32>
    %min3A_973 = arith.constant 6.000000e+01 : f32
    %min3A_974 = vector.broadcast %min3A_973 : f32 to vector<16xf32>
    %min3A_975 = arith.minimumf %max3A_972, %min3A_974 : vector<16xf32>
    %neg3A_976 = arith.constant 0.000000e+00 : f32
    %neg3A_977 = vector.broadcast %neg3A_976 : f32 to vector<16xf32>
    %neg3A_978 = arith.subf %neg3A_977, %min3A_963 : vector<16xf32>
    %exp3A_979 = math.exp %neg3A_978 : vector<16xf32>
    %neg3A_980 = arith.constant 0.000000e+00 : f32
    %neg3A_981 = vector.broadcast %neg3A_980 : f32 to vector<16xf32>
    %neg3A_982 = arith.subf %neg3A_981, %min3A_969 : vector<16xf32>
    %exp3A_983 = math.exp %neg3A_982 : vector<16xf32>
    %neg3A_984 = arith.constant 0.000000e+00 : f32
    %neg3A_985 = vector.broadcast %neg3A_984 : f32 to vector<16xf32>
    %neg3A_986 = arith.subf %neg3A_985, %min3A_975 : vector<16xf32>
    %exp3A_987 = math.exp %neg3A_986 : vector<16xf32>
    %sub3A_988 = arith.subf %exp3A_983, %exp3A_979 : vector<16xf32>
    %add3A_989 = arith.constant 1.000000e+00 : f32
    %add3A_990 = vector.broadcast %add3A_989 : f32 to vector<16xf32>
    %add3A_991 = arith.addf %add3A_990, %exp3A_979 : vector<16xf32>
    %add3A_992 = arith.constant 1.000000e+00 : f32
    %add3A_993 = vector.broadcast %add3A_992 : f32 to vector<16xf32>
    %add3A_994 = arith.addf %add3A_993, %exp3A_983 : vector<16xf32>
    %mul3A_995 = arith.mulf %add3A_991, %add3A_994 : vector<16xf32>
    %add3A_996 = arith.constant 1.000000e+00 : f32
    %add3A_997 = vector.broadcast %add3A_996 : f32 to vector<16xf32>
    %add3A_998 = arith.addf %add3A_997, %exp3A_987 : vector<16xf32>
    %mul3A_999 = arith.mulf %mul3A_995, %add3A_998 : vector<16xf32>
    %mul3A_1000 = arith.constant 2.720000e+01 : f32
    %mul3A_1001 = vector.broadcast %mul3A_1000 : f32 to vector<16xf32>
    %mul3A_1002 = arith.mulf %mul3A_1001, %sub3A_988 : vector<16xf32>
    %div3A_1003 = arith.divf %mul3A_1002, %mul3A_999 : vector<16xf32>
    %neg3A_1004 = arith.constant 0.000000e+00 : f32
    %neg3A_1005 = vector.broadcast %neg3A_1004 : f32 to vector<16xf32>
    %neg3A_1006 = arith.subf %neg3A_1005, %div3A_1003 : vector<16xf32>
    %exp3A_1007 = math.exp %neg3A_1006 : vector<16xf32>
    %neg3A_1008 = arith.constant 0.000000e+00 : f32
    %neg3A_1009 = vector.broadcast %neg3A_1008 : f32 to vector<16xf32>
    %neg3A_1010 = arith.subf %neg3A_1009, %exp3A_1007 : vector<16xf32>
    %exp3A_1011 = math.exp %neg3A_1010 : vector<16xf32>
    %add3A_1012 = arith.constant 1.000000e+00 : f32
    %add3A_1013 = vector.broadcast %add3A_1012 : f32 to vector<16xf32>
    %add3A_1014 = arith.addf %add3A_1013, %exp3A_1011 : vector<16xf32>
    %div3A_1015 = arith.constant 1.000000e+00 : f32
    %div3A_1016 = vector.broadcast %div3A_1015 : f32 to vector<16xf32>
    %div3A_1017 = arith.divf %div3A_1016, %add3A_1014 : vector<16xf32>
    %swap3A_1018 = arith.constant 64 : index
    %swap3A_1019 = tpu.vector_load %arg29[%swap3A_1018] {strides = array<i32>} : memref<128xf32, #tpu.memory_space<vmem>>, vector<16xf32>,
    %swap3A_1020 = vector.shape_cast %swap3A_1019 : vector<16xf32> to vector<16xf32>
    %swap3A_1021 = vector.shape_cast %div3A_1017 : vector<16xf32> to vector<16xf32>
    tpu.vector_store %arg29[%swap3A_1018], %swap3A_1021 {strides = array<i32>} : memref<128xf32, #tpu.memory_space<vmem>>, vector<16xf32>,
    %get3A_1022 = arith.constant 80 : index
    %get3A_1023 = tpu.vector_load %arg17[%get3A_1022] {strides = array<i32>} : memref<128xf32, #tpu.memory_space<vmem>>, vector<16xf32>,
    %get3A_1024 = vector.shape_cast %get3A_1023 : vector<16xf32> to vector<16xf32>
    %get3A_1025 = arith.constant 80 : index
    %get3A_1026 = tpu.vector_load %arg21[%get3A_1025] {strides = array<i32>} : memref<128xf32, #tpu.memory_space<vmem>>, vector<16xf32>,
    %get3A_1027 = vector.shape_cast %get3A_1026 : vector<16xf32> to vector<16xf32>
    %get3A_1028 = arith.constant 80 : index
    %get3A_1029 = tpu.vector_load %arg25[%get3A_1028] {strides = array<i32>} : memref<128xf32, #tpu.memory_space<vmem>>, vector<16xf32>,
    %get3A_1030 = vector.shape_cast %get3A_1029 : vector<16xf32> to vector<16xf32>
    %max3A_1031 = arith.constant -6.000000e+01 : f32
    %max3A_1032 = vector.broadcast %max3A_1031 : f32 to vector<16xf32>
    %max3A_1033 = arith.maximumf %get3A_1024, %max3A_1032 : vector<16xf32>
    %min3A_1034 = arith.constant 6.000000e+01 : f32
    %min3A_1035 = vector.broadcast %min3A_1034 : f32 to vector<16xf32>
    %min3A_1036 = arith.minimumf %max3A_1033, %min3A_1035 : vector<16xf32>
    %max3A_1037 = arith.constant -6.000000e+01 : f32
    %max3A_1038 = vector.broadcast %max3A_1037 : f32 to vector<16xf32>
    %max3A_1039 = arith.maximumf %get3A_1027, %max3A_1038 : vector<16xf32>
    %min3A_1040 = arith.constant 6.000000e+01 : f32
    %min3A_1041 = vector.broadcast %min3A_1040 : f32 to vector<16xf32>
    %min3A_1042 = arith.minimumf %max3A_1039, %min3A_1041 : vector<16xf32>
    %max3A_1043 = arith.constant -6.000000e+01 : f32
    %max3A_1044 = vector.broadcast %max3A_1043 : f32 to vector<16xf32>
    %max3A_1045 = arith.maximumf %get3A_1030, %max3A_1044 : vector<16xf32>
    %min3A_1046 = arith.constant 6.000000e+01 : f32
    %min3A_1047 = vector.broadcast %min3A_1046 : f32 to vector<16xf32>
    %min3A_1048 = arith.minimumf %max3A_1045, %min3A_1047 : vector<16xf32>
    %neg3A_1049 = arith.constant 0.000000e+00 : f32
    %neg3A_1050 = vector.broadcast %neg3A_1049 : f32 to vector<16xf32>
    %neg3A_1051 = arith.subf %neg3A_1050, %min3A_1036 : vector<16xf32>
    %exp3A_1052 = math.exp %neg3A_1051 : vector<16xf32>
    %neg3A_1053 = arith.constant 0.000000e+00 : f32
    %neg3A_1054 = vector.broadcast %neg3A_1053 : f32 to vector<16xf32>
    %neg3A_1055 = arith.subf %neg3A_1054, %min3A_1042 : vector<16xf32>
    %exp3A_1056 = math.exp %neg3A_1055 : vector<16xf32>
    %neg3A_1057 = arith.constant 0.000000e+00 : f32
    %neg3A_1058 = vector.broadcast %neg3A_1057 : f32 to vector<16xf32>
    %neg3A_1059 = arith.subf %neg3A_1058, %min3A_1048 : vector<16xf32>
    %exp3A_1060 = math.exp %neg3A_1059 : vector<16xf32>
    %sub3A_1061 = arith.subf %exp3A_1056, %exp3A_1052 : vector<16xf32>
    %add3A_1062 = arith.constant 1.000000e+00 : f32
    %add3A_1063 = vector.broadcast %add3A_1062 : f32 to vector<16xf32>
    %add3A_1064 = arith.addf %add3A_1063, %exp3A_1052 : vector<16xf32>
    %add3A_1065 = arith.constant 1.000000e+00 : f32
    %add3A_1066 = vector.broadcast %add3A_1065 : f32 to vector<16xf32>
    %add3A_1067 = arith.addf %add3A_1066, %exp3A_1056 : vector<16xf32>
    %mul3A_1068 = arith.mulf %add3A_1064, %add3A_1067 : vector<16xf32>
    %add3A_1069 = arith.constant 1.000000e+00 : f32
    %add3A_1070 = vector.broadcast %add3A_1069 : f32 to vector<16xf32>
    %add3A_1071 = arith.addf %add3A_1070, %exp3A_1060 : vector<16xf32>
    %mul3A_1072 = arith.mulf %mul3A_1068, %add3A_1071 : vector<16xf32>
    %mul3A_1073 = arith.constant 2.720000e+01 : f32
    %mul3A_1074 = vector.broadcast %mul3A_1073 : f32 to vector<16xf32>
    %mul3A_1075 = arith.mulf %mul3A_1074, %sub3A_1061 : vector<16xf32>
    %div3A_1076 = arith.divf %mul3A_1075, %mul3A_1072 : vector<16xf32>
    %neg3A_1077 = arith.constant 0.000000e+00 : f32
    %neg3A_1078 = vector.broadcast %neg3A_1077 : f32 to vector<16xf32>
    %neg3A_1079 = arith.subf %neg3A_1078, %div3A_1076 : vector<16xf32>
    %exp3A_1080 = math.exp %neg3A_1079 : vector<16xf32>
    %neg3A_1081 = arith.constant 0.000000e+00 : f32
    %neg3A_1082 = vector.broadcast %neg3A_1081 : f32 to vector<16xf32>
    %neg3A_1083 = arith.subf %neg3A_1082, %exp3A_1080 : vector<16xf32>
    %exp3A_1084 = math.exp %neg3A_1083 : vector<16xf32>
    %add3A_1085 = arith.constant 1.000000e+00 : f32
    %add3A_1086 = vector.broadcast %add3A_1085 : f32 to vector<16xf32>
    %add3A_1087 = arith.addf %add3A_1086, %exp3A_1084 : vector<16xf32>
    %div3A_1088 = arith.constant 1.000000e+00 : f32
    %div3A_1089 = vector.broadcast %div3A_1088 : f32 to vector<16xf32>
    %div3A_1090 = arith.divf %div3A_1089, %add3A_1087 : vector<16xf32>
    %swap3A_1091 = arith.constant 80 : index
    %swap3A_1092 = tpu.vector_load %arg29[%swap3A_1091] {strides = array<i32>} : memref<128xf32, #tpu.memory_space<vmem>>, vector<16xf32>,
    %swap3A_1093 = vector.shape_cast %swap3A_1092 : vector<16xf32> to vector<16xf32>
    %swap3A_1094 = vector.shape_cast %div3A_1090 : vector<16xf32> to vector<16xf32>
    tpu.vector_store %arg29[%swap3A_1091], %swap3A_1094 {strides = array<i32>} : memref<128xf32, #tpu.memory_space<vmem>>, vector<16xf32>,
    %get3A_1095 = arith.constant 96 : index
    %get3A_1096 = tpu.vector_load %arg17[%get3A_1095] {strides = array<i32>} : memref<128xf32, #tpu.memory_space<vmem>>, vector<16xf32>,
    %get3A_1097 = vector.shape_cast %get3A_1096 : vector<16xf32> to vector<16xf32>
    %get3A_1098 = arith.constant 96 : index
    %get3A_1099 = tpu.vector_load %arg21[%get3A_1098] {strides = array<i32>} : memref<128xf32, #tpu.memory_space<vmem>>, vector<16xf32>,
    %get3A_1100 = vector.shape_cast %get3A_1099 : vector<16xf32> to vector<16xf32>
    %get3A_1101 = arith.constant 96 : index
    %get3A_1102 = tpu.vector_load %arg25[%get3A_1101] {strides = array<i32>} : memref<128xf32, #tpu.memory_space<vmem>>, vector<16xf32>,
    %get3A_1103 = vector.shape_cast %get3A_1102 : vector<16xf32> to vector<16xf32>
    %max3A_1104 = arith.constant -6.000000e+01 : f32
    %max3A_1105 = vector.broadcast %max3A_1104 : f32 to vector<16xf32>
    %max3A_1106 = arith.maximumf %get3A_1097, %max3A_1105 : vector<16xf32>
    %min3A_1107 = arith.constant 6.000000e+01 : f32
    %min3A_1108 = vector.broadcast %min3A_1107 : f32 to vector<16xf32>
    %min3A_1109 = arith.minimumf %max3A_1106, %min3A_1108 : vector<16xf32>
    %max3A_1110 = arith.constant -6.000000e+01 : f32
    %max3A_1111 = vector.broadcast %max3A_1110 : f32 to vector<16xf32>
    %max3A_1112 = arith.maximumf %get3A_1100, %max3A_1111 : vector<16xf32>
    %min3A_1113 = arith.constant 6.000000e+01 : f32
    %min3A_1114 = vector.broadcast %min3A_1113 : f32 to vector<16xf32>
    %min3A_1115 = arith.minimumf %max3A_1112, %min3A_1114 : vector<16xf32>
    %max3A_1116 = arith.constant -6.000000e+01 : f32
    %max3A_1117 = vector.broadcast %max3A_1116 : f32 to vector<16xf32>
    %max3A_1118 = arith.maximumf %get3A_1103, %max3A_1117 : vector<16xf32>
    %min3A_1119 = arith.constant 6.000000e+01 : f32
    %min3A_1120 = vector.broadcast %min3A_1119 : f32 to vector<16xf32>
    %min3A_1121 = arith.minimumf %max3A_1118, %min3A_1120 : vector<16xf32>
    %neg3A_1122 = arith.constant 0.000000e+00 : f32
    %neg3A_1123 = vector.broadcast %neg3A_1122 : f32 to vector<16xf32>
    %neg3A_1124 = arith.subf %neg3A_1123, %min3A_1109 : vector<16xf32>
    %exp3A_1125 = math.exp %neg3A_1124 : vector<16xf32>
    %neg3A_1126 = arith.constant 0.000000e+00 : f32
    %neg3A_1127 = vector.broadcast %neg3A_1126 : f32 to vector<16xf32>
    %neg3A_1128 = arith.subf %neg3A_1127, %min3A_1115 : vector<16xf32>
    %exp3A_1129 = math.exp %neg3A_1128 : vector<16xf32>
    %neg3A_1130 = arith.constant 0.000000e+00 : f32
    %neg3A_1131 = vector.broadcast %neg3A_1130 : f32 to vector<16xf32>
    %neg3A_1132 = arith.subf %neg3A_1131, %min3A_1121 : vector<16xf32>
    %exp3A_1133 = math.exp %neg3A_1132 : vector<16xf32>
    %sub3A_1134 = arith.subf %exp3A_1129, %exp3A_1125 : vector<16xf32>
    %add3A_1135 = arith.constant 1.000000e+00 : f32
    %add3A_1136 = vector.broadcast %add3A_1135 : f32 to vector<16xf32>
    %add3A_1137 = arith.addf %add3A_1136, %exp3A_1125 : vector<16xf32>
    %add3A_1138 = arith.constant 1.000000e+00 : f32
    %add3A_1139 = vector.broadcast %add3A_1138 : f32 to vector<16xf32>
    %add3A_1140 = arith.addf %add3A_1139, %exp3A_1129 : vector<16xf32>
    %mul3A_1141 = arith.mulf %add3A_1137, %add3A_1140 : vector<16xf32>
    %add3A_1142 = arith.constant 1.000000e+00 : f32
    %add3A_1143 = vector.broadcast %add3A_1142 : f32 to vector<16xf32>
    %add3A_1144 = arith.addf %add3A_1143, %exp3A_1133 : vector<16xf32>
    %mul3A_1145 = arith.mulf %mul3A_1141, %add3A_1144 : vector<16xf32>
    %mul3A_1146 = arith.constant 2.720000e+01 : f32
    %mul3A_1147 = vector.broadcast %mul3A_1146 : f32 to vector<16xf32>
    %mul3A_1148 = arith.mulf %mul3A_1147, %sub3A_1134 : vector<16xf32>
    %div3A_1149 = arith.divf %mul3A_1148, %mul3A_1145 : vector<16xf32>
    %neg3A_1150 = arith.constant 0.000000e+00 : f32
    %neg3A_1151 = vector.broadcast %neg3A_1150 : f32 to vector<16xf32>
    %neg3A_1152 = arith.subf %neg3A_1151, %div3A_1149 : vector<16xf32>
    %exp3A_1153 = math.exp %neg3A_1152 : vector<16xf32>
    %neg3A_1154 = arith.constant 0.000000e+00 : f32
    %neg3A_1155 = vector.broadcast %neg3A_1154 : f32 to vector<16xf32>
    %neg3A_1156 = arith.subf %neg3A_1155, %exp3A_1153 : vector<16xf32>
    %exp3A_1157 = math.exp %neg3A_1156 : vector<16xf32>
    %add3A_1158 = arith.constant 1.000000e+00 : f32
    %add3A_1159 = vector.broadcast %add3A_1158 : f32 to vector<16xf32>
    %add3A_1160 = arith.addf %add3A_1159, %exp3A_1157 : vector<16xf32>
    %div3A_1161 = arith.constant 1.000000e+00 : f32
    %div3A_1162 = vector.broadcast %div3A_1161 : f32 to vector<16xf32>
    %div3A_1163 = arith.divf %div3A_1162, %add3A_1160 : vector<16xf32>
    %swap3A_1164 = arith.constant 96 : index
    %swap3A_1165 = tpu.vector_load %arg29[%swap3A_1164] {strides = array<i32>} : memref<128xf32, #tpu.memory_space<vmem>>, vector<16xf32>,
    %swap3A_1166 = vector.shape_cast %swap3A_1165 : vector<16xf32> to vector<16xf32>
    %swap3A_1167 = vector.shape_cast %div3A_1163 : vector<16xf32> to vector<16xf32>
    tpu.vector_store %arg29[%swap3A_1164], %swap3A_1167 {strides = array<i32>} : memref<128xf32, #tpu.memory_space<vmem>>, vector<16xf32>,
    %get3A_1168 = arith.constant 112 : index
    %get3A_1169 = tpu.vector_load %arg17[%get3A_1168] {strides = array<i32>} : memref<128xf32, #tpu.memory_space<vmem>>, vector<16xf32>,
    %get3A_1170 = vector.shape_cast %get3A_1169 : vector<16xf32> to vector<16xf32>
    %get3A_1171 = arith.constant 112 : index
    %get3A_1172 = tpu.vector_load %arg21[%get3A_1171] {strides = array<i32>} : memref<128xf32, #tpu.memory_space<vmem>>, vector<16xf32>,
    %get3A_1173 = vector.shape_cast %get3A_1172 : vector<16xf32> to vector<16xf32>
    %get3A_1174 = arith.constant 112 : index
    %get3A_1175 = tpu.vector_load %arg25[%get3A_1174] {strides = array<i32>} : memref<128xf32, #tpu.memory_space<vmem>>, vector<16xf32>,
    %get3A_1176 = vector.shape_cast %get3A_1175 : vector<16xf32> to vector<16xf32>
    %max3A_1177 = arith.constant -6.000000e+01 : f32
    %max3A_1178 = vector.broadcast %max3A_1177 : f32 to vector<16xf32>
    %max3A_1179 = arith.maximumf %get3A_1170, %max3A_1178 : vector<16xf32>
    %min3A_1180 = arith.constant 6.000000e+01 : f32
    %min3A_1181 = vector.broadcast %min3A_1180 : f32 to vector<16xf32>
    %min3A_1182 = arith.minimumf %max3A_1179, %min3A_1181 : vector<16xf32>
    %max3A_1183 = arith.constant -6.000000e+01 : f32
    %max3A_1184 = vector.broadcast %max3A_1183 : f32 to vector<16xf32>
    %max3A_1185 = arith.maximumf %get3A_1173, %max3A_1184 : vector<16xf32>
    %min3A_1186 = arith.constant 6.000000e+01 : f32
    %min3A_1187 = vector.broadcast %min3A_1186 : f32 to vector<16xf32>
    %min3A_1188 = arith.minimumf %max3A_1185, %min3A_1187 : vector<16xf32>
    %max3A_1189 = arith.constant -6.000000e+01 : f32
    %max3A_1190 = vector.broadcast %max3A_1189 : f32 to vector<16xf32>
    %max3A_1191 = arith.maximumf %get3A_1176, %max3A_1190 : vector<16xf32>
    %min3A_1192 = arith.constant 6.000000e+01 : f32
    %min3A_1193 = vector.broadcast %min3A_1192 : f32 to vector<16xf32>
    %min3A_1194 = arith.minimumf %max3A_1191, %min3A_1193 : vector<16xf32>
    %neg3A_1195 = arith.constant 0.000000e+00 : f32
    %neg3A_1196 = vector.broadcast %neg3A_1195 : f32 to vector<16xf32>
    %neg3A_1197 = arith.subf %neg3A_1196, %min3A_1182 : vector<16xf32>
    %exp3A_1198 = math.exp %neg3A_1197 : vector<16xf32>
    %neg3A_1199 = arith.constant 0.000000e+00 : f32
    %neg3A_1200 = vector.broadcast %neg3A_1199 : f32 to vector<16xf32>
    %neg3A_1201 = arith.subf %neg3A_1200, %min3A_1188 : vector<16xf32>
    %exp3A_1202 = math.exp %neg3A_1201 : vector<16xf32>
    %neg3A_1203 = arith.constant 0.000000e+00 : f32
    %neg3A_1204 = vector.broadcast %neg3A_1203 : f32 to vector<16xf32>
    %neg3A_1205 = arith.subf %neg3A_1204, %min3A_1194 : vector<16xf32>
    %exp3A_1206 = math.exp %neg3A_1205 : vector<16xf32>
    %sub3A_1207 = arith.subf %exp3A_1202, %exp3A_1198 : vector<16xf32>
    %add3A_1208 = arith.constant 1.000000e+00 : f32
    %add3A_1209 = vector.broadcast %add3A_1208 : f32 to vector<16xf32>
    %add3A_1210 = arith.addf %add3A_1209, %exp3A_1198 : vector<16xf32>
    %add3A_1211 = arith.constant 1.000000e+00 : f32
    %add3A_1212 = vector.broadcast %add3A_1211 : f32 to vector<16xf32>
    %add3A_1213 = arith.addf %add3A_1212, %exp3A_1202 : vector<16xf32>
    %mul3A_1214 = arith.mulf %add3A_1210, %add3A_1213 : vector<16xf32>
    %add3A_1215 = arith.constant 1.000000e+00 : f32
    %add3A_1216 = vector.broadcast %add3A_1215 : f32 to vector<16xf32>
    %add3A_1217 = arith.addf %add3A_1216, %exp3A_1206 : vector<16xf32>
    %mul3A_1218 = arith.mulf %mul3A_1214, %add3A_1217 : vector<16xf32>
    %mul3A_1219 = arith.constant 2.720000e+01 : f32
    %mul3A_1220 = vector.broadcast %mul3A_1219 : f32 to vector<16xf32>
    %mul3A_1221 = arith.mulf %mul3A_1220, %sub3A_1207 : vector<16xf32>
    %div3A_1222 = arith.divf %mul3A_1221, %mul3A_1218 : vector<16xf32>
    %neg3A_1223 = arith.constant 0.000000e+00 : f32
    %neg3A_1224 = vector.broadcast %neg3A_1223 : f32 to vector<16xf32>
    %neg3A_1225 = arith.subf %neg3A_1224, %div3A_1222 : vector<16xf32>
    %exp3A_1226 = math.exp %neg3A_1225 : vector<16xf32>
    %neg3A_1227 = arith.constant 0.000000e+00 : f32
    %neg3A_1228 = vector.broadcast %neg3A_1227 : f32 to vector<16xf32>
    %neg3A_1229 = arith.subf %neg3A_1228, %exp3A_1226 : vector<16xf32>
    %exp3A_1230 = math.exp %neg3A_1229 : vector<16xf32>
    %add3A_1231 = arith.constant 1.000000e+00 : f32
    %add3A_1232 = vector.broadcast %add3A_1231 : f32 to vector<16xf32>
    %add3A_1233 = arith.addf %add3A_1232, %exp3A_1230 : vector<16xf32>
    %div3A_1234 = arith.constant 1.000000e+00 : f32
    %div3A_1235 = vector.broadcast %div3A_1234 : f32 to vector<16xf32>
    %div3A_1236 = arith.divf %div3A_1235, %add3A_1233 : vector<16xf32>
    %swap3A_1237 = arith.constant 112 : index
    %swap3A_1238 = tpu.vector_load %arg29[%swap3A_1237] {strides = array<i32>} : memref<128xf32, #tpu.memory_space<vmem>>, vector<16xf32>,
    %swap3A_1239 = vector.shape_cast %swap3A_1238 : vector<16xf32> to vector<16xf32>
    %swap3A_1240 = vector.shape_cast %div3A_1236 : vector<16xf32> to vector<16xf32>
    tpu.vector_store %arg29[%swap3A_1237], %swap3A_1240 {strides = array<i32>} : memref<128xf32, #tpu.memory_space<vmem>>, vector<16xf32>,
    %add3A_1241 = arith.constant 128 : i32
    %add3A_1242 = arith.addi %mul3A_2, %add3A_1241 : i32
    %dma_start3A_1243 = tpu.memref_slice %arg7[%add3A_1242] : memref<16384xf32, #tpu.memory_space<hbm>> -> memref<128xf32, #tpu.memory_space<hbm>>
    %dma_start3A_1244 = tpu.memref_slice %arg7[%add3A_1242] : memref<16384xf32, #tpu.memory_space<hbm>> -> memref<128xf32, #tpu.memory_space<hbm>>
    tpu.enqueue_dma source(%arg29 : memref<128xf32, #tpu.memory_space<vmem>>) target(%dma_start3A_1244 : memref<128xf32, #tpu.memory_space<hbm>>) target_semaphore(%arg33 : memref<!tpu.dma_semaphore, #tpu.memory_space<semaphore_mem>>)
    %dma_wait3A_1245 = arith.constant 0 : i32
    %dma_wait3A_1246 = tpu.memref_slice %arg4[%dma_wait3A_1245] : memref<1000000xf32, #tpu.memory_space<hbm>> -> memref<1000000xf32, #tpu.memory_space<hbm>>
    tpu.wait_indirect_dma semaphore(%arg36 : memref<!tpu.dma_semaphore, #tpu.memory_space<semaphore_mem>>) src(%dma_wait3A_1246 : memref<1000000xf32, #tpu.memory_space<hbm>>) dst(%arg18 : memref<128xf32, #tpu.memory_space<vmem>>)
    %dma_wait3A_1247 = arith.constant 0 : i32
    %dma_wait3A_1248 = tpu.memref_slice %arg5[%dma_wait3A_1247] : memref<100000xf32, #tpu.memory_space<hbm>> -> memref<100000xf32, #tpu.memory_space<hbm>>
    tpu.wait_indirect_dma semaphore(%arg36 : memref<!tpu.dma_semaphore, #tpu.memory_space<semaphore_mem>>) src(%dma_wait3A_1248 : memref<100000xf32, #tpu.memory_space<hbm>>) dst(%arg22 : memref<128xf32, #tpu.memory_space<vmem>>)
    %dma_wait3A_1249 = arith.constant 0 : i32
    %dma_wait3A_1250 = tpu.memref_slice %arg6[%dma_wait3A_1249] : memref<100000xf32, #tpu.memory_space<hbm>> -> memref<100000xf32, #tpu.memory_space<hbm>>
    tpu.wait_indirect_dma semaphore(%arg36 : memref<!tpu.dma_semaphore, #tpu.memory_space<semaphore_mem>>) src(%dma_wait3A_1250 : memref<100000xf32, #tpu.memory_space<hbm>>) dst(%arg26 : memref<128xf32, #tpu.memory_space<vmem>>)
    %get3A_1251 = arith.constant 0 : index
    %get3A_1252 = tpu.vector_load %arg18[%get3A_1251] {strides = array<i32>} : memref<128xf32, #tpu.memory_space<vmem>>, vector<16xf32>,
    %get3A_1253 = vector.shape_cast %get3A_1252 : vector<16xf32> to vector<16xf32>
    %get3A_1254 = arith.constant 0 : index
    %get3A_1255 = tpu.vector_load %arg22[%get3A_1254] {strides = array<i32>} : memref<128xf32, #tpu.memory_space<vmem>>, vector<16xf32>,
    %get3A_1256 = vector.shape_cast %get3A_1255 : vector<16xf32> to vector<16xf32>
    %get3A_1257 = arith.constant 0 : index
    %get3A_1258 = tpu.vector_load %arg26[%get3A_1257] {strides = array<i32>} : memref<128xf32, #tpu.memory_space<vmem>>, vector<16xf32>,
    %get3A_1259 = vector.shape_cast %get3A_1258 : vector<16xf32> to vector<16xf32>
    %max3A_1260 = arith.constant -6.000000e+01 : f32
    %max3A_1261 = vector.broadcast %max3A_1260 : f32 to vector<16xf32>
    %max3A_1262 = arith.maximumf %get3A_1253, %max3A_1261 : vector<16xf32>
    %min3A_1263 = arith.constant 6.000000e+01 : f32
    %min3A_1264 = vector.broadcast %min3A_1263 : f32 to vector<16xf32>
    %min3A_1265 = arith.minimumf %max3A_1262, %min3A_1264 : vector<16xf32>
    %max3A_1266 = arith.constant -6.000000e+01 : f32
    %max3A_1267 = vector.broadcast %max3A_1266 : f32 to vector<16xf32>
    %max3A_1268 = arith.maximumf %get3A_1256, %max3A_1267 : vector<16xf32>
    %min3A_1269 = arith.constant 6.000000e+01 : f32
    %min3A_1270 = vector.broadcast %min3A_1269 : f32 to vector<16xf32>
    %min3A_1271 = arith.minimumf %max3A_1268, %min3A_1270 : vector<16xf32>
    %max3A_1272 = arith.constant -6.000000e+01 : f32
    %max3A_1273 = vector.broadcast %max3A_1272 : f32 to vector<16xf32>
    %max3A_1274 = arith.maximumf %get3A_1259, %max3A_1273 : vector<16xf32>
    %min3A_1275 = arith.constant 6.000000e+01 : f32
    %min3A_1276 = vector.broadcast %min3A_1275 : f32 to vector<16xf32>
    %min3A_1277 = arith.minimumf %max3A_1274, %min3A_1276 : vector<16xf32>
    %neg3A_1278 = arith.constant 0.000000e+00 : f32
    %neg3A_1279 = vector.broadcast %neg3A_1278 : f32 to vector<16xf32>
    %neg3A_1280 = arith.subf %neg3A_1279, %min3A_1265 : vector<16xf32>
    %exp3A_1281 = math.exp %neg3A_1280 : vector<16xf32>
    %neg3A_1282 = arith.constant 0.000000e+00 : f32
    %neg3A_1283 = vector.broadcast %neg3A_1282 : f32 to vector<16xf32>
    %neg3A_1284 = arith.subf %neg3A_1283, %min3A_1271 : vector<16xf32>
    %exp3A_1285 = math.exp %neg3A_1284 : vector<16xf32>
    %neg3A_1286 = arith.constant 0.000000e+00 : f32
    %neg3A_1287 = vector.broadcast %neg3A_1286 : f32 to vector<16xf32>
    %neg3A_1288 = arith.subf %neg3A_1287, %min3A_1277 : vector<16xf32>
    %exp3A_1289 = math.exp %neg3A_1288 : vector<16xf32>
    %sub3A_1290 = arith.subf %exp3A_1285, %exp3A_1281 : vector<16xf32>
    %add3A_1291 = arith.constant 1.000000e+00 : f32
    %add3A_1292 = vector.broadcast %add3A_1291 : f32 to vector<16xf32>
    %add3A_1293 = arith.addf %add3A_1292, %exp3A_1281 : vector<16xf32>
    %add3A_1294 = arith.constant 1.000000e+00 : f32
    %add3A_1295 = vector.broadcast %add3A_1294 : f32 to vector<16xf32>
    %add3A_1296 = arith.addf %add3A_1295, %exp3A_1285 : vector<16xf32>
    %mul3A_1297 = arith.mulf %add3A_1293, %add3A_1296 : vector<16xf32>
    %add3A_1298 = arith.constant 1.000000e+00 : f32
    %add3A_1299 = vector.broadcast %add3A_1298 : f32 to vector<16xf32>
    %add3A_1300 = arith.addf %add3A_1299, %exp3A_1289 : vector<16xf32>
    %mul3A_1301 = arith.mulf %mul3A_1297, %add3A_1300 : vector<16xf32>
    %mul3A_1302 = arith.constant 2.720000e+01 : f32
    %mul3A_1303 = vector.broadcast %mul3A_1302 : f32 to vector<16xf32>
    %mul3A_1304 = arith.mulf %mul3A_1303, %sub3A_1290 : vector<16xf32>
    %div3A_1305 = arith.divf %mul3A_1304, %mul3A_1301 : vector<16xf32>
    %neg3A_1306 = arith.constant 0.000000e+00 : f32
    %neg3A_1307 = vector.broadcast %neg3A_1306 : f32 to vector<16xf32>
    %neg3A_1308 = arith.subf %neg3A_1307, %div3A_1305 : vector<16xf32>
    %exp3A_1309 = math.exp %neg3A_1308 : vector<16xf32>
    %neg3A_1310 = arith.constant 0.000000e+00 : f32
    %neg3A_1311 = vector.broadcast %neg3A_1310 : f32 to vector<16xf32>
    %neg3A_1312 = arith.subf %neg3A_1311, %exp3A_1309 : vector<16xf32>
    %exp3A_1313 = math.exp %neg3A_1312 : vector<16xf32>
    %add3A_1314 = arith.constant 1.000000e+00 : f32
    %add3A_1315 = vector.broadcast %add3A_1314 : f32 to vector<16xf32>
    %add3A_1316 = arith.addf %add3A_1315, %exp3A_1313 : vector<16xf32>
    %div3A_1317 = arith.constant 1.000000e+00 : f32
    %div3A_1318 = vector.broadcast %div3A_1317 : f32 to vector<16xf32>
    %div3A_1319 = arith.divf %div3A_1318, %add3A_1316 : vector<16xf32>
    %swap3A_1320 = arith.constant 0 : index
    %swap3A_1321 = tpu.vector_load %arg30[%swap3A_1320] {strides = array<i32>} : memref<128xf32, #tpu.memory_space<vmem>>, vector<16xf32>,
    %swap3A_1322 = vector.shape_cast %swap3A_1321 : vector<16xf32> to vector<16xf32>
    %swap3A_1323 = vector.shape_cast %div3A_1319 : vector<16xf32> to vector<16xf32>
    tpu.vector_store %arg30[%swap3A_1320], %swap3A_1323 {strides = array<i32>} : memref<128xf32, #tpu.memory_space<vmem>>, vector<16xf32>,
    %get3A_1324 = arith.constant 16 : index
    %get3A_1325 = tpu.vector_load %arg18[%get3A_1324] {strides = array<i32>} : memref<128xf32, #tpu.memory_space<vmem>>, vector<16xf32>,
    %get3A_1326 = vector.shape_cast %get3A_1325 : vector<16xf32> to vector<16xf32>
    %get3A_1327 = arith.constant 16 : index
    %get3A_1328 = tpu.vector_load %arg22[%get3A_1327] {strides = array<i32>} : memref<128xf32, #tpu.memory_space<vmem>>, vector<16xf32>,
    %get3A_1329 = vector.shape_cast %get3A_1328 : vector<16xf32> to vector<16xf32>
    %get3A_1330 = arith.constant 16 : index
    %get3A_1331 = tpu.vector_load %arg26[%get3A_1330] {strides = array<i32>} : memref<128xf32, #tpu.memory_space<vmem>>, vector<16xf32>,
    %get3A_1332 = vector.shape_cast %get3A_1331 : vector<16xf32> to vector<16xf32>
    %max3A_1333 = arith.constant -6.000000e+01 : f32
    %max3A_1334 = vector.broadcast %max3A_1333 : f32 to vector<16xf32>
    %max3A_1335 = arith.maximumf %get3A_1326, %max3A_1334 : vector<16xf32>
    %min3A_1336 = arith.constant 6.000000e+01 : f32
    %min3A_1337 = vector.broadcast %min3A_1336 : f32 to vector<16xf32>
    %min3A_1338 = arith.minimumf %max3A_1335, %min3A_1337 : vector<16xf32>
    %max3A_1339 = arith.constant -6.000000e+01 : f32
    %max3A_1340 = vector.broadcast %max3A_1339 : f32 to vector<16xf32>
    %max3A_1341 = arith.maximumf %get3A_1329, %max3A_1340 : vector<16xf32>
    %min3A_1342 = arith.constant 6.000000e+01 : f32
    %min3A_1343 = vector.broadcast %min3A_1342 : f32 to vector<16xf32>
    %min3A_1344 = arith.minimumf %max3A_1341, %min3A_1343 : vector<16xf32>
    %max3A_1345 = arith.constant -6.000000e+01 : f32
    %max3A_1346 = vector.broadcast %max3A_1345 : f32 to vector<16xf32>
    %max3A_1347 = arith.maximumf %get3A_1332, %max3A_1346 : vector<16xf32>
    %min3A_1348 = arith.constant 6.000000e+01 : f32
    %min3A_1349 = vector.broadcast %min3A_1348 : f32 to vector<16xf32>
    %min3A_1350 = arith.minimumf %max3A_1347, %min3A_1349 : vector<16xf32>
    %neg3A_1351 = arith.constant 0.000000e+00 : f32
    %neg3A_1352 = vector.broadcast %neg3A_1351 : f32 to vector<16xf32>
    %neg3A_1353 = arith.subf %neg3A_1352, %min3A_1338 : vector<16xf32>
    %exp3A_1354 = math.exp %neg3A_1353 : vector<16xf32>
    %neg3A_1355 = arith.constant 0.000000e+00 : f32
    %neg3A_1356 = vector.broadcast %neg3A_1355 : f32 to vector<16xf32>
    %neg3A_1357 = arith.subf %neg3A_1356, %min3A_1344 : vector<16xf32>
    %exp3A_1358 = math.exp %neg3A_1357 : vector<16xf32>
    %neg3A_1359 = arith.constant 0.000000e+00 : f32
    %neg3A_1360 = vector.broadcast %neg3A_1359 : f32 to vector<16xf32>
    %neg3A_1361 = arith.subf %neg3A_1360, %min3A_1350 : vector<16xf32>
    %exp3A_1362 = math.exp %neg3A_1361 : vector<16xf32>
    %sub3A_1363 = arith.subf %exp3A_1358, %exp3A_1354 : vector<16xf32>
    %add3A_1364 = arith.constant 1.000000e+00 : f32
    %add3A_1365 = vector.broadcast %add3A_1364 : f32 to vector<16xf32>
    %add3A_1366 = arith.addf %add3A_1365, %exp3A_1354 : vector<16xf32>
    %add3A_1367 = arith.constant 1.000000e+00 : f32
    %add3A_1368 = vector.broadcast %add3A_1367 : f32 to vector<16xf32>
    %add3A_1369 = arith.addf %add3A_1368, %exp3A_1358 : vector<16xf32>
    %mul3A_1370 = arith.mulf %add3A_1366, %add3A_1369 : vector<16xf32>
    %add3A_1371 = arith.constant 1.000000e+00 : f32
    %add3A_1372 = vector.broadcast %add3A_1371 : f32 to vector<16xf32>
    %add3A_1373 = arith.addf %add3A_1372, %exp3A_1362 : vector<16xf32>
    %mul3A_1374 = arith.mulf %mul3A_1370, %add3A_1373 : vector<16xf32>
    %mul3A_1375 = arith.constant 2.720000e+01 : f32
    %mul3A_1376 = vector.broadcast %mul3A_1375 : f32 to vector<16xf32>
    %mul3A_1377 = arith.mulf %mul3A_1376, %sub3A_1363 : vector<16xf32>
    %div3A_1378 = arith.divf %mul3A_1377, %mul3A_1374 : vector<16xf32>
    %neg3A_1379 = arith.constant 0.000000e+00 : f32
    %neg3A_1380 = vector.broadcast %neg3A_1379 : f32 to vector<16xf32>
    %neg3A_1381 = arith.subf %neg3A_1380, %div3A_1378 : vector<16xf32>
    %exp3A_1382 = math.exp %neg3A_1381 : vector<16xf32>
    %neg3A_1383 = arith.constant 0.000000e+00 : f32
    %neg3A_1384 = vector.broadcast %neg3A_1383 : f32 to vector<16xf32>
    %neg3A_1385 = arith.subf %neg3A_1384, %exp3A_1382 : vector<16xf32>
    %exp3A_1386 = math.exp %neg3A_1385 : vector<16xf32>
    %add3A_1387 = arith.constant 1.000000e+00 : f32
    %add3A_1388 = vector.broadcast %add3A_1387 : f32 to vector<16xf32>
    %add3A_1389 = arith.addf %add3A_1388, %exp3A_1386 : vector<16xf32>
    %div3A_1390 = arith.constant 1.000000e+00 : f32
    %div3A_1391 = vector.broadcast %div3A_1390 : f32 to vector<16xf32>
    %div3A_1392 = arith.divf %div3A_1391, %add3A_1389 : vector<16xf32>
    %swap3A_1393 = arith.constant 16 : index
    %swap3A_1394 = tpu.vector_load %arg30[%swap3A_1393] {strides = array<i32>} : memref<128xf32, #tpu.memory_space<vmem>>, vector<16xf32>,
    %swap3A_1395 = vector.shape_cast %swap3A_1394 : vector<16xf32> to vector<16xf32>
    %swap3A_1396 = vector.shape_cast %div3A_1392 : vector<16xf32> to vector<16xf32>
    tpu.vector_store %arg30[%swap3A_1393], %swap3A_1396 {strides = array<i32>} : memref<128xf32, #tpu.memory_space<vmem>>, vector<16xf32>,
    %get3A_1397 = arith.constant 32 : index
    %get3A_1398 = tpu.vector_load %arg18[%get3A_1397] {strides = array<i32>} : memref<128xf32, #tpu.memory_space<vmem>>, vector<16xf32>,
    %get3A_1399 = vector.shape_cast %get3A_1398 : vector<16xf32> to vector<16xf32>
    %get3A_1400 = arith.constant 32 : index
    %get3A_1401 = tpu.vector_load %arg22[%get3A_1400] {strides = array<i32>} : memref<128xf32, #tpu.memory_space<vmem>>, vector<16xf32>,
    %get3A_1402 = vector.shape_cast %get3A_1401 : vector<16xf32> to vector<16xf32>
    %get3A_1403 = arith.constant 32 : index
    %get3A_1404 = tpu.vector_load %arg26[%get3A_1403] {strides = array<i32>} : memref<128xf32, #tpu.memory_space<vmem>>, vector<16xf32>,
    %get3A_1405 = vector.shape_cast %get3A_1404 : vector<16xf32> to vector<16xf32>
    %max3A_1406 = arith.constant -6.000000e+01 : f32
    %max3A_1407 = vector.broadcast %max3A_1406 : f32 to vector<16xf32>
    %max3A_1408 = arith.maximumf %get3A_1399, %max3A_1407 : vector<16xf32>
    %min3A_1409 = arith.constant 6.000000e+01 : f32
    %min3A_1410 = vector.broadcast %min3A_1409 : f32 to vector<16xf32>
    %min3A_1411 = arith.minimumf %max3A_1408, %min3A_1410 : vector<16xf32>
    %max3A_1412 = arith.constant -6.000000e+01 : f32
    %max3A_1413 = vector.broadcast %max3A_1412 : f32 to vector<16xf32>
    %max3A_1414 = arith.maximumf %get3A_1402, %max3A_1413 : vector<16xf32>
    %min3A_1415 = arith.constant 6.000000e+01 : f32
    %min3A_1416 = vector.broadcast %min3A_1415 : f32 to vector<16xf32>
    %min3A_1417 = arith.minimumf %max3A_1414, %min3A_1416 : vector<16xf32>
    %max3A_1418 = arith.constant -6.000000e+01 : f32
    %max3A_1419 = vector.broadcast %max3A_1418 : f32 to vector<16xf32>
    %max3A_1420 = arith.maximumf %get3A_1405, %max3A_1419 : vector<16xf32>
    %min3A_1421 = arith.constant 6.000000e+01 : f32
    %min3A_1422 = vector.broadcast %min3A_1421 : f32 to vector<16xf32>
    %min3A_1423 = arith.minimumf %max3A_1420, %min3A_1422 : vector<16xf32>
    %neg3A_1424 = arith.constant 0.000000e+00 : f32
    %neg3A_1425 = vector.broadcast %neg3A_1424 : f32 to vector<16xf32>
    %neg3A_1426 = arith.subf %neg3A_1425, %min3A_1411 : vector<16xf32>
    %exp3A_1427 = math.exp %neg3A_1426 : vector<16xf32>
    %neg3A_1428 = arith.constant 0.000000e+00 : f32
    %neg3A_1429 = vector.broadcast %neg3A_1428 : f32 to vector<16xf32>
    %neg3A_1430 = arith.subf %neg3A_1429, %min3A_1417 : vector<16xf32>
    %exp3A_1431 = math.exp %neg3A_1430 : vector<16xf32>
    %neg3A_1432 = arith.constant 0.000000e+00 : f32
    %neg3A_1433 = vector.broadcast %neg3A_1432 : f32 to vector<16xf32>
    %neg3A_1434 = arith.subf %neg3A_1433, %min3A_1423 : vector<16xf32>
    %exp3A_1435 = math.exp %neg3A_1434 : vector<16xf32>
    %sub3A_1436 = arith.subf %exp3A_1431, %exp3A_1427 : vector<16xf32>
    %add3A_1437 = arith.constant 1.000000e+00 : f32
    %add3A_1438 = vector.broadcast %add3A_1437 : f32 to vector<16xf32>
    %add3A_1439 = arith.addf %add3A_1438, %exp3A_1427 : vector<16xf32>
    %add3A_1440 = arith.constant 1.000000e+00 : f32
    %add3A_1441 = vector.broadcast %add3A_1440 : f32 to vector<16xf32>
    %add3A_1442 = arith.addf %add3A_1441, %exp3A_1431 : vector<16xf32>
    %mul3A_1443 = arith.mulf %add3A_1439, %add3A_1442 : vector<16xf32>
    %add3A_1444 = arith.constant 1.000000e+00 : f32
    %add3A_1445 = vector.broadcast %add3A_1444 : f32 to vector<16xf32>
    %add3A_1446 = arith.addf %add3A_1445, %exp3A_1435 : vector<16xf32>
    %mul3A_1447 = arith.mulf %mul3A_1443, %add3A_1446 : vector<16xf32>
    %mul3A_1448 = arith.constant 2.720000e+01 : f32
    %mul3A_1449 = vector.broadcast %mul3A_1448 : f32 to vector<16xf32>
    %mul3A_1450 = arith.mulf %mul3A_1449, %sub3A_1436 : vector<16xf32>
    %div3A_1451 = arith.divf %mul3A_1450, %mul3A_1447 : vector<16xf32>
    %neg3A_1452 = arith.constant 0.000000e+00 : f32
    %neg3A_1453 = vector.broadcast %neg3A_1452 : f32 to vector<16xf32>
    %neg3A_1454 = arith.subf %neg3A_1453, %div3A_1451 : vector<16xf32>
    %exp3A_1455 = math.exp %neg3A_1454 : vector<16xf32>
    %neg3A_1456 = arith.constant 0.000000e+00 : f32
    %neg3A_1457 = vector.broadcast %neg3A_1456 : f32 to vector<16xf32>
    %neg3A_1458 = arith.subf %neg3A_1457, %exp3A_1455 : vector<16xf32>
    %exp3A_1459 = math.exp %neg3A_1458 : vector<16xf32>
    %add3A_1460 = arith.constant 1.000000e+00 : f32
    %add3A_1461 = vector.broadcast %add3A_1460 : f32 to vector<16xf32>
    %add3A_1462 = arith.addf %add3A_1461, %exp3A_1459 : vector<16xf32>
    %div3A_1463 = arith.constant 1.000000e+00 : f32
    %div3A_1464 = vector.broadcast %div3A_1463 : f32 to vector<16xf32>
    %div3A_1465 = arith.divf %div3A_1464, %add3A_1462 : vector<16xf32>
    %swap3A_1466 = arith.constant 32 : index
    %swap3A_1467 = tpu.vector_load %arg30[%swap3A_1466] {strides = array<i32>} : memref<128xf32, #tpu.memory_space<vmem>>, vector<16xf32>,
    %swap3A_1468 = vector.shape_cast %swap3A_1467 : vector<16xf32> to vector<16xf32>
    %swap3A_1469 = vector.shape_cast %div3A_1465 : vector<16xf32> to vector<16xf32>
    tpu.vector_store %arg30[%swap3A_1466], %swap3A_1469 {strides = array<i32>} : memref<128xf32, #tpu.memory_space<vmem>>, vector<16xf32>,
    %get3A_1470 = arith.constant 48 : index
    %get3A_1471 = tpu.vector_load %arg18[%get3A_1470] {strides = array<i32>} : memref<128xf32, #tpu.memory_space<vmem>>, vector<16xf32>,
    %get3A_1472 = vector.shape_cast %get3A_1471 : vector<16xf32> to vector<16xf32>
    %get3A_1473 = arith.constant 48 : index
    %get3A_1474 = tpu.vector_load %arg22[%get3A_1473] {strides = array<i32>} : memref<128xf32, #tpu.memory_space<vmem>>, vector<16xf32>,
    %get3A_1475 = vector.shape_cast %get3A_1474 : vector<16xf32> to vector<16xf32>
    %get3A_1476 = arith.constant 48 : index
    %get3A_1477 = tpu.vector_load %arg26[%get3A_1476] {strides = array<i32>} : memref<128xf32, #tpu.memory_space<vmem>>, vector<16xf32>,
    %get3A_1478 = vector.shape_cast %get3A_1477 : vector<16xf32> to vector<16xf32>
    %max3A_1479 = arith.constant -6.000000e+01 : f32
    %max3A_1480 = vector.broadcast %max3A_1479 : f32 to vector<16xf32>
    %max3A_1481 = arith.maximumf %get3A_1472, %max3A_1480 : vector<16xf32>
    %min3A_1482 = arith.constant 6.000000e+01 : f32
    %min3A_1483 = vector.broadcast %min3A_1482 : f32 to vector<16xf32>
    %min3A_1484 = arith.minimumf %max3A_1481, %min3A_1483 : vector<16xf32>
    %max3A_1485 = arith.constant -6.000000e+01 : f32
    %max3A_1486 = vector.broadcast %max3A_1485 : f32 to vector<16xf32>
    %max3A_1487 = arith.maximumf %get3A_1475, %max3A_1486 : vector<16xf32>
    %min3A_1488 = arith.constant 6.000000e+01 : f32
    %min3A_1489 = vector.broadcast %min3A_1488 : f32 to vector<16xf32>
    %min3A_1490 = arith.minimumf %max3A_1487, %min3A_1489 : vector<16xf32>
    %max3A_1491 = arith.constant -6.000000e+01 : f32
    %max3A_1492 = vector.broadcast %max3A_1491 : f32 to vector<16xf32>
    %max3A_1493 = arith.maximumf %get3A_1478, %max3A_1492 : vector<16xf32>
    %min3A_1494 = arith.constant 6.000000e+01 : f32
    %min3A_1495 = vector.broadcast %min3A_1494 : f32 to vector<16xf32>
    %min3A_1496 = arith.minimumf %max3A_1493, %min3A_1495 : vector<16xf32>
    %neg3A_1497 = arith.constant 0.000000e+00 : f32
    %neg3A_1498 = vector.broadcast %neg3A_1497 : f32 to vector<16xf32>
    %neg3A_1499 = arith.subf %neg3A_1498, %min3A_1484 : vector<16xf32>
    %exp3A_1500 = math.exp %neg3A_1499 : vector<16xf32>
    %neg3A_1501 = arith.constant 0.000000e+00 : f32
    %neg3A_1502 = vector.broadcast %neg3A_1501 : f32 to vector<16xf32>
    %neg3A_1503 = arith.subf %neg3A_1502, %min3A_1490 : vector<16xf32>
    %exp3A_1504 = math.exp %neg3A_1503 : vector<16xf32>
    %neg3A_1505 = arith.constant 0.000000e+00 : f32
    %neg3A_1506 = vector.broadcast %neg3A_1505 : f32 to vector<16xf32>
    %neg3A_1507 = arith.subf %neg3A_1506, %min3A_1496 : vector<16xf32>
    %exp3A_1508 = math.exp %neg3A_1507 : vector<16xf32>
    %sub3A_1509 = arith.subf %exp3A_1504, %exp3A_1500 : vector<16xf32>
    %add3A_1510 = arith.constant 1.000000e+00 : f32
    %add3A_1511 = vector.broadcast %add3A_1510 : f32 to vector<16xf32>
    %add3A_1512 = arith.addf %add3A_1511, %exp3A_1500 : vector<16xf32>
    %add3A_1513 = arith.constant 1.000000e+00 : f32
    %add3A_1514 = vector.broadcast %add3A_1513 : f32 to vector<16xf32>
    %add3A_1515 = arith.addf %add3A_1514, %exp3A_1504 : vector<16xf32>
    %mul3A_1516 = arith.mulf %add3A_1512, %add3A_1515 : vector<16xf32>
    %add3A_1517 = arith.constant 1.000000e+00 : f32
    %add3A_1518 = vector.broadcast %add3A_1517 : f32 to vector<16xf32>
    %add3A_1519 = arith.addf %add3A_1518, %exp3A_1508 : vector<16xf32>
    %mul3A_1520 = arith.mulf %mul3A_1516, %add3A_1519 : vector<16xf32>
    %mul3A_1521 = arith.constant 2.720000e+01 : f32
    %mul3A_1522 = vector.broadcast %mul3A_1521 : f32 to vector<16xf32>
    %mul3A_1523 = arith.mulf %mul3A_1522, %sub3A_1509 : vector<16xf32>
    %div3A_1524 = arith.divf %mul3A_1523, %mul3A_1520 : vector<16xf32>
    %neg3A_1525 = arith.constant 0.000000e+00 : f32
    %neg3A_1526 = vector.broadcast %neg3A_1525 : f32 to vector<16xf32>
    %neg3A_1527 = arith.subf %neg3A_1526, %div3A_1524 : vector<16xf32>
    %exp3A_1528 = math.exp %neg3A_1527 : vector<16xf32>
    %neg3A_1529 = arith.constant 0.000000e+00 : f32
    %neg3A_1530 = vector.broadcast %neg3A_1529 : f32 to vector<16xf32>
    %neg3A_1531 = arith.subf %neg3A_1530, %exp3A_1528 : vector<16xf32>
    %exp3A_1532 = math.exp %neg3A_1531 : vector<16xf32>
    %add3A_1533 = arith.constant 1.000000e+00 : f32
    %add3A_1534 = vector.broadcast %add3A_1533 : f32 to vector<16xf32>
    %add3A_1535 = arith.addf %add3A_1534, %exp3A_1532 : vector<16xf32>
    %div3A_1536 = arith.constant 1.000000e+00 : f32
    %div3A_1537 = vector.broadcast %div3A_1536 : f32 to vector<16xf32>
    %div3A_1538 = arith.divf %div3A_1537, %add3A_1535 : vector<16xf32>
    %swap3A_1539 = arith.constant 48 : index
    %swap3A_1540 = tpu.vector_load %arg30[%swap3A_1539] {strides = array<i32>} : memref<128xf32, #tpu.memory_space<vmem>>, vector<16xf32>,
    %swap3A_1541 = vector.shape_cast %swap3A_1540 : vector<16xf32> to vector<16xf32>
    %swap3A_1542 = vector.shape_cast %div3A_1538 : vector<16xf32> to vector<16xf32>
    tpu.vector_store %arg30[%swap3A_1539], %swap3A_1542 {strides = array<i32>} : memref<128xf32, #tpu.memory_space<vmem>>, vector<16xf32>,
    %get3A_1543 = arith.constant 64 : index
    %get3A_1544 = tpu.vector_load %arg18[%get3A_1543] {strides = array<i32>} : memref<128xf32, #tpu.memory_space<vmem>>, vector<16xf32>,
    %get3A_1545 = vector.shape_cast %get3A_1544 : vector<16xf32> to vector<16xf32>
    %get3A_1546 = arith.constant 64 : index
    %get3A_1547 = tpu.vector_load %arg22[%get3A_1546] {strides = array<i32>} : memref<128xf32, #tpu.memory_space<vmem>>, vector<16xf32>,
    %get3A_1548 = vector.shape_cast %get3A_1547 : vector<16xf32> to vector<16xf32>
    %get3A_1549 = arith.constant 64 : index
    %get3A_1550 = tpu.vector_load %arg26[%get3A_1549] {strides = array<i32>} : memref<128xf32, #tpu.memory_space<vmem>>, vector<16xf32>,
    %get3A_1551 = vector.shape_cast %get3A_1550 : vector<16xf32> to vector<16xf32>
    %max3A_1552 = arith.constant -6.000000e+01 : f32
    %max3A_1553 = vector.broadcast %max3A_1552 : f32 to vector<16xf32>
    %max3A_1554 = arith.maximumf %get3A_1545, %max3A_1553 : vector<16xf32>
    %min3A_1555 = arith.constant 6.000000e+01 : f32
    %min3A_1556 = vector.broadcast %min3A_1555 : f32 to vector<16xf32>
    %min3A_1557 = arith.minimumf %max3A_1554, %min3A_1556 : vector<16xf32>
    %max3A_1558 = arith.constant -6.000000e+01 : f32
    %max3A_1559 = vector.broadcast %max3A_1558 : f32 to vector<16xf32>
    %max3A_1560 = arith.maximumf %get3A_1548, %max3A_1559 : vector<16xf32>
    %min3A_1561 = arith.constant 6.000000e+01 : f32
    %min3A_1562 = vector.broadcast %min3A_1561 : f32 to vector<16xf32>
    %min3A_1563 = arith.minimumf %max3A_1560, %min3A_1562 : vector<16xf32>
    %max3A_1564 = arith.constant -6.000000e+01 : f32
    %max3A_1565 = vector.broadcast %max3A_1564 : f32 to vector<16xf32>
    %max3A_1566 = arith.maximumf %get3A_1551, %max3A_1565 : vector<16xf32>
    %min3A_1567 = arith.constant 6.000000e+01 : f32
    %min3A_1568 = vector.broadcast %min3A_1567 : f32 to vector<16xf32>
    %min3A_1569 = arith.minimumf %max3A_1566, %min3A_1568 : vector<16xf32>
    %neg3A_1570 = arith.constant 0.000000e+00 : f32
    %neg3A_1571 = vector.broadcast %neg3A_1570 : f32 to vector<16xf32>
    %neg3A_1572 = arith.subf %neg3A_1571, %min3A_1557 : vector<16xf32>
    %exp3A_1573 = math.exp %neg3A_1572 : vector<16xf32>
    %neg3A_1574 = arith.constant 0.000000e+00 : f32
    %neg3A_1575 = vector.broadcast %neg3A_1574 : f32 to vector<16xf32>
    %neg3A_1576 = arith.subf %neg3A_1575, %min3A_1563 : vector<16xf32>
    %exp3A_1577 = math.exp %neg3A_1576 : vector<16xf32>
    %neg3A_1578 = arith.constant 0.000000e+00 : f32
    %neg3A_1579 = vector.broadcast %neg3A_1578 : f32 to vector<16xf32>
    %neg3A_1580 = arith.subf %neg3A_1579, %min3A_1569 : vector<16xf32>
    %exp3A_1581 = math.exp %neg3A_1580 : vector<16xf32>
    %sub3A_1582 = arith.subf %exp3A_1577, %exp3A_1573 : vector<16xf32>
    %add3A_1583 = arith.constant 1.000000e+00 : f32
    %add3A_1584 = vector.broadcast %add3A_1583 : f32 to vector<16xf32>
    %add3A_1585 = arith.addf %add3A_1584, %exp3A_1573 : vector<16xf32>
    %add3A_1586 = arith.constant 1.000000e+00 : f32
    %add3A_1587 = vector.broadcast %add3A_1586 : f32 to vector<16xf32>
    %add3A_1588 = arith.addf %add3A_1587, %exp3A_1577 : vector<16xf32>
    %mul3A_1589 = arith.mulf %add3A_1585, %add3A_1588 : vector<16xf32>
    %add3A_1590 = arith.constant 1.000000e+00 : f32
    %add3A_1591 = vector.broadcast %add3A_1590 : f32 to vector<16xf32>
    %add3A_1592 = arith.addf %add3A_1591, %exp3A_1581 : vector<16xf32>
    %mul3A_1593 = arith.mulf %mul3A_1589, %add3A_1592 : vector<16xf32>
    %mul3A_1594 = arith.constant 2.720000e+01 : f32
    %mul3A_1595 = vector.broadcast %mul3A_1594 : f32 to vector<16xf32>
    %mul3A_1596 = arith.mulf %mul3A_1595, %sub3A_1582 : vector<16xf32>
    %div3A_1597 = arith.divf %mul3A_1596, %mul3A_1593 : vector<16xf32>
    %neg3A_1598 = arith.constant 0.000000e+00 : f32
    %neg3A_1599 = vector.broadcast %neg3A_1598 : f32 to vector<16xf32>
    %neg3A_1600 = arith.subf %neg3A_1599, %div3A_1597 : vector<16xf32>
    %exp3A_1601 = math.exp %neg3A_1600 : vector<16xf32>
    %neg3A_1602 = arith.constant 0.000000e+00 : f32
    %neg3A_1603 = vector.broadcast %neg3A_1602 : f32 to vector<16xf32>
    %neg3A_1604 = arith.subf %neg3A_1603, %exp3A_1601 : vector<16xf32>
    %exp3A_1605 = math.exp %neg3A_1604 : vector<16xf32>
    %add3A_1606 = arith.constant 1.000000e+00 : f32
    %add3A_1607 = vector.broadcast %add3A_1606 : f32 to vector<16xf32>
    %add3A_1608 = arith.addf %add3A_1607, %exp3A_1605 : vector<16xf32>
    %div3A_1609 = arith.constant 1.000000e+00 : f32
    %div3A_1610 = vector.broadcast %div3A_1609 : f32 to vector<16xf32>
    %div3A_1611 = arith.divf %div3A_1610, %add3A_1608 : vector<16xf32>
    %swap3A_1612 = arith.constant 64 : index
    %swap3A_1613 = tpu.vector_load %arg30[%swap3A_1612] {strides = array<i32>} : memref<128xf32, #tpu.memory_space<vmem>>, vector<16xf32>,
    %swap3A_1614 = vector.shape_cast %swap3A_1613 : vector<16xf32> to vector<16xf32>
    %swap3A_1615 = vector.shape_cast %div3A_1611 : vector<16xf32> to vector<16xf32>
    tpu.vector_store %arg30[%swap3A_1612], %swap3A_1615 {strides = array<i32>} : memref<128xf32, #tpu.memory_space<vmem>>, vector<16xf32>,
    %get3A_1616 = arith.constant 80 : index
    %get3A_1617 = tpu.vector_load %arg18[%get3A_1616] {strides = array<i32>} : memref<128xf32, #tpu.memory_space<vmem>>, vector<16xf32>,
    %get3A_1618 = vector.shape_cast %get3A_1617 : vector<16xf32> to vector<16xf32>
    %get3A_1619 = arith.constant 80 : index
    %get3A_1620 = tpu.vector_load %arg22[%get3A_1619] {strides = array<i32>} : memref<128xf32, #tpu.memory_space<vmem>>, vector<16xf32>,
    %get3A_1621 = vector.shape_cast %get3A_1620 : vector<16xf32> to vector<16xf32>
    %get3A_1622 = arith.constant 80 : index
    %get3A_1623 = tpu.vector_load %arg26[%get3A_1622] {strides = array<i32>} : memref<128xf32, #tpu.memory_space<vmem>>, vector<16xf32>,
    %get3A_1624 = vector.shape_cast %get3A_1623 : vector<16xf32> to vector<16xf32>
    %max3A_1625 = arith.constant -6.000000e+01 : f32
    %max3A_1626 = vector.broadcast %max3A_1625 : f32 to vector<16xf32>
    %max3A_1627 = arith.maximumf %get3A_1618, %max3A_1626 : vector<16xf32>
    %min3A_1628 = arith.constant 6.000000e+01 : f32
    %min3A_1629 = vector.broadcast %min3A_1628 : f32 to vector<16xf32>
    %min3A_1630 = arith.minimumf %max3A_1627, %min3A_1629 : vector<16xf32>
    %max3A_1631 = arith.constant -6.000000e+01 : f32
    %max3A_1632 = vector.broadcast %max3A_1631 : f32 to vector<16xf32>
    %max3A_1633 = arith.maximumf %get3A_1621, %max3A_1632 : vector<16xf32>
    %min3A_1634 = arith.constant 6.000000e+01 : f32
    %min3A_1635 = vector.broadcast %min3A_1634 : f32 to vector<16xf32>
    %min3A_1636 = arith.minimumf %max3A_1633, %min3A_1635 : vector<16xf32>
    %max3A_1637 = arith.constant -6.000000e+01 : f32
    %max3A_1638 = vector.broadcast %max3A_1637 : f32 to vector<16xf32>
    %max3A_1639 = arith.maximumf %get3A_1624, %max3A_1638 : vector<16xf32>
    %min3A_1640 = arith.constant 6.000000e+01 : f32
    %min3A_1641 = vector.broadcast %min3A_1640 : f32 to vector<16xf32>
    %min3A_1642 = arith.minimumf %max3A_1639, %min3A_1641 : vector<16xf32>
    %neg3A_1643 = arith.constant 0.000000e+00 : f32
    %neg3A_1644 = vector.broadcast %neg3A_1643 : f32 to vector<16xf32>
    %neg3A_1645 = arith.subf %neg3A_1644, %min3A_1630 : vector<16xf32>
    %exp3A_1646 = math.exp %neg3A_1645 : vector<16xf32>
    %neg3A_1647 = arith.constant 0.000000e+00 : f32
    %neg3A_1648 = vector.broadcast %neg3A_1647 : f32 to vector<16xf32>
    %neg3A_1649 = arith.subf %neg3A_1648, %min3A_1636 : vector<16xf32>
    %exp3A_1650 = math.exp %neg3A_1649 : vector<16xf32>
    %neg3A_1651 = arith.constant 0.000000e+00 : f32
    %neg3A_1652 = vector.broadcast %neg3A_1651 : f32 to vector<16xf32>
    %neg3A_1653 = arith.subf %neg3A_1652, %min3A_1642 : vector<16xf32>
    %exp3A_1654 = math.exp %neg3A_1653 : vector<16xf32>
    %sub3A_1655 = arith.subf %exp3A_1650, %exp3A_1646 : vector<16xf32>
    %add3A_1656 = arith.constant 1.000000e+00 : f32
    %add3A_1657 = vector.broadcast %add3A_1656 : f32 to vector<16xf32>
    %add3A_1658 = arith.addf %add3A_1657, %exp3A_1646 : vector<16xf32>
    %add3A_1659 = arith.constant 1.000000e+00 : f32
    %add3A_1660 = vector.broadcast %add3A_1659 : f32 to vector<16xf32>
    %add3A_1661 = arith.addf %add3A_1660, %exp3A_1650 : vector<16xf32>
    %mul3A_1662 = arith.mulf %add3A_1658, %add3A_1661 : vector<16xf32>
    %add3A_1663 = arith.constant 1.000000e+00 : f32
    %add3A_1664 = vector.broadcast %add3A_1663 : f32 to vector<16xf32>
    %add3A_1665 = arith.addf %add3A_1664, %exp3A_1654 : vector<16xf32>
    %mul3A_1666 = arith.mulf %mul3A_1662, %add3A_1665 : vector<16xf32>
    %mul3A_1667 = arith.constant 2.720000e+01 : f32
    %mul3A_1668 = vector.broadcast %mul3A_1667 : f32 to vector<16xf32>
    %mul3A_1669 = arith.mulf %mul3A_1668, %sub3A_1655 : vector<16xf32>
    %div3A_1670 = arith.divf %mul3A_1669, %mul3A_1666 : vector<16xf32>
    %neg3A_1671 = arith.constant 0.000000e+00 : f32
    %neg3A_1672 = vector.broadcast %neg3A_1671 : f32 to vector<16xf32>
    %neg3A_1673 = arith.subf %neg3A_1672, %div3A_1670 : vector<16xf32>
    %exp3A_1674 = math.exp %neg3A_1673 : vector<16xf32>
    %neg3A_1675 = arith.constant 0.000000e+00 : f32
    %neg3A_1676 = vector.broadcast %neg3A_1675 : f32 to vector<16xf32>
    %neg3A_1677 = arith.subf %neg3A_1676, %exp3A_1674 : vector<16xf32>
    %exp3A_1678 = math.exp %neg3A_1677 : vector<16xf32>
    %add3A_1679 = arith.constant 1.000000e+00 : f32
    %add3A_1680 = vector.broadcast %add3A_1679 : f32 to vector<16xf32>
    %add3A_1681 = arith.addf %add3A_1680, %exp3A_1678 : vector<16xf32>
    %div3A_1682 = arith.constant 1.000000e+00 : f32
    %div3A_1683 = vector.broadcast %div3A_1682 : f32 to vector<16xf32>
    %div3A_1684 = arith.divf %div3A_1683, %add3A_1681 : vector<16xf32>
    %swap3A_1685 = arith.constant 80 : index
    %swap3A_1686 = tpu.vector_load %arg30[%swap3A_1685] {strides = array<i32>} : memref<128xf32, #tpu.memory_space<vmem>>, vector<16xf32>,
    %swap3A_1687 = vector.shape_cast %swap3A_1686 : vector<16xf32> to vector<16xf32>
    %swap3A_1688 = vector.shape_cast %div3A_1684 : vector<16xf32> to vector<16xf32>
    tpu.vector_store %arg30[%swap3A_1685], %swap3A_1688 {strides = array<i32>} : memref<128xf32, #tpu.memory_space<vmem>>, vector<16xf32>,
    %get3A_1689 = arith.constant 96 : index
    %get3A_1690 = tpu.vector_load %arg18[%get3A_1689] {strides = array<i32>} : memref<128xf32, #tpu.memory_space<vmem>>, vector<16xf32>,
    %get3A_1691 = vector.shape_cast %get3A_1690 : vector<16xf32> to vector<16xf32>
    %get3A_1692 = arith.constant 96 : index
    %get3A_1693 = tpu.vector_load %arg22[%get3A_1692] {strides = array<i32>} : memref<128xf32, #tpu.memory_space<vmem>>, vector<16xf32>,
    %get3A_1694 = vector.shape_cast %get3A_1693 : vector<16xf32> to vector<16xf32>
    %get3A_1695 = arith.constant 96 : index
    %get3A_1696 = tpu.vector_load %arg26[%get3A_1695] {strides = array<i32>} : memref<128xf32, #tpu.memory_space<vmem>>, vector<16xf32>,
    %get3A_1697 = vector.shape_cast %get3A_1696 : vector<16xf32> to vector<16xf32>
    %max3A_1698 = arith.constant -6.000000e+01 : f32
    %max3A_1699 = vector.broadcast %max3A_1698 : f32 to vector<16xf32>
    %max3A_1700 = arith.maximumf %get3A_1691, %max3A_1699 : vector<16xf32>
    %min3A_1701 = arith.constant 6.000000e+01 : f32
    %min3A_1702 = vector.broadcast %min3A_1701 : f32 to vector<16xf32>
    %min3A_1703 = arith.minimumf %max3A_1700, %min3A_1702 : vector<16xf32>
    %max3A_1704 = arith.constant -6.000000e+01 : f32
    %max3A_1705 = vector.broadcast %max3A_1704 : f32 to vector<16xf32>
    %max3A_1706 = arith.maximumf %get3A_1694, %max3A_1705 : vector<16xf32>
    %min3A_1707 = arith.constant 6.000000e+01 : f32
    %min3A_1708 = vector.broadcast %min3A_1707 : f32 to vector<16xf32>
    %min3A_1709 = arith.minimumf %max3A_1706, %min3A_1708 : vector<16xf32>
    %max3A_1710 = arith.constant -6.000000e+01 : f32
    %max3A_1711 = vector.broadcast %max3A_1710 : f32 to vector<16xf32>
    %max3A_1712 = arith.maximumf %get3A_1697, %max3A_1711 : vector<16xf32>
    %min3A_1713 = arith.constant 6.000000e+01 : f32
    %min3A_1714 = vector.broadcast %min3A_1713 : f32 to vector<16xf32>
    %min3A_1715 = arith.minimumf %max3A_1712, %min3A_1714 : vector<16xf32>
    %neg3A_1716 = arith.constant 0.000000e+00 : f32
    %neg3A_1717 = vector.broadcast %neg3A_1716 : f32 to vector<16xf32>
    %neg3A_1718 = arith.subf %neg3A_1717, %min3A_1703 : vector<16xf32>
    %exp3A_1719 = math.exp %neg3A_1718 : vector<16xf32>
    %neg3A_1720 = arith.constant 0.000000e+00 : f32
    %neg3A_1721 = vector.broadcast %neg3A_1720 : f32 to vector<16xf32>
    %neg3A_1722 = arith.subf %neg3A_1721, %min3A_1709 : vector<16xf32>
    %exp3A_1723 = math.exp %neg3A_1722 : vector<16xf32>
    %neg3A_1724 = arith.constant 0.000000e+00 : f32
    %neg3A_1725 = vector.broadcast %neg3A_1724 : f32 to vector<16xf32>
    %neg3A_1726 = arith.subf %neg3A_1725, %min3A_1715 : vector<16xf32>
    %exp3A_1727 = math.exp %neg3A_1726 : vector<16xf32>
    %sub3A_1728 = arith.subf %exp3A_1723, %exp3A_1719 : vector<16xf32>
    %add3A_1729 = arith.constant 1.000000e+00 : f32
    %add3A_1730 = vector.broadcast %add3A_1729 : f32 to vector<16xf32>
    %add3A_1731 = arith.addf %add3A_1730, %exp3A_1719 : vector<16xf32>
    %add3A_1732 = arith.constant 1.000000e+00 : f32
    %add3A_1733 = vector.broadcast %add3A_1732 : f32 to vector<16xf32>
    %add3A_1734 = arith.addf %add3A_1733, %exp3A_1723 : vector<16xf32>
    %mul3A_1735 = arith.mulf %add3A_1731, %add3A_1734 : vector<16xf32>
    %add3A_1736 = arith.constant 1.000000e+00 : f32
    %add3A_1737 = vector.broadcast %add3A_1736 : f32 to vector<16xf32>
    %add3A_1738 = arith.addf %add3A_1737, %exp3A_1727 : vector<16xf32>
    %mul3A_1739 = arith.mulf %mul3A_1735, %add3A_1738 : vector<16xf32>
    %mul3A_1740 = arith.constant 2.720000e+01 : f32
    %mul3A_1741 = vector.broadcast %mul3A_1740 : f32 to vector<16xf32>
    %mul3A_1742 = arith.mulf %mul3A_1741, %sub3A_1728 : vector<16xf32>
    %div3A_1743 = arith.divf %mul3A_1742, %mul3A_1739 : vector<16xf32>
    %neg3A_1744 = arith.constant 0.000000e+00 : f32
    %neg3A_1745 = vector.broadcast %neg3A_1744 : f32 to vector<16xf32>
    %neg3A_1746 = arith.subf %neg3A_1745, %div3A_1743 : vector<16xf32>
    %exp3A_1747 = math.exp %neg3A_1746 : vector<16xf32>
    %neg3A_1748 = arith.constant 0.000000e+00 : f32
    %neg3A_1749 = vector.broadcast %neg3A_1748 : f32 to vector<16xf32>
    %neg3A_1750 = arith.subf %neg3A_1749, %exp3A_1747 : vector<16xf32>
    %exp3A_1751 = math.exp %neg3A_1750 : vector<16xf32>
    %add3A_1752 = arith.constant 1.000000e+00 : f32
    %add3A_1753 = vector.broadcast %add3A_1752 : f32 to vector<16xf32>
    %add3A_1754 = arith.addf %add3A_1753, %exp3A_1751 : vector<16xf32>
    %div3A_1755 = arith.constant 1.000000e+00 : f32
    %div3A_1756 = vector.broadcast %div3A_1755 : f32 to vector<16xf32>
    %div3A_1757 = arith.divf %div3A_1756, %add3A_1754 : vector<16xf32>
    %swap3A_1758 = arith.constant 96 : index
    %swap3A_1759 = tpu.vector_load %arg30[%swap3A_1758] {strides = array<i32>} : memref<128xf32, #tpu.memory_space<vmem>>, vector<16xf32>,
    %swap3A_1760 = vector.shape_cast %swap3A_1759 : vector<16xf32> to vector<16xf32>
    %swap3A_1761 = vector.shape_cast %div3A_1757 : vector<16xf32> to vector<16xf32>
    tpu.vector_store %arg30[%swap3A_1758], %swap3A_1761 {strides = array<i32>} : memref<128xf32, #tpu.memory_space<vmem>>, vector<16xf32>,
    %get3A_1762 = arith.constant 112 : index
    %get3A_1763 = tpu.vector_load %arg18[%get3A_1762] {strides = array<i32>} : memref<128xf32, #tpu.memory_space<vmem>>, vector<16xf32>,
    %get3A_1764 = vector.shape_cast %get3A_1763 : vector<16xf32> to vector<16xf32>
    %get3A_1765 = arith.constant 112 : index
    %get3A_1766 = tpu.vector_load %arg22[%get3A_1765] {strides = array<i32>} : memref<128xf32, #tpu.memory_space<vmem>>, vector<16xf32>,
    %get3A_1767 = vector.shape_cast %get3A_1766 : vector<16xf32> to vector<16xf32>
    %get3A_1768 = arith.constant 112 : index
    %get3A_1769 = tpu.vector_load %arg26[%get3A_1768] {strides = array<i32>} : memref<128xf32, #tpu.memory_space<vmem>>, vector<16xf32>,
    %get3A_1770 = vector.shape_cast %get3A_1769 : vector<16xf32> to vector<16xf32>
    %max3A_1771 = arith.constant -6.000000e+01 : f32
    %max3A_1772 = vector.broadcast %max3A_1771 : f32 to vector<16xf32>
    %max3A_1773 = arith.maximumf %get3A_1764, %max3A_1772 : vector<16xf32>
    %min3A_1774 = arith.constant 6.000000e+01 : f32
    %min3A_1775 = vector.broadcast %min3A_1774 : f32 to vector<16xf32>
    %min3A_1776 = arith.minimumf %max3A_1773, %min3A_1775 : vector<16xf32>
    %max3A_1777 = arith.constant -6.000000e+01 : f32
    %max3A_1778 = vector.broadcast %max3A_1777 : f32 to vector<16xf32>
    %max3A_1779 = arith.maximumf %get3A_1767, %max3A_1778 : vector<16xf32>
    %min3A_1780 = arith.constant 6.000000e+01 : f32
    %min3A_1781 = vector.broadcast %min3A_1780 : f32 to vector<16xf32>
    %min3A_1782 = arith.minimumf %max3A_1779, %min3A_1781 : vector<16xf32>
    %max3A_1783 = arith.constant -6.000000e+01 : f32
    %max3A_1784 = vector.broadcast %max3A_1783 : f32 to vector<16xf32>
    %max3A_1785 = arith.maximumf %get3A_1770, %max3A_1784 : vector<16xf32>
    %min3A_1786 = arith.constant 6.000000e+01 : f32
    %min3A_1787 = vector.broadcast %min3A_1786 : f32 to vector<16xf32>
    %min3A_1788 = arith.minimumf %max3A_1785, %min3A_1787 : vector<16xf32>
    %neg3A_1789 = arith.constant 0.000000e+00 : f32
    %neg3A_1790 = vector.broadcast %neg3A_1789 : f32 to vector<16xf32>
    %neg3A_1791 = arith.subf %neg3A_1790, %min3A_1776 : vector<16xf32>
    %exp3A_1792 = math.exp %neg3A_1791 : vector<16xf32>
    %neg3A_1793 = arith.constant 0.000000e+00 : f32
    %neg3A_1794 = vector.broadcast %neg3A_1793 : f32 to vector<16xf32>
    %neg3A_1795 = arith.subf %neg3A_1794, %min3A_1782 : vector<16xf32>
    %exp3A_1796 = math.exp %neg3A_1795 : vector<16xf32>
    %neg3A_1797 = arith.constant 0.000000e+00 : f32
    %neg3A_1798 = vector.broadcast %neg3A_1797 : f32 to vector<16xf32>
    %neg3A_1799 = arith.subf %neg3A_1798, %min3A_1788 : vector<16xf32>
    %exp3A_1800 = math.exp %neg3A_1799 : vector<16xf32>
    %sub3A_1801 = arith.subf %exp3A_1796, %exp3A_1792 : vector<16xf32>
    %add3A_1802 = arith.constant 1.000000e+00 : f32
    %add3A_1803 = vector.broadcast %add3A_1802 : f32 to vector<16xf32>
    %add3A_1804 = arith.addf %add3A_1803, %exp3A_1792 : vector<16xf32>
    %add3A_1805 = arith.constant 1.000000e+00 : f32
    %add3A_1806 = vector.broadcast %add3A_1805 : f32 to vector<16xf32>
    %add3A_1807 = arith.addf %add3A_1806, %exp3A_1796 : vector<16xf32>
    %mul3A_1808 = arith.mulf %add3A_1804, %add3A_1807 : vector<16xf32>
    %add3A_1809 = arith.constant 1.000000e+00 : f32
    %add3A_1810 = vector.broadcast %add3A_1809 : f32 to vector<16xf32>
    %add3A_1811 = arith.addf %add3A_1810, %exp3A_1800 : vector<16xf32>
    %mul3A_1812 = arith.mulf %mul3A_1808, %add3A_1811 : vector<16xf32>
    %mul3A_1813 = arith.constant 2.720000e+01 : f32
    %mul3A_1814 = vector.broadcast %mul3A_1813 : f32 to vector<16xf32>
    %mul3A_1815 = arith.mulf %mul3A_1814, %sub3A_1801 : vector<16xf32>
    %div3A_1816 = arith.divf %mul3A_1815, %mul3A_1812 : vector<16xf32>
    %neg3A_1817 = arith.constant 0.000000e+00 : f32
    %neg3A_1818 = vector.broadcast %neg3A_1817 : f32 to vector<16xf32>
    %neg3A_1819 = arith.subf %neg3A_1818, %div3A_1816 : vector<16xf32>
    %exp3A_1820 = math.exp %neg3A_1819 : vector<16xf32>
    %neg3A_1821 = arith.constant 0.000000e+00 : f32
    %neg3A_1822 = vector.broadcast %neg3A_1821 : f32 to vector<16xf32>
    %neg3A_1823 = arith.subf %neg3A_1822, %exp3A_1820 : vector<16xf32>
    %exp3A_1824 = math.exp %neg3A_1823 : vector<16xf32>
    %add3A_1825 = arith.constant 1.000000e+00 : f32
    %add3A_1826 = vector.broadcast %add3A_1825 : f32 to vector<16xf32>
    %add3A_1827 = arith.addf %add3A_1826, %exp3A_1824 : vector<16xf32>
    %div3A_1828 = arith.constant 1.000000e+00 : f32
    %div3A_1829 = vector.broadcast %div3A_1828 : f32 to vector<16xf32>
    %div3A_1830 = arith.divf %div3A_1829, %add3A_1827 : vector<16xf32>
    %swap3A_1831 = arith.constant 112 : index
    %swap3A_1832 = tpu.vector_load %arg30[%swap3A_1831] {strides = array<i32>} : memref<128xf32, #tpu.memory_space<vmem>>, vector<16xf32>,
    %swap3A_1833 = vector.shape_cast %swap3A_1832 : vector<16xf32> to vector<16xf32>
    %swap3A_1834 = vector.shape_cast %div3A_1830 : vector<16xf32> to vector<16xf32>
    tpu.vector_store %arg30[%swap3A_1831], %swap3A_1834 {strides = array<i32>} : memref<128xf32, #tpu.memory_space<vmem>>, vector<16xf32>,
    %add3A_1835 = arith.constant 256 : i32
    %add3A_1836 = arith.addi %mul3A_2, %add3A_1835 : i32
    %dma_start3A_1837 = tpu.memref_slice %arg7[%add3A_1836] : memref<16384xf32, #tpu.memory_space<hbm>> -> memref<128xf32, #tpu.memory_space<hbm>>
    %dma_start3A_1838 = tpu.memref_slice %arg7[%add3A_1836] : memref<16384xf32, #tpu.memory_space<hbm>> -> memref<128xf32, #tpu.memory_space<hbm>>
    tpu.enqueue_dma source(%arg30 : memref<128xf32, #tpu.memory_space<vmem>>) target(%dma_start3A_1838 : memref<128xf32, #tpu.memory_space<hbm>>) target_semaphore(%arg33 : memref<!tpu.dma_semaphore, #tpu.memory_space<semaphore_mem>>)
    %dma_wait3A_1839 = arith.constant 0 : i32
    %dma_wait3A_1840 = tpu.memref_slice %arg4[%dma_wait3A_1839] : memref<1000000xf32, #tpu.memory_space<hbm>> -> memref<1000000xf32, #tpu.memory_space<hbm>>
    tpu.wait_indirect_dma semaphore(%arg37 : memref<!tpu.dma_semaphore, #tpu.memory_space<semaphore_mem>>) src(%dma_wait3A_1840 : memref<1000000xf32, #tpu.memory_space<hbm>>) dst(%arg19 : memref<128xf32, #tpu.memory_space<vmem>>)
    %dma_wait3A_1841 = arith.constant 0 : i32
    %dma_wait3A_1842 = tpu.memref_slice %arg5[%dma_wait3A_1841] : memref<100000xf32, #tpu.memory_space<hbm>> -> memref<100000xf32, #tpu.memory_space<hbm>>
    tpu.wait_indirect_dma semaphore(%arg37 : memref<!tpu.dma_semaphore, #tpu.memory_space<semaphore_mem>>) src(%dma_wait3A_1842 : memref<100000xf32, #tpu.memory_space<hbm>>) dst(%arg23 : memref<128xf32, #tpu.memory_space<vmem>>)
    %dma_wait3A_1843 = arith.constant 0 : i32
    %dma_wait3A_1844 = tpu.memref_slice %arg6[%dma_wait3A_1843] : memref<100000xf32, #tpu.memory_space<hbm>> -> memref<100000xf32, #tpu.memory_space<hbm>>
    tpu.wait_indirect_dma semaphore(%arg37 : memref<!tpu.dma_semaphore, #tpu.memory_space<semaphore_mem>>) src(%dma_wait3A_1844 : memref<100000xf32, #tpu.memory_space<hbm>>) dst(%arg27 : memref<128xf32, #tpu.memory_space<vmem>>)
    %get3A_1845 = arith.constant 0 : index
    %get3A_1846 = tpu.vector_load %arg19[%get3A_1845] {strides = array<i32>} : memref<128xf32, #tpu.memory_space<vmem>>, vector<16xf32>,
    %get3A_1847 = vector.shape_cast %get3A_1846 : vector<16xf32> to vector<16xf32>
    %get3A_1848 = arith.constant 0 : index
    %get3A_1849 = tpu.vector_load %arg23[%get3A_1848] {strides = array<i32>} : memref<128xf32, #tpu.memory_space<vmem>>, vector<16xf32>,
    %get3A_1850 = vector.shape_cast %get3A_1849 : vector<16xf32> to vector<16xf32>
    %get3A_1851 = arith.constant 0 : index
    %get3A_1852 = tpu.vector_load %arg27[%get3A_1851] {strides = array<i32>} : memref<128xf32, #tpu.memory_space<vmem>>, vector<16xf32>,
    %get3A_1853 = vector.shape_cast %get3A_1852 : vector<16xf32> to vector<16xf32>
    %max3A_1854 = arith.constant -6.000000e+01 : f32
    %max3A_1855 = vector.broadcast %max3A_1854 : f32 to vector<16xf32>
    %max3A_1856 = arith.maximumf %get3A_1847, %max3A_1855 : vector<16xf32>
    %min3A_1857 = arith.constant 6.000000e+01 : f32
    %min3A_1858 = vector.broadcast %min3A_1857 : f32 to vector<16xf32>
    %min3A_1859 = arith.minimumf %max3A_1856, %min3A_1858 : vector<16xf32>
    %max3A_1860 = arith.constant -6.000000e+01 : f32
    %max3A_1861 = vector.broadcast %max3A_1860 : f32 to vector<16xf32>
    %max3A_1862 = arith.maximumf %get3A_1850, %max3A_1861 : vector<16xf32>
    %min3A_1863 = arith.constant 6.000000e+01 : f32
    %min3A_1864 = vector.broadcast %min3A_1863 : f32 to vector<16xf32>
    %min3A_1865 = arith.minimumf %max3A_1862, %min3A_1864 : vector<16xf32>
    %max3A_1866 = arith.constant -6.000000e+01 : f32
    %max3A_1867 = vector.broadcast %max3A_1866 : f32 to vector<16xf32>
    %max3A_1868 = arith.maximumf %get3A_1853, %max3A_1867 : vector<16xf32>
    %min3A_1869 = arith.constant 6.000000e+01 : f32
    %min3A_1870 = vector.broadcast %min3A_1869 : f32 to vector<16xf32>
    %min3A_1871 = arith.minimumf %max3A_1868, %min3A_1870 : vector<16xf32>
    %neg3A_1872 = arith.constant 0.000000e+00 : f32
    %neg3A_1873 = vector.broadcast %neg3A_1872 : f32 to vector<16xf32>
    %neg3A_1874 = arith.subf %neg3A_1873, %min3A_1859 : vector<16xf32>
    %exp3A_1875 = math.exp %neg3A_1874 : vector<16xf32>
    %neg3A_1876 = arith.constant 0.000000e+00 : f32
    %neg3A_1877 = vector.broadcast %neg3A_1876 : f32 to vector<16xf32>
    %neg3A_1878 = arith.subf %neg3A_1877, %min3A_1865 : vector<16xf32>
    %exp3A_1879 = math.exp %neg3A_1878 : vector<16xf32>
    %neg3A_1880 = arith.constant 0.000000e+00 : f32
    %neg3A_1881 = vector.broadcast %neg3A_1880 : f32 to vector<16xf32>
    %neg3A_1882 = arith.subf %neg3A_1881, %min3A_1871 : vector<16xf32>
    %exp3A_1883 = math.exp %neg3A_1882 : vector<16xf32>
    %sub3A_1884 = arith.subf %exp3A_1879, %exp3A_1875 : vector<16xf32>
    %add3A_1885 = arith.constant 1.000000e+00 : f32
    %add3A_1886 = vector.broadcast %add3A_1885 : f32 to vector<16xf32>
    %add3A_1887 = arith.addf %add3A_1886, %exp3A_1875 : vector<16xf32>
    %add3A_1888 = arith.constant 1.000000e+00 : f32
    %add3A_1889 = vector.broadcast %add3A_1888 : f32 to vector<16xf32>
    %add3A_1890 = arith.addf %add3A_1889, %exp3A_1879 : vector<16xf32>
    %mul3A_1891 = arith.mulf %add3A_1887, %add3A_1890 : vector<16xf32>
    %add3A_1892 = arith.constant 1.000000e+00 : f32
    %add3A_1893 = vector.broadcast %add3A_1892 : f32 to vector<16xf32>
    %add3A_1894 = arith.addf %add3A_1893, %exp3A_1883 : vector<16xf32>
    %mul3A_1895 = arith.mulf %mul3A_1891, %add3A_1894 : vector<16xf32>
    %mul3A_1896 = arith.constant 2.720000e+01 : f32
    %mul3A_1897 = vector.broadcast %mul3A_1896 : f32 to vector<16xf32>
    %mul3A_1898 = arith.mulf %mul3A_1897, %sub3A_1884 : vector<16xf32>
    %div3A_1899 = arith.divf %mul3A_1898, %mul3A_1895 : vector<16xf32>
    %neg3A_1900 = arith.constant 0.000000e+00 : f32
    %neg3A_1901 = vector.broadcast %neg3A_1900 : f32 to vector<16xf32>
    %neg3A_1902 = arith.subf %neg3A_1901, %div3A_1899 : vector<16xf32>
    %exp3A_1903 = math.exp %neg3A_1902 : vector<16xf32>
    %neg3A_1904 = arith.constant 0.000000e+00 : f32
    %neg3A_1905 = vector.broadcast %neg3A_1904 : f32 to vector<16xf32>
    %neg3A_1906 = arith.subf %neg3A_1905, %exp3A_1903 : vector<16xf32>
    %exp3A_1907 = math.exp %neg3A_1906 : vector<16xf32>
    %add3A_1908 = arith.constant 1.000000e+00 : f32
    %add3A_1909 = vector.broadcast %add3A_1908 : f32 to vector<16xf32>
    %add3A_1910 = arith.addf %add3A_1909, %exp3A_1907 : vector<16xf32>
    %div3A_1911 = arith.constant 1.000000e+00 : f32
    %div3A_1912 = vector.broadcast %div3A_1911 : f32 to vector<16xf32>
    %div3A_1913 = arith.divf %div3A_1912, %add3A_1910 : vector<16xf32>
    %swap3A_1914 = arith.constant 0 : index
    %swap3A_1915 = tpu.vector_load %arg31[%swap3A_1914] {strides = array<i32>} : memref<128xf32, #tpu.memory_space<vmem>>, vector<16xf32>,
    %swap3A_1916 = vector.shape_cast %swap3A_1915 : vector<16xf32> to vector<16xf32>
    %swap3A_1917 = vector.shape_cast %div3A_1913 : vector<16xf32> to vector<16xf32>
    tpu.vector_store %arg31[%swap3A_1914], %swap3A_1917 {strides = array<i32>} : memref<128xf32, #tpu.memory_space<vmem>>, vector<16xf32>,
    %get3A_1918 = arith.constant 16 : index
    %get3A_1919 = tpu.vector_load %arg19[%get3A_1918] {strides = array<i32>} : memref<128xf32, #tpu.memory_space<vmem>>, vector<16xf32>,
    %get3A_1920 = vector.shape_cast %get3A_1919 : vector<16xf32> to vector<16xf32>
    %get3A_1921 = arith.constant 16 : index
    %get3A_1922 = tpu.vector_load %arg23[%get3A_1921] {strides = array<i32>} : memref<128xf32, #tpu.memory_space<vmem>>, vector<16xf32>,
    %get3A_1923 = vector.shape_cast %get3A_1922 : vector<16xf32> to vector<16xf32>
    %get3A_1924 = arith.constant 16 : index
    %get3A_1925 = tpu.vector_load %arg27[%get3A_1924] {strides = array<i32>} : memref<128xf32, #tpu.memory_space<vmem>>, vector<16xf32>,
    %get3A_1926 = vector.shape_cast %get3A_1925 : vector<16xf32> to vector<16xf32>
    %max3A_1927 = arith.constant -6.000000e+01 : f32
    %max3A_1928 = vector.broadcast %max3A_1927 : f32 to vector<16xf32>
    %max3A_1929 = arith.maximumf %get3A_1920, %max3A_1928 : vector<16xf32>
    %min3A_1930 = arith.constant 6.000000e+01 : f32
    %min3A_1931 = vector.broadcast %min3A_1930 : f32 to vector<16xf32>
    %min3A_1932 = arith.minimumf %max3A_1929, %min3A_1931 : vector<16xf32>
    %max3A_1933 = arith.constant -6.000000e+01 : f32
    %max3A_1934 = vector.broadcast %max3A_1933 : f32 to vector<16xf32>
    %max3A_1935 = arith.maximumf %get3A_1923, %max3A_1934 : vector<16xf32>
    %min3A_1936 = arith.constant 6.000000e+01 : f32
    %min3A_1937 = vector.broadcast %min3A_1936 : f32 to vector<16xf32>
    %min3A_1938 = arith.minimumf %max3A_1935, %min3A_1937 : vector<16xf32>
    %max3A_1939 = arith.constant -6.000000e+01 : f32
    %max3A_1940 = vector.broadcast %max3A_1939 : f32 to vector<16xf32>
    %max3A_1941 = arith.maximumf %get3A_1926, %max3A_1940 : vector<16xf32>
    %min3A_1942 = arith.constant 6.000000e+01 : f32
    %min3A_1943 = vector.broadcast %min3A_1942 : f32 to vector<16xf32>
    %min3A_1944 = arith.minimumf %max3A_1941, %min3A_1943 : vector<16xf32>
    %neg3A_1945 = arith.constant 0.000000e+00 : f32
    %neg3A_1946 = vector.broadcast %neg3A_1945 : f32 to vector<16xf32>
    %neg3A_1947 = arith.subf %neg3A_1946, %min3A_1932 : vector<16xf32>
    %exp3A_1948 = math.exp %neg3A_1947 : vector<16xf32>
    %neg3A_1949 = arith.constant 0.000000e+00 : f32
    %neg3A_1950 = vector.broadcast %neg3A_1949 : f32 to vector<16xf32>
    %neg3A_1951 = arith.subf %neg3A_1950, %min3A_1938 : vector<16xf32>
    %exp3A_1952 = math.exp %neg3A_1951 : vector<16xf32>
    %neg3A_1953 = arith.constant 0.000000e+00 : f32
    %neg3A_1954 = vector.broadcast %neg3A_1953 : f32 to vector<16xf32>
    %neg3A_1955 = arith.subf %neg3A_1954, %min3A_1944 : vector<16xf32>
    %exp3A_1956 = math.exp %neg3A_1955 : vector<16xf32>
    %sub3A_1957 = arith.subf %exp3A_1952, %exp3A_1948 : vector<16xf32>
    %add3A_1958 = arith.constant 1.000000e+00 : f32
    %add3A_1959 = vector.broadcast %add3A_1958 : f32 to vector<16xf32>
    %add3A_1960 = arith.addf %add3A_1959, %exp3A_1948 : vector<16xf32>
    %add3A_1961 = arith.constant 1.000000e+00 : f32
    %add3A_1962 = vector.broadcast %add3A_1961 : f32 to vector<16xf32>
    %add3A_1963 = arith.addf %add3A_1962, %exp3A_1952 : vector<16xf32>
    %mul3A_1964 = arith.mulf %add3A_1960, %add3A_1963 : vector<16xf32>
    %add3A_1965 = arith.constant 1.000000e+00 : f32
    %add3A_1966 = vector.broadcast %add3A_1965 : f32 to vector<16xf32>
    %add3A_1967 = arith.addf %add3A_1966, %exp3A_1956 : vector<16xf32>
    %mul3A_1968 = arith.mulf %mul3A_1964, %add3A_1967 : vector<16xf32>
    %mul3A_1969 = arith.constant 2.720000e+01 : f32
    %mul3A_1970 = vector.broadcast %mul3A_1969 : f32 to vector<16xf32>
    %mul3A_1971 = arith.mulf %mul3A_1970, %sub3A_1957 : vector<16xf32>
    %div3A_1972 = arith.divf %mul3A_1971, %mul3A_1968 : vector<16xf32>
    %neg3A_1973 = arith.constant 0.000000e+00 : f32
    %neg3A_1974 = vector.broadcast %neg3A_1973 : f32 to vector<16xf32>
    %neg3A_1975 = arith.subf %neg3A_1974, %div3A_1972 : vector<16xf32>
    %exp3A_1976 = math.exp %neg3A_1975 : vector<16xf32>
    %neg3A_1977 = arith.constant 0.000000e+00 : f32
    %neg3A_1978 = vector.broadcast %neg3A_1977 : f32 to vector<16xf32>
    %neg3A_1979 = arith.subf %neg3A_1978, %exp3A_1976 : vector<16xf32>
    %exp3A_1980 = math.exp %neg3A_1979 : vector<16xf32>
    %add3A_1981 = arith.constant 1.000000e+00 : f32
    %add3A_1982 = vector.broadcast %add3A_1981 : f32 to vector<16xf32>
    %add3A_1983 = arith.addf %add3A_1982, %exp3A_1980 : vector<16xf32>
    %div3A_1984 = arith.constant 1.000000e+00 : f32
    %div3A_1985 = vector.broadcast %div3A_1984 : f32 to vector<16xf32>
    %div3A_1986 = arith.divf %div3A_1985, %add3A_1983 : vector<16xf32>
    %swap3A_1987 = arith.constant 16 : index
    %swap3A_1988 = tpu.vector_load %arg31[%swap3A_1987] {strides = array<i32>} : memref<128xf32, #tpu.memory_space<vmem>>, vector<16xf32>,
    %swap3A_1989 = vector.shape_cast %swap3A_1988 : vector<16xf32> to vector<16xf32>
    %swap3A_1990 = vector.shape_cast %div3A_1986 : vector<16xf32> to vector<16xf32>
    tpu.vector_store %arg31[%swap3A_1987], %swap3A_1990 {strides = array<i32>} : memref<128xf32, #tpu.memory_space<vmem>>, vector<16xf32>,
    %get3A_1991 = arith.constant 32 : index
    %get3A_1992 = tpu.vector_load %arg19[%get3A_1991] {strides = array<i32>} : memref<128xf32, #tpu.memory_space<vmem>>, vector<16xf32>,
    %get3A_1993 = vector.shape_cast %get3A_1992 : vector<16xf32> to vector<16xf32>
    %get3A_1994 = arith.constant 32 : index
    %get3A_1995 = tpu.vector_load %arg23[%get3A_1994] {strides = array<i32>} : memref<128xf32, #tpu.memory_space<vmem>>, vector<16xf32>,
    %get3A_1996 = vector.shape_cast %get3A_1995 : vector<16xf32> to vector<16xf32>
    %get3A_1997 = arith.constant 32 : index
    %get3A_1998 = tpu.vector_load %arg27[%get3A_1997] {strides = array<i32>} : memref<128xf32, #tpu.memory_space<vmem>>, vector<16xf32>,
    %get3A_1999 = vector.shape_cast %get3A_1998 : vector<16xf32> to vector<16xf32>
    %max3A_2000 = arith.constant -6.000000e+01 : f32
    %max3A_2001 = vector.broadcast %max3A_2000 : f32 to vector<16xf32>
    %max3A_2002 = arith.maximumf %get3A_1993, %max3A_2001 : vector<16xf32>
    %min3A_2003 = arith.constant 6.000000e+01 : f32
    %min3A_2004 = vector.broadcast %min3A_2003 : f32 to vector<16xf32>
    %min3A_2005 = arith.minimumf %max3A_2002, %min3A_2004 : vector<16xf32>
    %max3A_2006 = arith.constant -6.000000e+01 : f32
    %max3A_2007 = vector.broadcast %max3A_2006 : f32 to vector<16xf32>
    %max3A_2008 = arith.maximumf %get3A_1996, %max3A_2007 : vector<16xf32>
    %min3A_2009 = arith.constant 6.000000e+01 : f32
    %min3A_2010 = vector.broadcast %min3A_2009 : f32 to vector<16xf32>
    %min3A_2011 = arith.minimumf %max3A_2008, %min3A_2010 : vector<16xf32>
    %max3A_2012 = arith.constant -6.000000e+01 : f32
    %max3A_2013 = vector.broadcast %max3A_2012 : f32 to vector<16xf32>
    %max3A_2014 = arith.maximumf %get3A_1999, %max3A_2013 : vector<16xf32>
    %min3A_2015 = arith.constant 6.000000e+01 : f32
    %min3A_2016 = vector.broadcast %min3A_2015 : f32 to vector<16xf32>
    %min3A_2017 = arith.minimumf %max3A_2014, %min3A_2016 : vector<16xf32>
    %neg3A_2018 = arith.constant 0.000000e+00 : f32
    %neg3A_2019 = vector.broadcast %neg3A_2018 : f32 to vector<16xf32>
    %neg3A_2020 = arith.subf %neg3A_2019, %min3A_2005 : vector<16xf32>
    %exp3A_2021 = math.exp %neg3A_2020 : vector<16xf32>
    %neg3A_2022 = arith.constant 0.000000e+00 : f32
    %neg3A_2023 = vector.broadcast %neg3A_2022 : f32 to vector<16xf32>
    %neg3A_2024 = arith.subf %neg3A_2023, %min3A_2011 : vector<16xf32>
    %exp3A_2025 = math.exp %neg3A_2024 : vector<16xf32>
    %neg3A_2026 = arith.constant 0.000000e+00 : f32
    %neg3A_2027 = vector.broadcast %neg3A_2026 : f32 to vector<16xf32>
    %neg3A_2028 = arith.subf %neg3A_2027, %min3A_2017 : vector<16xf32>
    %exp3A_2029 = math.exp %neg3A_2028 : vector<16xf32>
    %sub3A_2030 = arith.subf %exp3A_2025, %exp3A_2021 : vector<16xf32>
    %add3A_2031 = arith.constant 1.000000e+00 : f32
    %add3A_2032 = vector.broadcast %add3A_2031 : f32 to vector<16xf32>
    %add3A_2033 = arith.addf %add3A_2032, %exp3A_2021 : vector<16xf32>
    %add3A_2034 = arith.constant 1.000000e+00 : f32
    %add3A_2035 = vector.broadcast %add3A_2034 : f32 to vector<16xf32>
    %add3A_2036 = arith.addf %add3A_2035, %exp3A_2025 : vector<16xf32>
    %mul3A_2037 = arith.mulf %add3A_2033, %add3A_2036 : vector<16xf32>
    %add3A_2038 = arith.constant 1.000000e+00 : f32
    %add3A_2039 = vector.broadcast %add3A_2038 : f32 to vector<16xf32>
    %add3A_2040 = arith.addf %add3A_2039, %exp3A_2029 : vector<16xf32>
    %mul3A_2041 = arith.mulf %mul3A_2037, %add3A_2040 : vector<16xf32>
    %mul3A_2042 = arith.constant 2.720000e+01 : f32
    %mul3A_2043 = vector.broadcast %mul3A_2042 : f32 to vector<16xf32>
    %mul3A_2044 = arith.mulf %mul3A_2043, %sub3A_2030 : vector<16xf32>
    %div3A_2045 = arith.divf %mul3A_2044, %mul3A_2041 : vector<16xf32>
    %neg3A_2046 = arith.constant 0.000000e+00 : f32
    %neg3A_2047 = vector.broadcast %neg3A_2046 : f32 to vector<16xf32>
    %neg3A_2048 = arith.subf %neg3A_2047, %div3A_2045 : vector<16xf32>
    %exp3A_2049 = math.exp %neg3A_2048 : vector<16xf32>
    %neg3A_2050 = arith.constant 0.000000e+00 : f32
    %neg3A_2051 = vector.broadcast %neg3A_2050 : f32 to vector<16xf32>
    %neg3A_2052 = arith.subf %neg3A_2051, %exp3A_2049 : vector<16xf32>
    %exp3A_2053 = math.exp %neg3A_2052 : vector<16xf32>
    %add3A_2054 = arith.constant 1.000000e+00 : f32
    %add3A_2055 = vector.broadcast %add3A_2054 : f32 to vector<16xf32>
    %add3A_2056 = arith.addf %add3A_2055, %exp3A_2053 : vector<16xf32>
    %div3A_2057 = arith.constant 1.000000e+00 : f32
    %div3A_2058 = vector.broadcast %div3A_2057 : f32 to vector<16xf32>
    %div3A_2059 = arith.divf %div3A_2058, %add3A_2056 : vector<16xf32>
    %swap3A_2060 = arith.constant 32 : index
    %swap3A_2061 = tpu.vector_load %arg31[%swap3A_2060] {strides = array<i32>} : memref<128xf32, #tpu.memory_space<vmem>>, vector<16xf32>,
    %swap3A_2062 = vector.shape_cast %swap3A_2061 : vector<16xf32> to vector<16xf32>
    %swap3A_2063 = vector.shape_cast %div3A_2059 : vector<16xf32> to vector<16xf32>
    tpu.vector_store %arg31[%swap3A_2060], %swap3A_2063 {strides = array<i32>} : memref<128xf32, #tpu.memory_space<vmem>>, vector<16xf32>,
    %get3A_2064 = arith.constant 48 : index
    %get3A_2065 = tpu.vector_load %arg19[%get3A_2064] {strides = array<i32>} : memref<128xf32, #tpu.memory_space<vmem>>, vector<16xf32>,
    %get3A_2066 = vector.shape_cast %get3A_2065 : vector<16xf32> to vector<16xf32>
    %get3A_2067 = arith.constant 48 : index
    %get3A_2068 = tpu.vector_load %arg23[%get3A_2067] {strides = array<i32>} : memref<128xf32, #tpu.memory_space<vmem>>, vector<16xf32>,
    %get3A_2069 = vector.shape_cast %get3A_2068 : vector<16xf32> to vector<16xf32>
    %get3A_2070 = arith.constant 48 : index
    %get3A_2071 = tpu.vector_load %arg27[%get3A_2070] {strides = array<i32>} : memref<128xf32, #tpu.memory_space<vmem>>, vector<16xf32>,
    %get3A_2072 = vector.shape_cast %get3A_2071 : vector<16xf32> to vector<16xf32>
    %max3A_2073 = arith.constant -6.000000e+01 : f32
    %max3A_2074 = vector.broadcast %max3A_2073 : f32 to vector<16xf32>
    %max3A_2075 = arith.maximumf %get3A_2066, %max3A_2074 : vector<16xf32>
    %min3A_2076 = arith.constant 6.000000e+01 : f32
    %min3A_2077 = vector.broadcast %min3A_2076 : f32 to vector<16xf32>
    %min3A_2078 = arith.minimumf %max3A_2075, %min3A_2077 : vector<16xf32>
    %max3A_2079 = arith.constant -6.000000e+01 : f32
    %max3A_2080 = vector.broadcast %max3A_2079 : f32 to vector<16xf32>
    %max3A_2081 = arith.maximumf %get3A_2069, %max3A_2080 : vector<16xf32>
    %min3A_2082 = arith.constant 6.000000e+01 : f32
    %min3A_2083 = vector.broadcast %min3A_2082 : f32 to vector<16xf32>
    %min3A_2084 = arith.minimumf %max3A_2081, %min3A_2083 : vector<16xf32>
    %max3A_2085 = arith.constant -6.000000e+01 : f32
    %max3A_2086 = vector.broadcast %max3A_2085 : f32 to vector<16xf32>
    %max3A_2087 = arith.maximumf %get3A_2072, %max3A_2086 : vector<16xf32>
    %min3A_2088 = arith.constant 6.000000e+01 : f32
    %min3A_2089 = vector.broadcast %min3A_2088 : f32 to vector<16xf32>
    %min3A_2090 = arith.minimumf %max3A_2087, %min3A_2089 : vector<16xf32>
    %neg3A_2091 = arith.constant 0.000000e+00 : f32
    %neg3A_2092 = vector.broadcast %neg3A_2091 : f32 to vector<16xf32>
    %neg3A_2093 = arith.subf %neg3A_2092, %min3A_2078 : vector<16xf32>
    %exp3A_2094 = math.exp %neg3A_2093 : vector<16xf32>
    %neg3A_2095 = arith.constant 0.000000e+00 : f32
    %neg3A_2096 = vector.broadcast %neg3A_2095 : f32 to vector<16xf32>
    %neg3A_2097 = arith.subf %neg3A_2096, %min3A_2084 : vector<16xf32>
    %exp3A_2098 = math.exp %neg3A_2097 : vector<16xf32>
    %neg3A_2099 = arith.constant 0.000000e+00 : f32
    %neg3A_2100 = vector.broadcast %neg3A_2099 : f32 to vector<16xf32>
    %neg3A_2101 = arith.subf %neg3A_2100, %min3A_2090 : vector<16xf32>
    %exp3A_2102 = math.exp %neg3A_2101 : vector<16xf32>
    %sub3A_2103 = arith.subf %exp3A_2098, %exp3A_2094 : vector<16xf32>
    %add3A_2104 = arith.constant 1.000000e+00 : f32
    %add3A_2105 = vector.broadcast %add3A_2104 : f32 to vector<16xf32>
    %add3A_2106 = arith.addf %add3A_2105, %exp3A_2094 : vector<16xf32>
    %add3A_2107 = arith.constant 1.000000e+00 : f32
    %add3A_2108 = vector.broadcast %add3A_2107 : f32 to vector<16xf32>
    %add3A_2109 = arith.addf %add3A_2108, %exp3A_2098 : vector<16xf32>
    %mul3A_2110 = arith.mulf %add3A_2106, %add3A_2109 : vector<16xf32>
    %add3A_2111 = arith.constant 1.000000e+00 : f32
    %add3A_2112 = vector.broadcast %add3A_2111 : f32 to vector<16xf32>
    %add3A_2113 = arith.addf %add3A_2112, %exp3A_2102 : vector<16xf32>
    %mul3A_2114 = arith.mulf %mul3A_2110, %add3A_2113 : vector<16xf32>
    %mul3A_2115 = arith.constant 2.720000e+01 : f32
    %mul3A_2116 = vector.broadcast %mul3A_2115 : f32 to vector<16xf32>
    %mul3A_2117 = arith.mulf %mul3A_2116, %sub3A_2103 : vector<16xf32>
    %div3A_2118 = arith.divf %mul3A_2117, %mul3A_2114 : vector<16xf32>
    %neg3A_2119 = arith.constant 0.000000e+00 : f32
    %neg3A_2120 = vector.broadcast %neg3A_2119 : f32 to vector<16xf32>
    %neg3A_2121 = arith.subf %neg3A_2120, %div3A_2118 : vector<16xf32>
    %exp3A_2122 = math.exp %neg3A_2121 : vector<16xf32>
    %neg3A_2123 = arith.constant 0.000000e+00 : f32
    %neg3A_2124 = vector.broadcast %neg3A_2123 : f32 to vector<16xf32>
    %neg3A_2125 = arith.subf %neg3A_2124, %exp3A_2122 : vector<16xf32>
    %exp3A_2126 = math.exp %neg3A_2125 : vector<16xf32>
    %add3A_2127 = arith.constant 1.000000e+00 : f32
    %add3A_2128 = vector.broadcast %add3A_2127 : f32 to vector<16xf32>
    %add3A_2129 = arith.addf %add3A_2128, %exp3A_2126 : vector<16xf32>
    %div3A_2130 = arith.constant 1.000000e+00 : f32
    %div3A_2131 = vector.broadcast %div3A_2130 : f32 to vector<16xf32>
    %div3A_2132 = arith.divf %div3A_2131, %add3A_2129 : vector<16xf32>
    %swap3A_2133 = arith.constant 48 : index
    %swap3A_2134 = tpu.vector_load %arg31[%swap3A_2133] {strides = array<i32>} : memref<128xf32, #tpu.memory_space<vmem>>, vector<16xf32>,
    %swap3A_2135 = vector.shape_cast %swap3A_2134 : vector<16xf32> to vector<16xf32>
    %swap3A_2136 = vector.shape_cast %div3A_2132 : vector<16xf32> to vector<16xf32>
    tpu.vector_store %arg31[%swap3A_2133], %swap3A_2136 {strides = array<i32>} : memref<128xf32, #tpu.memory_space<vmem>>, vector<16xf32>,
    %get3A_2137 = arith.constant 64 : index
    %get3A_2138 = tpu.vector_load %arg19[%get3A_2137] {strides = array<i32>} : memref<128xf32, #tpu.memory_space<vmem>>, vector<16xf32>,
    %get3A_2139 = vector.shape_cast %get3A_2138 : vector<16xf32> to vector<16xf32>
    %get3A_2140 = arith.constant 64 : index
    %get3A_2141 = tpu.vector_load %arg23[%get3A_2140] {strides = array<i32>} : memref<128xf32, #tpu.memory_space<vmem>>, vector<16xf32>,
    %get3A_2142 = vector.shape_cast %get3A_2141 : vector<16xf32> to vector<16xf32>
    %get3A_2143 = arith.constant 64 : index
    %get3A_2144 = tpu.vector_load %arg27[%get3A_2143] {strides = array<i32>} : memref<128xf32, #tpu.memory_space<vmem>>, vector<16xf32>,
    %get3A_2145 = vector.shape_cast %get3A_2144 : vector<16xf32> to vector<16xf32>
    %max3A_2146 = arith.constant -6.000000e+01 : f32
    %max3A_2147 = vector.broadcast %max3A_2146 : f32 to vector<16xf32>
    %max3A_2148 = arith.maximumf %get3A_2139, %max3A_2147 : vector<16xf32>
    %min3A_2149 = arith.constant 6.000000e+01 : f32
    %min3A_2150 = vector.broadcast %min3A_2149 : f32 to vector<16xf32>
    %min3A_2151 = arith.minimumf %max3A_2148, %min3A_2150 : vector<16xf32>
    %max3A_2152 = arith.constant -6.000000e+01 : f32
    %max3A_2153 = vector.broadcast %max3A_2152 : f32 to vector<16xf32>
    %max3A_2154 = arith.maximumf %get3A_2142, %max3A_2153 : vector<16xf32>
    %min3A_2155 = arith.constant 6.000000e+01 : f32
    %min3A_2156 = vector.broadcast %min3A_2155 : f32 to vector<16xf32>
    %min3A_2157 = arith.minimumf %max3A_2154, %min3A_2156 : vector<16xf32>
    %max3A_2158 = arith.constant -6.000000e+01 : f32
    %max3A_2159 = vector.broadcast %max3A_2158 : f32 to vector<16xf32>
    %max3A_2160 = arith.maximumf %get3A_2145, %max3A_2159 : vector<16xf32>
    %min3A_2161 = arith.constant 6.000000e+01 : f32
    %min3A_2162 = vector.broadcast %min3A_2161 : f32 to vector<16xf32>
    %min3A_2163 = arith.minimumf %max3A_2160, %min3A_2162 : vector<16xf32>
    %neg3A_2164 = arith.constant 0.000000e+00 : f32
    %neg3A_2165 = vector.broadcast %neg3A_2164 : f32 to vector<16xf32>
    %neg3A_2166 = arith.subf %neg3A_2165, %min3A_2151 : vector<16xf32>
    %exp3A_2167 = math.exp %neg3A_2166 : vector<16xf32>
    %neg3A_2168 = arith.constant 0.000000e+00 : f32
    %neg3A_2169 = vector.broadcast %neg3A_2168 : f32 to vector<16xf32>
    %neg3A_2170 = arith.subf %neg3A_2169, %min3A_2157 : vector<16xf32>
    %exp3A_2171 = math.exp %neg3A_2170 : vector<16xf32>
    %neg3A_2172 = arith.constant 0.000000e+00 : f32
    %neg3A_2173 = vector.broadcast %neg3A_2172 : f32 to vector<16xf32>
    %neg3A_2174 = arith.subf %neg3A_2173, %min3A_2163 : vector<16xf32>
    %exp3A_2175 = math.exp %neg3A_2174 : vector<16xf32>
    %sub3A_2176 = arith.subf %exp3A_2171, %exp3A_2167 : vector<16xf32>
    %add3A_2177 = arith.constant 1.000000e+00 : f32
    %add3A_2178 = vector.broadcast %add3A_2177 : f32 to vector<16xf32>
    %add3A_2179 = arith.addf %add3A_2178, %exp3A_2167 : vector<16xf32>
    %add3A_2180 = arith.constant 1.000000e+00 : f32
    %add3A_2181 = vector.broadcast %add3A_2180 : f32 to vector<16xf32>
    %add3A_2182 = arith.addf %add3A_2181, %exp3A_2171 : vector<16xf32>
    %mul3A_2183 = arith.mulf %add3A_2179, %add3A_2182 : vector<16xf32>
    %add3A_2184 = arith.constant 1.000000e+00 : f32
    %add3A_2185 = vector.broadcast %add3A_2184 : f32 to vector<16xf32>
    %add3A_2186 = arith.addf %add3A_2185, %exp3A_2175 : vector<16xf32>
    %mul3A_2187 = arith.mulf %mul3A_2183, %add3A_2186 : vector<16xf32>
    %mul3A_2188 = arith.constant 2.720000e+01 : f32
    %mul3A_2189 = vector.broadcast %mul3A_2188 : f32 to vector<16xf32>
    %mul3A_2190 = arith.mulf %mul3A_2189, %sub3A_2176 : vector<16xf32>
    %div3A_2191 = arith.divf %mul3A_2190, %mul3A_2187 : vector<16xf32>
    %neg3A_2192 = arith.constant 0.000000e+00 : f32
    %neg3A_2193 = vector.broadcast %neg3A_2192 : f32 to vector<16xf32>
    %neg3A_2194 = arith.subf %neg3A_2193, %div3A_2191 : vector<16xf32>
    %exp3A_2195 = math.exp %neg3A_2194 : vector<16xf32>
    %neg3A_2196 = arith.constant 0.000000e+00 : f32
    %neg3A_2197 = vector.broadcast %neg3A_2196 : f32 to vector<16xf32>
    %neg3A_2198 = arith.subf %neg3A_2197, %exp3A_2195 : vector<16xf32>
    %exp3A_2199 = math.exp %neg3A_2198 : vector<16xf32>
    %add3A_2200 = arith.constant 1.000000e+00 : f32
    %add3A_2201 = vector.broadcast %add3A_2200 : f32 to vector<16xf32>
    %add3A_2202 = arith.addf %add3A_2201, %exp3A_2199 : vector<16xf32>
    %div3A_2203 = arith.constant 1.000000e+00 : f32
    %div3A_2204 = vector.broadcast %div3A_2203 : f32 to vector<16xf32>
    %div3A_2205 = arith.divf %div3A_2204, %add3A_2202 : vector<16xf32>
    %swap3A_2206 = arith.constant 64 : index
    %swap3A_2207 = tpu.vector_load %arg31[%swap3A_2206] {strides = array<i32>} : memref<128xf32, #tpu.memory_space<vmem>>, vector<16xf32>,
    %swap3A_2208 = vector.shape_cast %swap3A_2207 : vector<16xf32> to vector<16xf32>
    %swap3A_2209 = vector.shape_cast %div3A_2205 : vector<16xf32> to vector<16xf32>
    tpu.vector_store %arg31[%swap3A_2206], %swap3A_2209 {strides = array<i32>} : memref<128xf32, #tpu.memory_space<vmem>>, vector<16xf32>,
    %get3A_2210 = arith.constant 80 : index
    %get3A_2211 = tpu.vector_load %arg19[%get3A_2210] {strides = array<i32>} : memref<128xf32, #tpu.memory_space<vmem>>, vector<16xf32>,
    %get3A_2212 = vector.shape_cast %get3A_2211 : vector<16xf32> to vector<16xf32>
    %get3A_2213 = arith.constant 80 : index
    %get3A_2214 = tpu.vector_load %arg23[%get3A_2213] {strides = array<i32>} : memref<128xf32, #tpu.memory_space<vmem>>, vector<16xf32>,
    %get3A_2215 = vector.shape_cast %get3A_2214 : vector<16xf32> to vector<16xf32>
    %get3A_2216 = arith.constant 80 : index
    %get3A_2217 = tpu.vector_load %arg27[%get3A_2216] {strides = array<i32>} : memref<128xf32, #tpu.memory_space<vmem>>, vector<16xf32>,
    %get3A_2218 = vector.shape_cast %get3A_2217 : vector<16xf32> to vector<16xf32>
    %max3A_2219 = arith.constant -6.000000e+01 : f32
    %max3A_2220 = vector.broadcast %max3A_2219 : f32 to vector<16xf32>
    %max3A_2221 = arith.maximumf %get3A_2212, %max3A_2220 : vector<16xf32>
    %min3A_2222 = arith.constant 6.000000e+01 : f32
    %min3A_2223 = vector.broadcast %min3A_2222 : f32 to vector<16xf32>
    %min3A_2224 = arith.minimumf %max3A_2221, %min3A_2223 : vector<16xf32>
    %max3A_2225 = arith.constant -6.000000e+01 : f32
    %max3A_2226 = vector.broadcast %max3A_2225 : f32 to vector<16xf32>
    %max3A_2227 = arith.maximumf %get3A_2215, %max3A_2226 : vector<16xf32>
    %min3A_2228 = arith.constant 6.000000e+01 : f32
    %min3A_2229 = vector.broadcast %min3A_2228 : f32 to vector<16xf32>
    %min3A_2230 = arith.minimumf %max3A_2227, %min3A_2229 : vector<16xf32>
    %max3A_2231 = arith.constant -6.000000e+01 : f32
    %max3A_2232 = vector.broadcast %max3A_2231 : f32 to vector<16xf32>
    %max3A_2233 = arith.maximumf %get3A_2218, %max3A_2232 : vector<16xf32>
    %min3A_2234 = arith.constant 6.000000e+01 : f32
    %min3A_2235 = vector.broadcast %min3A_2234 : f32 to vector<16xf32>
    %min3A_2236 = arith.minimumf %max3A_2233, %min3A_2235 : vector<16xf32>
    %neg3A_2237 = arith.constant 0.000000e+00 : f32
    %neg3A_2238 = vector.broadcast %neg3A_2237 : f32 to vector<16xf32>
    %neg3A_2239 = arith.subf %neg3A_2238, %min3A_2224 : vector<16xf32>
    %exp3A_2240 = math.exp %neg3A_2239 : vector<16xf32>
    %neg3A_2241 = arith.constant 0.000000e+00 : f32
    %neg3A_2242 = vector.broadcast %neg3A_2241 : f32 to vector<16xf32>
    %neg3A_2243 = arith.subf %neg3A_2242, %min3A_2230 : vector<16xf32>
    %exp3A_2244 = math.exp %neg3A_2243 : vector<16xf32>
    %neg3A_2245 = arith.constant 0.000000e+00 : f32
    %neg3A_2246 = vector.broadcast %neg3A_2245 : f32 to vector<16xf32>
    %neg3A_2247 = arith.subf %neg3A_2246, %min3A_2236 : vector<16xf32>
    %exp3A_2248 = math.exp %neg3A_2247 : vector<16xf32>
    %sub3A_2249 = arith.subf %exp3A_2244, %exp3A_2240 : vector<16xf32>
    %add3A_2250 = arith.constant 1.000000e+00 : f32
    %add3A_2251 = vector.broadcast %add3A_2250 : f32 to vector<16xf32>
    %add3A_2252 = arith.addf %add3A_2251, %exp3A_2240 : vector<16xf32>
    %add3A_2253 = arith.constant 1.000000e+00 : f32
    %add3A_2254 = vector.broadcast %add3A_2253 : f32 to vector<16xf32>
    %add3A_2255 = arith.addf %add3A_2254, %exp3A_2244 : vector<16xf32>
    %mul3A_2256 = arith.mulf %add3A_2252, %add3A_2255 : vector<16xf32>
    %add3A_2257 = arith.constant 1.000000e+00 : f32
    %add3A_2258 = vector.broadcast %add3A_2257 : f32 to vector<16xf32>
    %add3A_2259 = arith.addf %add3A_2258, %exp3A_2248 : vector<16xf32>
    %mul3A_2260 = arith.mulf %mul3A_2256, %add3A_2259 : vector<16xf32>
    %mul3A_2261 = arith.constant 2.720000e+01 : f32
    %mul3A_2262 = vector.broadcast %mul3A_2261 : f32 to vector<16xf32>
    %mul3A_2263 = arith.mulf %mul3A_2262, %sub3A_2249 : vector<16xf32>
    %div3A_2264 = arith.divf %mul3A_2263, %mul3A_2260 : vector<16xf32>
    %neg3A_2265 = arith.constant 0.000000e+00 : f32
    %neg3A_2266 = vector.broadcast %neg3A_2265 : f32 to vector<16xf32>
    %neg3A_2267 = arith.subf %neg3A_2266, %div3A_2264 : vector<16xf32>
    %exp3A_2268 = math.exp %neg3A_2267 : vector<16xf32>
    %neg3A_2269 = arith.constant 0.000000e+00 : f32
    %neg3A_2270 = vector.broadcast %neg3A_2269 : f32 to vector<16xf32>
    %neg3A_2271 = arith.subf %neg3A_2270, %exp3A_2268 : vector<16xf32>
    %exp3A_2272 = math.exp %neg3A_2271 : vector<16xf32>
    %add3A_2273 = arith.constant 1.000000e+00 : f32
    %add3A_2274 = vector.broadcast %add3A_2273 : f32 to vector<16xf32>
    %add3A_2275 = arith.addf %add3A_2274, %exp3A_2272 : vector<16xf32>
    %div3A_2276 = arith.constant 1.000000e+00 : f32
    %div3A_2277 = vector.broadcast %div3A_2276 : f32 to vector<16xf32>
    %div3A_2278 = arith.divf %div3A_2277, %add3A_2275 : vector<16xf32>
    %swap3A_2279 = arith.constant 80 : index
    %swap3A_2280 = tpu.vector_load %arg31[%swap3A_2279] {strides = array<i32>} : memref<128xf32, #tpu.memory_space<vmem>>, vector<16xf32>,
    %swap3A_2281 = vector.shape_cast %swap3A_2280 : vector<16xf32> to vector<16xf32>
    %swap3A_2282 = vector.shape_cast %div3A_2278 : vector<16xf32> to vector<16xf32>
    tpu.vector_store %arg31[%swap3A_2279], %swap3A_2282 {strides = array<i32>} : memref<128xf32, #tpu.memory_space<vmem>>, vector<16xf32>,
    %get3A_2283 = arith.constant 96 : index
    %get3A_2284 = tpu.vector_load %arg19[%get3A_2283] {strides = array<i32>} : memref<128xf32, #tpu.memory_space<vmem>>, vector<16xf32>,
    %get3A_2285 = vector.shape_cast %get3A_2284 : vector<16xf32> to vector<16xf32>
    %get3A_2286 = arith.constant 96 : index
    %get3A_2287 = tpu.vector_load %arg23[%get3A_2286] {strides = array<i32>} : memref<128xf32, #tpu.memory_space<vmem>>, vector<16xf32>,
    %get3A_2288 = vector.shape_cast %get3A_2287 : vector<16xf32> to vector<16xf32>
    %get3A_2289 = arith.constant 96 : index
    %get3A_2290 = tpu.vector_load %arg27[%get3A_2289] {strides = array<i32>} : memref<128xf32, #tpu.memory_space<vmem>>, vector<16xf32>,
    %get3A_2291 = vector.shape_cast %get3A_2290 : vector<16xf32> to vector<16xf32>
    %max3A_2292 = arith.constant -6.000000e+01 : f32
    %max3A_2293 = vector.broadcast %max3A_2292 : f32 to vector<16xf32>
    %max3A_2294 = arith.maximumf %get3A_2285, %max3A_2293 : vector<16xf32>
    %min3A_2295 = arith.constant 6.000000e+01 : f32
    %min3A_2296 = vector.broadcast %min3A_2295 : f32 to vector<16xf32>
    %min3A_2297 = arith.minimumf %max3A_2294, %min3A_2296 : vector<16xf32>
    %max3A_2298 = arith.constant -6.000000e+01 : f32
    %max3A_2299 = vector.broadcast %max3A_2298 : f32 to vector<16xf32>
    %max3A_2300 = arith.maximumf %get3A_2288, %max3A_2299 : vector<16xf32>
    %min3A_2301 = arith.constant 6.000000e+01 : f32
    %min3A_2302 = vector.broadcast %min3A_2301 : f32 to vector<16xf32>
    %min3A_2303 = arith.minimumf %max3A_2300, %min3A_2302 : vector<16xf32>
    %max3A_2304 = arith.constant -6.000000e+01 : f32
    %max3A_2305 = vector.broadcast %max3A_2304 : f32 to vector<16xf32>
    %max3A_2306 = arith.maximumf %get3A_2291, %max3A_2305 : vector<16xf32>
    %min3A_2307 = arith.constant 6.000000e+01 : f32
    %min3A_2308 = vector.broadcast %min3A_2307 : f32 to vector<16xf32>
    %min3A_2309 = arith.minimumf %max3A_2306, %min3A_2308 : vector<16xf32>
    %neg3A_2310 = arith.constant 0.000000e+00 : f32
    %neg3A_2311 = vector.broadcast %neg3A_2310 : f32 to vector<16xf32>
    %neg3A_2312 = arith.subf %neg3A_2311, %min3A_2297 : vector<16xf32>
    %exp3A_2313 = math.exp %neg3A_2312 : vector<16xf32>
    %neg3A_2314 = arith.constant 0.000000e+00 : f32
    %neg3A_2315 = vector.broadcast %neg3A_2314 : f32 to vector<16xf32>
    %neg3A_2316 = arith.subf %neg3A_2315, %min3A_2303 : vector<16xf32>
    %exp3A_2317 = math.exp %neg3A_2316 : vector<16xf32>
    %neg3A_2318 = arith.constant 0.000000e+00 : f32
    %neg3A_2319 = vector.broadcast %neg3A_2318 : f32 to vector<16xf32>
    %neg3A_2320 = arith.subf %neg3A_2319, %min3A_2309 : vector<16xf32>
    %exp3A_2321 = math.exp %neg3A_2320 : vector<16xf32>
    %sub3A_2322 = arith.subf %exp3A_2317, %exp3A_2313 : vector<16xf32>
    %add3A_2323 = arith.constant 1.000000e+00 : f32
    %add3A_2324 = vector.broadcast %add3A_2323 : f32 to vector<16xf32>
    %add3A_2325 = arith.addf %add3A_2324, %exp3A_2313 : vector<16xf32>
    %add3A_2326 = arith.constant 1.000000e+00 : f32
    %add3A_2327 = vector.broadcast %add3A_2326 : f32 to vector<16xf32>
    %add3A_2328 = arith.addf %add3A_2327, %exp3A_2317 : vector<16xf32>
    %mul3A_2329 = arith.mulf %add3A_2325, %add3A_2328 : vector<16xf32>
    %add3A_2330 = arith.constant 1.000000e+00 : f32
    %add3A_2331 = vector.broadcast %add3A_2330 : f32 to vector<16xf32>
    %add3A_2332 = arith.addf %add3A_2331, %exp3A_2321 : vector<16xf32>
    %mul3A_2333 = arith.mulf %mul3A_2329, %add3A_2332 : vector<16xf32>
    %mul3A_2334 = arith.constant 2.720000e+01 : f32
    %mul3A_2335 = vector.broadcast %mul3A_2334 : f32 to vector<16xf32>
    %mul3A_2336 = arith.mulf %mul3A_2335, %sub3A_2322 : vector<16xf32>
    %div3A_2337 = arith.divf %mul3A_2336, %mul3A_2333 : vector<16xf32>
    %neg3A_2338 = arith.constant 0.000000e+00 : f32
    %neg3A_2339 = vector.broadcast %neg3A_2338 : f32 to vector<16xf32>
    %neg3A_2340 = arith.subf %neg3A_2339, %div3A_2337 : vector<16xf32>
    %exp3A_2341 = math.exp %neg3A_2340 : vector<16xf32>
    %neg3A_2342 = arith.constant 0.000000e+00 : f32
    %neg3A_2343 = vector.broadcast %neg3A_2342 : f32 to vector<16xf32>
    %neg3A_2344 = arith.subf %neg3A_2343, %exp3A_2341 : vector<16xf32>
    %exp3A_2345 = math.exp %neg3A_2344 : vector<16xf32>
    %add3A_2346 = arith.constant 1.000000e+00 : f32
    %add3A_2347 = vector.broadcast %add3A_2346 : f32 to vector<16xf32>
    %add3A_2348 = arith.addf %add3A_2347, %exp3A_2345 : vector<16xf32>
    %div3A_2349 = arith.constant 1.000000e+00 : f32
    %div3A_2350 = vector.broadcast %div3A_2349 : f32 to vector<16xf32>
    %div3A_2351 = arith.divf %div3A_2350, %add3A_2348 : vector<16xf32>
    %swap3A_2352 = arith.constant 96 : index
    %swap3A_2353 = tpu.vector_load %arg31[%swap3A_2352] {strides = array<i32>} : memref<128xf32, #tpu.memory_space<vmem>>, vector<16xf32>,
    %swap3A_2354 = vector.shape_cast %swap3A_2353 : vector<16xf32> to vector<16xf32>
    %swap3A_2355 = vector.shape_cast %div3A_2351 : vector<16xf32> to vector<16xf32>
    tpu.vector_store %arg31[%swap3A_2352], %swap3A_2355 {strides = array<i32>} : memref<128xf32, #tpu.memory_space<vmem>>, vector<16xf32>,
    %get3A_2356 = arith.constant 112 : index
    %get3A_2357 = tpu.vector_load %arg19[%get3A_2356] {strides = array<i32>} : memref<128xf32, #tpu.memory_space<vmem>>, vector<16xf32>,
    %get3A_2358 = vector.shape_cast %get3A_2357 : vector<16xf32> to vector<16xf32>
    %get3A_2359 = arith.constant 112 : index
    %get3A_2360 = tpu.vector_load %arg23[%get3A_2359] {strides = array<i32>} : memref<128xf32, #tpu.memory_space<vmem>>, vector<16xf32>,
    %get3A_2361 = vector.shape_cast %get3A_2360 : vector<16xf32> to vector<16xf32>
    %get3A_2362 = arith.constant 112 : index
    %get3A_2363 = tpu.vector_load %arg27[%get3A_2362] {strides = array<i32>} : memref<128xf32, #tpu.memory_space<vmem>>, vector<16xf32>,
    %get3A_2364 = vector.shape_cast %get3A_2363 : vector<16xf32> to vector<16xf32>
    %max3A_2365 = arith.constant -6.000000e+01 : f32
    %max3A_2366 = vector.broadcast %max3A_2365 : f32 to vector<16xf32>
    %max3A_2367 = arith.maximumf %get3A_2358, %max3A_2366 : vector<16xf32>
    %min3A_2368 = arith.constant 6.000000e+01 : f32
    %min3A_2369 = vector.broadcast %min3A_2368 : f32 to vector<16xf32>
    %min3A_2370 = arith.minimumf %max3A_2367, %min3A_2369 : vector<16xf32>
    %max3A_2371 = arith.constant -6.000000e+01 : f32
    %max3A_2372 = vector.broadcast %max3A_2371 : f32 to vector<16xf32>
    %max3A_2373 = arith.maximumf %get3A_2361, %max3A_2372 : vector<16xf32>
    %min3A_2374 = arith.constant 6.000000e+01 : f32
    %min3A_2375 = vector.broadcast %min3A_2374 : f32 to vector<16xf32>
    %min3A_2376 = arith.minimumf %max3A_2373, %min3A_2375 : vector<16xf32>
    %max3A_2377 = arith.constant -6.000000e+01 : f32
    %max3A_2378 = vector.broadcast %max3A_2377 : f32 to vector<16xf32>
    %max3A_2379 = arith.maximumf %get3A_2364, %max3A_2378 : vector<16xf32>
    %min3A_2380 = arith.constant 6.000000e+01 : f32
    %min3A_2381 = vector.broadcast %min3A_2380 : f32 to vector<16xf32>
    %min3A_2382 = arith.minimumf %max3A_2379, %min3A_2381 : vector<16xf32>
    %neg3A_2383 = arith.constant 0.000000e+00 : f32
    %neg3A_2384 = vector.broadcast %neg3A_2383 : f32 to vector<16xf32>
    %neg3A_2385 = arith.subf %neg3A_2384, %min3A_2370 : vector<16xf32>
    %exp3A_2386 = math.exp %neg3A_2385 : vector<16xf32>
    %neg3A_2387 = arith.constant 0.000000e+00 : f32
    %neg3A_2388 = vector.broadcast %neg3A_2387 : f32 to vector<16xf32>
    %neg3A_2389 = arith.subf %neg3A_2388, %min3A_2376 : vector<16xf32>
    %exp3A_2390 = math.exp %neg3A_2389 : vector<16xf32>
    %neg3A_2391 = arith.constant 0.000000e+00 : f32
    %neg3A_2392 = vector.broadcast %neg3A_2391 : f32 to vector<16xf32>
    %neg3A_2393 = arith.subf %neg3A_2392, %min3A_2382 : vector<16xf32>
    %exp3A_2394 = math.exp %neg3A_2393 : vector<16xf32>
    %sub3A_2395 = arith.subf %exp3A_2390, %exp3A_2386 : vector<16xf32>
    %add3A_2396 = arith.constant 1.000000e+00 : f32
    %add3A_2397 = vector.broadcast %add3A_2396 : f32 to vector<16xf32>
    %add3A_2398 = arith.addf %add3A_2397, %exp3A_2386 : vector<16xf32>
    %add3A_2399 = arith.constant 1.000000e+00 : f32
    %add3A_2400 = vector.broadcast %add3A_2399 : f32 to vector<16xf32>
    %add3A_2401 = arith.addf %add3A_2400, %exp3A_2390 : vector<16xf32>
    %mul3A_2402 = arith.mulf %add3A_2398, %add3A_2401 : vector<16xf32>
    %add3A_2403 = arith.constant 1.000000e+00 : f32
    %add3A_2404 = vector.broadcast %add3A_2403 : f32 to vector<16xf32>
    %add3A_2405 = arith.addf %add3A_2404, %exp3A_2394 : vector<16xf32>
    %mul3A_2406 = arith.mulf %mul3A_2402, %add3A_2405 : vector<16xf32>
    %mul3A_2407 = arith.constant 2.720000e+01 : f32
    %mul3A_2408 = vector.broadcast %mul3A_2407 : f32 to vector<16xf32>
    %mul3A_2409 = arith.mulf %mul3A_2408, %sub3A_2395 : vector<16xf32>
    %div3A_2410 = arith.divf %mul3A_2409, %mul3A_2406 : vector<16xf32>
    %neg3A_2411 = arith.constant 0.000000e+00 : f32
    %neg3A_2412 = vector.broadcast %neg3A_2411 : f32 to vector<16xf32>
    %neg3A_2413 = arith.subf %neg3A_2412, %div3A_2410 : vector<16xf32>
    %exp3A_2414 = math.exp %neg3A_2413 : vector<16xf32>
    %neg3A_2415 = arith.constant 0.000000e+00 : f32
    %neg3A_2416 = vector.broadcast %neg3A_2415 : f32 to vector<16xf32>
    %neg3A_2417 = arith.subf %neg3A_2416, %exp3A_2414 : vector<16xf32>
    %exp3A_2418 = math.exp %neg3A_2417 : vector<16xf32>
    %add3A_2419 = arith.constant 1.000000e+00 : f32
    %add3A_2420 = vector.broadcast %add3A_2419 : f32 to vector<16xf32>
    %add3A_2421 = arith.addf %add3A_2420, %exp3A_2418 : vector<16xf32>
    %div3A_2422 = arith.constant 1.000000e+00 : f32
    %div3A_2423 = vector.broadcast %div3A_2422 : f32 to vector<16xf32>
    %div3A_2424 = arith.divf %div3A_2423, %add3A_2421 : vector<16xf32>
    %swap3A_2425 = arith.constant 112 : index
    %swap3A_2426 = tpu.vector_load %arg31[%swap3A_2425] {strides = array<i32>} : memref<128xf32, #tpu.memory_space<vmem>>, vector<16xf32>,
    %swap3A_2427 = vector.shape_cast %swap3A_2426 : vector<16xf32> to vector<16xf32>
    %swap3A_2428 = vector.shape_cast %div3A_2424 : vector<16xf32> to vector<16xf32>
    tpu.vector_store %arg31[%swap3A_2425], %swap3A_2428 {strides = array<i32>} : memref<128xf32, #tpu.memory_space<vmem>>, vector<16xf32>,
    %add3A_2429 = arith.constant 384 : i32
    %add3A_2430 = arith.addi %mul3A_2, %add3A_2429 : i32
    %dma_start3A_2431 = tpu.memref_slice %arg7[%add3A_2430] : memref<16384xf32, #tpu.memory_space<hbm>> -> memref<128xf32, #tpu.memory_space<hbm>>
    %dma_start3A_2432 = tpu.memref_slice %arg7[%add3A_2430] : memref<16384xf32, #tpu.memory_space<hbm>> -> memref<128xf32, #tpu.memory_space<hbm>>
    tpu.enqueue_dma source(%arg31 : memref<128xf32, #tpu.memory_space<vmem>>) target(%dma_start3A_2432 : memref<128xf32, #tpu.memory_space<hbm>>) target_semaphore(%arg33 : memref<!tpu.dma_semaphore, #tpu.memory_space<semaphore_mem>>)
    %dma_wait3A_2433 = tpu.memref_slice %arg7[%add3A_648] : memref<16384xf32, #tpu.memory_space<hbm>> -> memref<128xf32, #tpu.memory_space<hbm>>
    %dma_wait3A_2434 = tpu.memref_slice %arg7[%add3A_648] : memref<16384xf32, #tpu.memory_space<hbm>> -> memref<128xf32, #tpu.memory_space<hbm>>
    tpu.wait_dma2 semaphore(%arg33 : memref<!tpu.dma_semaphore, #tpu.memory_space<semaphore_mem>>) src(%arg28 : memref<128xf32, #tpu.memory_space<vmem>>) dst(%dma_wait3A_2434 : memref<128xf32, #tpu.memory_space<hbm>>)
    %dma_wait3A_2435 = tpu.memref_slice %arg7[%add3A_1242] : memref<16384xf32, #tpu.memory_space<hbm>> -> memref<128xf32, #tpu.memory_space<hbm>>
    %dma_wait3A_2436 = tpu.memref_slice %arg7[%add3A_1242] : memref<16384xf32, #tpu.memory_space<hbm>> -> memref<128xf32, #tpu.memory_space<hbm>>
    tpu.wait_dma2 semaphore(%arg33 : memref<!tpu.dma_semaphore, #tpu.memory_space<semaphore_mem>>) src(%arg29 : memref<128xf32, #tpu.memory_space<vmem>>) dst(%dma_wait3A_2436 : memref<128xf32, #tpu.memory_space<hbm>>)
    %dma_wait3A_2437 = tpu.memref_slice %arg7[%add3A_1836] : memref<16384xf32, #tpu.memory_space<hbm>> -> memref<128xf32, #tpu.memory_space<hbm>>
    %dma_wait3A_2438 = tpu.memref_slice %arg7[%add3A_1836] : memref<16384xf32, #tpu.memory_space<hbm>> -> memref<128xf32, #tpu.memory_space<hbm>>
    tpu.wait_dma2 semaphore(%arg33 : memref<!tpu.dma_semaphore, #tpu.memory_space<semaphore_mem>>) src(%arg30 : memref<128xf32, #tpu.memory_space<vmem>>) dst(%dma_wait3A_2438 : memref<128xf32, #tpu.memory_space<hbm>>)
    %dma_wait3A_2439 = tpu.memref_slice %arg7[%add3A_2430] : memref<16384xf32, #tpu.memory_space<hbm>> -> memref<128xf32, #tpu.memory_space<hbm>>
    %dma_wait3A_2440 = tpu.memref_slice %arg7[%add3A_2430] : memref<16384xf32, #tpu.memory_space<hbm>> -> memref<128xf32, #tpu.memory_space<hbm>>
    tpu.wait_dma2 semaphore(%arg33 : memref<!tpu.dma_semaphore, #tpu.memory_space<semaphore_mem>>) src(%arg31 : memref<128xf32, #tpu.memory_space<vmem>>) dst(%dma_wait3A_2440 : memref<128xf32, #tpu.memory_space<hbm>>)
    return
  }
}

</mosaic_0001>

<sc_bundles>
// kernel: kernel.3.cloned.1.call-start
scs
__scs_entry_jumppad:
0x0: {  	(pc) =	sbr.rel $0x88, $3  }
0x1: {  	(tag) =	ssettag $0x0;
	lr =	simm.s32 $0x1  }
0x2: {  	[smem:$0x3F9C] =	sst lr;
	_ =	strace $0xD0000000  }
0x3: {  	_ = 	snop  }
0x4: {  	_ = 	snop  }
0x5: {  	_ = 	snop  }
0x6: {  	_ = 	snop  }
0x7: {  	_ = 	snop  }
__scs_overlays_trampoline_lowered:
0x8: {  	[smem:$0x3FAB] =	sst s0  }
0x9: {  	[smem:$0x3FAC] =	sst s1  }
0xa: {  	[smem:$0x3FAD] =	sst s2  }
0xb: {  	[smem:$0x3FAE] =	sst s3  }
0xc: {  	[smem:$0x3FAF] =	sst s4  }
0xd: {  	[smem:$0x3FB0] =	sst s5  }
0xe: {  	[smem:$0x3FB1] =	sst s6  }
0xf: {  	[smem:$0x3FB2] =	sst s7  }
0x10: {  	[smem:$0x3FB3] =	sst s8  }
0x11: {  	[smem:$0x3FB4] =	sst s9;
	s0 =	simm.s32 @!p0 $0x0  }
0x12: {  	s1 =	sld [smem:$0x3F9A];
	s0 =	simm.s32 @p0 $0x1  }
0x13: {  	[smem:$0x3FB5] =	sst s0;
	s0 =	simm.s32 @!p1 $0x0  }
0x14: {  	s2 =	sld [smem:$0x3F99];
	s0 =	simm.s32 @p1 $0x1  }
0x15: {  	[smem:$0x3FB6] =	sst s0;
	s0 =	simm.s32 @!p2 $0x0  }
0x16: {  	s3 =	sld [smem:$0x3FDB];
	s0 =	simm.s32 @p2 $0x1  }
0x17: {  	s4 =	simm.s32 $0x1BF5;
	[smem:$0x3FB8] =	sst s0  }
0x18: {  	s0 =	sld [smem:$0x3F9B];
	_ =	swait.ge [sflag:s4], $0x0  }
0x19: {  	s7 =	sld [smem:$0x3F9C]  }
0x1a: {  	s8 =	sadd.s32 $0xFFFFE003, lr  }
0x1b: {  	s9 =	sadd.s32 $0xFFFFFEF7, lr;
	s5 =	simm.s32 $0xFFFFFFFF;
	p2 =	slt.u32 s8, $0xFFFFF086  }
0x1c: {  	p1 =	slt.u32 s9, $0xF7A;
	s5 =	simm.s32 @!p2 $0x0  }
0x1d: {  	s5 =	simm.s32 @p1 $0x1;
	p0 =	seq.s32 s7, s2  }
0x1e: {  	s7 =	smul.u32 @!p0 $0xF7A, s2;
	p2 =	seq.s32 @!p0 s5, $0x0  }
0x1f: {  	s9 =	smul.u32 $0xF7A, s1;
	s8 =	simm.s32 @!p0 $0x1BF5;
	p2 =	por !p2, p0  }
0x20: {  	[sflag:s8] =	ssyncset.s32 @!p0 $0xFFFFF086;
	s6 =	sadd.s32 @!p0 s3, s7;
	s7 =	simm.s32 @!p0 $0x108  }
0x21: {  	s3 =	sadd.s32 s3, s9;
	s6 =	sadd.s32 @!p0 $0x88, s6;
	s7 =	simm.s32 @p2 $0x1082  }
0x22: {  	[simem:s7], [sflag:s8] =	dma.local @!p0 [hbm:s6], $0xF7A  }
0x23: {  	s9 =	sor.u32 $0xD0000000, s2;
	s6 =	simm.s32 $0x108;
	_ =	swait.ge @!p0 [sflag:s8], $0x0  }
0x24: {  	s3 =	sadd.s32 $0x88, s3;
	s6 =	simm.s32 @!p1 $0x1082;
	[sflag:s4] =	ssyncset.s32 $0xFFFFF086  }
0x25: {  	[simem:s6], [sflag:s4] =	dma.local [hbm:s3], $0xF7A  }
0x26: {  	[smem:$0x3F9C] =	sst s1;
	(tag) =	ssettag s2;
	_ =	strace s9  }
0x27: {  	s1 =	sld [smem:$0x3FAC]  }
0x28: {  	s2 =	sld [smem:$0x3FAD]  }
0x29: {  	s4 =	sld [smem:$0x3FAF]  }
0x2a: {  	p0 =	seq.s32 s5, $0x0;
	s5 =	sld [smem:$0x3FB0]  }
0x2b: {  	s6 =	sld [smem:$0x3FB1]  }
0x2c: {  	s7 =	sld [smem:$0x3FB2]  }
0x2d: {  	s3 =	simm.s32 $0x108;
	s8 =	sld [smem:$0x3FB3]  }
0x2e: {  	s3 =	simm.s32 @!p0 $0x1082;
	s9 =	sld [smem:$0x3FB4]  }
0x2f: {  	lr =	sadd.s32 s0, s3;
	s0 =	sld [smem:$0x3FAB]  }
0x30: {  	s3 =	sld [smem:$0x3FAE]  }
0x31: {  	[smem:$0x3FB7] =	sst s10  }
0x32: {  	s10 =	sld [smem:$0x3FB5];
	_ =	sdelay $0x3  }
0x33: {  	p0 =	seq.s32 s10, $0x1;
	s10 =	sld [smem:$0x3FB7];
	_ =	sdelay $0x3  }
0x34: {  	[smem:$0x3FB7] =	sst s10  }
0x35: {  	s10 =	sld [smem:$0x3FB6];
	_ =	sdelay $0x3  }
0x36: {  	p1 =	seq.s32 s10, $0x1;
	s10 =	sld [smem:$0x3FB7];
	_ =	sdelay $0x3  }
0x37: {  	[smem:$0x3FB7] =	sst s10  }
0x38: {  	s10 =	sld [smem:$0x3FB8]  }
0x39: {  	_ = 	snop;
	(pc) =	sbr.ind lr, $3  }
0x3a: {  	_ = 	snop  }
0x3b: {  	_ = 	snop  }
0x3c: {  	p2 =	seq.s32 s10, $0x1;
	s10 =	sld [smem:$0x3FB7]  }
0x3d: {  	_ =	shalt  }
0x3e: {  	_ =	shalt  }
0x3f: {  	_ =	shalt  }
0x40: {  	_ =	shalt  }
0x41: {  	_ =	shalt  }
0x42: {  	_ =	shalt  }
0x43: {  	_ =	shalt  }
0x44: {  	_ =	shalt  }
0x45: {  	_ =	shalt  }
0x46: {  	_ =	shalt  }
0x47: {  	_ =	shalt  }
0x48: {  	_ =	shalt  }
0x49: {  	_ =	shalt  }
0x4a: {  	_ =	shalt  }
0x4b: {  	_ =	shalt  }
0x4c: {  	_ =	shalt  }
0x4d: {  	_ =	shalt  }
0x4e: {  	_ =	shalt  }
0x4f: {  	_ =	shalt  }
0x50: {  	_ =	shalt  }
0x51: {  	_ =	shalt  }
0x52: {  	_ =	shalt  }
0x53: {  	_ =	shalt  }
0x54: {  	_ =	shalt  }
0x55: {  	_ =	shalt  }
0x56: {  	_ =	shalt  }
0x57: {  	_ =	shalt  }
0x58: {  	_ =	shalt  }
0x59: {  	_ =	shalt  }
0x5a: {  	_ =	shalt  }
0x5b: {  	_ =	shalt  }
0x5c: {  	_ =	shalt  }
0x5d: {  	_ =	shalt  }
0x5e: {  	_ =	shalt  }
0x5f: {  	_ =	shalt  }
0x60: {  	_ =	shalt  }
0x61: {  	_ =	shalt  }
0x62: {  	_ =	shalt  }
0x63: {  	_ =	shalt  }
0x64: {  	_ =	shalt  }
0x65: {  	_ =	shalt  }
0x66: {  	_ =	shalt  }
0x67: {  	_ =	shalt  }
0x68: {  	_ =	shalt  }
0x69: {  	_ =	shalt  }
0x6a: {  	_ =	shalt  }
0x6b: {  	_ =	shalt  }
0x6c: {  	_ =	shalt  }
0x6d: {  	_ =	shalt  }
0x6e: {  	_ =	shalt  }
0x6f: {  	_ =	shalt  }
0x70: {  	_ =	shalt  }
0x71: {  	_ =	shalt  }
0x72: {  	_ =	shalt  }
0x73: {  	_ =	shalt  }
0x74: {  	_ =	shalt  }
0x75: {  	_ =	shalt  }
0x76: {  	_ =	shalt  }
0x77: {  	_ =	shalt  }
0x78: {  	_ =	shalt  }
0x79: {  	_ =	shalt  }
0x7a: {  	_ =	shalt  }
0x7b: {  	_ =	shalt  }
0x7c: {  	_ =	shalt  }
0x7d: {  	_ =	shalt  }
0x7e: {  	_ =	shalt  }
0x7f: {  	_ =	shalt  }
0x80: {  	_ =	shalt  }
0x81: {  	_ =	shalt  }
0x82: {  	_ =	shalt  }
0x83: {  	_ =	shalt  }
0x84: {  	_ =	shalt  }
0x85: {  	_ =	shalt  }
0x86: {  	_ =	shalt  }
0x87: {  	_ =	shalt  }
.Lfunc_end0:
.L_simem_size_0:
called_computation_lowered:
.L_overlay_start_0:
0x88: {  	s2 =	sld [smem:$0x3FD9]  }
0x89: {  	s3 =	sld [smem:$0x3FFE];
	_ =	sdelay $0x1  }
0x8a: {  	s1 =	srdreg.scid  }
0x8b: {  	s0 =	sand.u32 $0x1, s1  }
0x8c: {  	s17 =	sshll.u32 s0, $0xA;
	s2 =	sadd.s32 s3, s2  }
0x8d: {  	s2 =	sadd.s32 s2, s17  }
0x8e: {  	[smem:$0x3FC3] =	sst s2  }
0x8f: {  	_ = 	snop  }
0x90: {  	s2 =	sld [smem:$0x3FC9]  }
0x91: {  	s18 =	sld [smem:$0x3FC8]  }
0x92: {  	s4 =	sld [smem:$0x3FD0];
	(tm) =	ssettm $0x1  }
0x93: {  	s5 =	sld [smem:$0x3FFB];
	_ =	sdelay $0x3  }
0x94: {  	_ =	strace s5  }
0x95: {  	s5 =	sld [smem:$0x3FFC];
	_ =	sdelay $0x3  }
0x96: {  	_ =	strace s5  }
0x97: {  	s5 =	sld [smem:$0x3FFD];
	_ =	sdelay $0x3  }
0x98: {  	_ =	strace s5  }
0x99: {  	_ =	strace $0x8FFFFFFF  }
0x9a: {  	s19 =	sld [smem:$0x3FDB];
	_ =	sdelay $0x1  }
0x9b: {  	s6 =	simm.s32 $_scs_section_size  }
0x9c: {  	s7 =	simm.s32 $_size__tile_overlayer_lowered;
	s8 =	simm.s32 $_tile_overlayer_lowered  }
0x9d: {  	s22 =	simm.s32 $0x1BFF;
	s21 =	sshll.u32 s8, $0x1;
	s5 =	sadd.s32 s6, s19  }
0x9e: {  	s9 =	simm.s32 $0x0;
	s20 =	sshll.u32 s7, $0x1;
	s7 =	sadd.s32 s21, s5  }
0x9f: {  	[timem:s9], [sflag:s22] =	dma.local [hbm:s7], s20  }
0xa0: {  	_ =	swait.ge [sflag:s22], s20  }
0xa1: {  	s6 =	ssub.s32 $0x0, s20;
	[sflag:s22] =	ssyncset.done $0x0  }
0xa2: {  	[sflag:s22] =	ssyncadd.s32 s6;
	_ =	sdelay $0x1  }
0xa3: {  	s23 =	simm.s32 $0x1B8B  }
0xa4: {  	_ =	swait.ge [sflag:s23], $0x1  }
0xa5: {  	[sflag:s23] =	ssyncset.done $0x0  }
0xa6: {  	s25 =	simm.s32 $0x1B8E;
	s24 =	sld [smem:$0x3FFE];
	[sflag:s23] =	ssyncadd.s32 $0xFFFFFFFF  }
0xa7: {  	s26 =	simm.s32 $execute0_lowered;
	[smem:$0x3FD2] =	sst s25  }
0xa8: {  	s7 =	sshll.u32 s26, $0x1;
	_ =	strace $0x80000046;
	[dreg:$0x1] =	wrdreg $0xFFFFFFFF  }
0xa9: {  	s28 =	simm.s32 $_size_execute0_lowered;
	s5 =	sadd.s32 s5, s7;
	[dreg:$0x0] =	wrdreg $0x0  }
0xaa: {  	s7 =	sshll.u32 s28, $0x1;
	[dreg:$0x2] =	wrdreg s5  }
0xab: {  	[dreg:$0x3] =	wrdreg s7  }
0xac: {  	[dreg:$0x4] =	wrdreg $0xC0  }
0xad: {  	_ =	task [dreg:s9], $0x5FFFF  }
0xae: {  	[dreg:$0x1] =	wrdreg $0xFFFFFFFF  }
0xaf: {  	[dreg:$0x0] =	wrdreg $0x60  }
0xb0: {  	[dreg:$0x2] =	wrdreg s2  }
0xb1: {  	[dreg:$0x3] =	wrdreg s18  }
0xb2: {  	[dreg:$0x4] =	wrdreg s24  }
0xb3: {  	[dreg:$0x5] =	wrdreg s4  }
0xb4: {  	[dreg:$0x6] =	wrdreg $0x9  }
0xb5: {  	_ =	task.clear_ibuf [dreg:s9], $0x7FFFF;
	_ =	strace $0x90000046  }
0xb6: {  	s29 =	simm.s32 $0x9;
	_ =	strace $0x80000048  }
0xb7: {  	_ =	swait.ge [sflag:s29], $0x1  }
0xb8: {  	[sflag:s29] =	ssyncadd.s32 $0xFFFFFFFF  }
0xb9: {  	_ =	strace $0x90000048  }
0xba: {  	_ =	sfence  }
0xbb: {  	s30 =	sld [smem:$0x0];
	_ =	sdelay $0x2  }
0xbc: {  	s31 =	sshll.u32 s1, $0xD;
	s1 =	sshrl.u32 s1, $0x2  }
0xbd: {  	s3 =	sand.u32 $0x4000, s31;
	s1 =	sadd.s32 s1, s30  }
0xbe: {  	s0 =	sor.u32 s3, s0;
	s1 =	sshll.u32 s1, $0x11  }
0xbf: {  	s0 =	sor.u32 s1, s0  }
0xc0: {  	s0 =	sadd.s32 $0x8F2B, s0  }
0xc1: {  	[sflag:s0] =	ssyncadd.remote.s32 $0x1  }
0xc2: {  	_ =	sfence.sel $0xFFFF  }
0xc3: {  	[dreg:$0x0] =	wrdreg $0xFFFFFFFF;
	(pc) =	sbr.abs _section_cstart, $3  }
0xc4: {  	[dreg:$0x1] =	wrdreg $0xFFFFFFFF  }
0xc5: {  	_ =	task.clear_ibuf [dreg:s9], $0x2FFFF;
	_ =	strace $0x9FFFFFFF  }
0xc6: {  	(tm) =	ssettm $0x7FFFFFFF  }
0xc7: {  	_ =	shalt  }
tec
execute0_lowered:
.L_overlay_start_1:
0x0: {  	(tag) =	ssettag $0x1  }
0x1: {  	s0 =	rddreg [dreg:$0x0]  }
0x2: {  	s4 =	rddreg [dreg:$0x1]  }
0x3: {  	s2 =	rddreg [dreg:$0x2]  }
0x4: {  	s5 =	rddreg [dreg:$0x3]  }
0x5: {  	s3 =	srdreg.scid;
	s1 =	stileid.u32  }
0x6: {  	s23 =	simm.s32 $0x400;
	s24 =	simm.s32 $0x600;
	s25 =	simm.s32 $0x800  }
0x7: {  	s26 =	simm.s32 $0x480;
	s6 =	sand.u32 $0x1, s3;
	s3 =	simm.s32 $0x0  }
0x8: {  	s28 =	simm.s32 $0x5;
	s29 =	simm.s32 $0xB00;
	[smem:$0x7FF] =	sst s3  }
0x9: {  	s30 =	simm.s32 $0x6;
	_ =	strace $0x80000047;
	[dreg:$0x11] =	wrdreg s23  }
0xa: {  	s31 =	simm.s32 $0xB80;
	s7 =	sshll.u32 s1, $0x7;
	[dreg:$0x12] =	wrdreg s24  }
0xb: {  	s8 =	sshll.u32 s6, $0x6;
	s6 =	ssub.s32 $0x2, s6;
	[dreg:$0x13] =	wrdreg s25  }
0xc: {  	s7 =	sor.u32 s8, s7;
	s20 =	sshrl.u32 s6, $0x1;
	[dreg:$0x14] =	wrdreg s26  }
0xd: {  	s23 =	simm.s32 $0x3;
	s24 =	simm.s32 $0xA00;
	s25 =	simm.s32 $0x4  }
0xe: {  	s26 =	simm.s32 $0xA80;
	s8 =	sadd.s32 s0, s7;
	s12 =	sadd.s32 s4, s7  }
0xf: {  	s9 =	sor.u32 $0x10, s7;
	s10 =	sor.u32 $0x20, s7;
	s11 =	sor.u32 $0x30, s7  }
0x10: {  	s18 =	sadd.s32 s5, s7;
	s6 =	ssub.s32 s6, s20;
	[dreg:$0x5] =	wrdreg s8  }
0x11: {  	s7 =	simm.s32 $0x200;
	s20 =	simm.s32 $0x580;
	[dreg:$0x6] =	wrdreg s12  }
0x12: {  	s13 =	sadd.s32 s0, s9;
	s14 =	sadd.s32 s4, s9;
	[dreg:$0xd] =	wrdreg s18  }
0x13: {  	s15 =	sadd.s32 s0, s10;
	s16 =	sadd.s32 s4, s10;
	[dreg:$0x7] =	wrdreg s13  }
0x14: {  	s0 =	sadd.s32 s0, s11;
	s17 =	sadd.s32 s4, s11;
	[dreg:$0x8] =	wrdreg s14  }
0x15: {  	s4 =	sadd.s32 $0x6400, s2;
	s19 =	sadd.s32 s5, s9;
	[dreg:$0x9] =	wrdreg s15  }
0x16: {  	s21 =	sadd.s32 s5, s10;
	s22 =	sadd.s32 s5, s11;
	[dreg:$0xa] =	wrdreg s16  }
0x17: {  	s5 =	sadd.s32 $0x3200, s2;
	s6 =	smax.u32 s6, $0x1;
	[dreg:$0xb] =	wrdreg s0  }
0x18: {  	s8 =	simm.s32 $0x80;
	s9 =	simm.s32 $0x280;
	[dreg:$0xc] =	wrdreg s17  }
0x19: {  	s10 =	simm.s32 $0x100;
	s11 =	simm.s32 $0x300;
	[dreg:$0xe] =	wrdreg s19  }
0x1a: {  	s12 =	simm.s32 $0x180;
	s18 =	simm.s32 $0x700;
	[dreg:$0xf] =	wrdreg s21  }
0x1b: {  	[dreg:$0x10] =	wrdreg s22;
	s13 =	simm.s32 $0x380;
	s14 =	simm.s32 $0x1  }
0x1c: {  	s16 =	simm.s32 $0x880;
	s17 =	simm.s32 $0x500;
	s19 =	simm.s32 $0x900  }
0x1d: {  	s21 =	simm.s32 $0x780;
	s22 =	simm.s32 $0x980;
	s0 =	simm.s32 $0x2  }
.LBB2_1:
0x1e: {  	s1 =	rddreg [dreg:$0x5]  }
0x1f: {  	[tilespmem:s3], [sflag:$0x1] =	stream.linear.gather [hbm4b:s1+s3], $0x80, $0x38;
	[tilespmem:$0xC00] =	vst v63  }
0x20: {  	s15 =	rddreg [dreg:$0x6]  }
0x21: {  	[tilespmem:s7], [sflag:$0x1] =	stream.linear.gather [hbm4b:s15+s3], $0x80, $0x38;
	[tilespmem:$0xC00] =	vst v63  }
0x22: {  	s1 =	rddreg [dreg:$0x7]  }
0x23: {  	[tilespmem:s8], [sflag:$0x1] =	stream.linear.gather [hbm4b:s1+s3], $0x80, $0x38;
	[tilespmem:$0xC00] =	vst v63  }
0x24: {  	s15 =	rddreg [dreg:$0x8]  }
0x25: {  	[tilespmem:s9], [sflag:$0x1] =	stream.linear.gather [hbm4b:s15+s3], $0x80, $0x38;
	[tilespmem:$0xC00] =	vst v63  }
0x26: {  	s1 =	rddreg [dreg:$0x9]  }
0x27: {  	[tilespmem:s10], [sflag:$0x1] =	stream.linear.gather [hbm4b:s1+s3], $0x80, $0x38;
	[tilespmem:$0xC00] =	vst v63  }
0x28: {  	s15 =	rddreg [dreg:$0xa]  }
0x29: {  	[tilespmem:s11], [sflag:$0x1] =	stream.linear.gather [hbm4b:s15+s3], $0x80, $0x38;
	[tilespmem:$0xC00] =	vst v63  }
0x2a: {  	s1 =	rddreg [dreg:$0xb]  }
0x2b: {  	[tilespmem:s12], [sflag:$0x1] =	stream.linear.gather [hbm4b:s1+s3], $0x80, $0x38;
	[tilespmem:$0xC00] =	vst v63  }
0x2c: {  	s15 =	rddreg [dreg:$0xc]  }
0x2d: {  	[tilespmem:s13], [sflag:$0x1] =	stream.linear.gather [hbm4b:s15+s3], $0x80, $0x38;
	[tilespmem:$0xC00] =	vst v63  }
0x2e: {  	_ =	swait.ge [sflag:s14], $0x80  }
0x2f: {  	[sflag:s14] =	ssyncset.done $0x0  }
0x30: {  	[sflag:s14] =	ssyncadd.s32 $0xFFFFFF80  }
0x31: {  	_ =	swait.ge [sflag:s14], $0x80  }
0x32: {  	[sflag:s14] =	ssyncset.done $0x0  }
0x33: {  	[sflag:s14] =	ssyncadd.s32 $0xFFFFFF80  }
0x34: {  	_ =	swait.ge [sflag:s14], $0x80  }
0x35: {  	[sflag:s14] =	ssyncset.done $0x0  }
0x36: {  	[sflag:s14] =	ssyncadd.s32 $0xFFFFFF80  }
0x37: {  	_ =	swait.ge [sflag:s14], $0x80  }
0x38: {  	[sflag:s14] =	ssyncset.done $0x0  }
0x39: {  	[sflag:s14] =	ssyncadd.s32 $0xFFFFFF80  }
0x3a: {  	_ =	swait.ge [sflag:s14], $0x80  }
0x3b: {  	[sflag:s14] =	ssyncset.done $0x0  }
0x3c: {  	[sflag:s14] =	ssyncadd.s32 $0xFFFFFF80  }
0x3d: {  	_ =	swait.ge [sflag:s14], $0x80  }
0x3e: {  	[sflag:s14] =	ssyncset.done $0x0  }
0x3f: {  	[sflag:s14] =	ssyncadd.s32 $0xFFFFFF80  }
0x40: {  	_ =	swait.ge [sflag:s14], $0x80  }
0x41: {  	[sflag:s14] =	ssyncset.done $0x0  }
0x42: {  	[sflag:s14] =	ssyncadd.s32 $0xFFFFFF80  }
0x43: {  	_ =	swait.ge [sflag:s14], $0x80  }
0x44: {  	[sflag:s14] =	ssyncset.done $0x0  }
0x45: {  	s1 =	rddreg [dreg:$0x11];
	[sflag:s14] =	ssyncadd.s32 $0xFFFFFF80  }
0x46: {  	[tilespmem:s1], [sflag:$0x3] =	stream.indirect.gather [hbm4b:s4+s8], $0x1, s3, s8, $0xb8;
	[tilespmem:$0xC00] =	vst v63  }
0x47: {  	s15 =	rddreg [dreg:$0x12]  }
0x48: {  	[tilespmem:s15], [sflag:$0x3] =	stream.indirect.gather [hbm4b:s2+s8], $0x1, s7, s8, $0xb8;
	[tilespmem:$0xC00] =	vst v63  }
0x49: {  	s1 =	rddreg [dreg:$0x13]  }
0x4a: {  	[tilespmem:s1], [sflag:$0x3] =	stream.indirect.gather [hbm4b:s5+s8], $0x1, s7, s8, $0xb8;
	[tilespmem:$0xC00] =	vst v63  }
0x4b: {  	s15 =	rddreg [dreg:$0x14]  }
0x4c: {  	[tilespmem:s15], [sflag:$0x4] =	stream.indirect.gather [hbm4b:s4+s8], $0x1, s8, s8, $0xb8;
	[tilespmem:$0xC00] =	vst v63  }
0x4d: {  	s15 =	simm.s32 $0x680  }
0x4e: {  	[tilespmem:s15], [sflag:$0x4] =	stream.indirect.gather [hbm4b:s2+s8], $0x1, s9, s8, $0xb8;
	[tilespmem:$0xC00] =	vst v63  }
0x4f: {  	_ = 	snop  }
0x50: {  	[tilespmem:s16], [sflag:$0x4] =	stream.indirect.gather [hbm4b:s5+s8], $0x1, s9, s8, $0xb8;
	[tilespmem:$0xC00] =	vst v63  }
0x51: {  	_ = 	snop  }
0x52: {  	[tilespmem:s17], [sflag:$0x5] =	stream.indirect.gather [hbm4b:s4+s8], $0x1, s10, s8, $0xb8;
	[tilespmem:$0xC00] =	vst v63  }
0x53: {  	_ = 	snop  }
0x54: {  	[tilespmem:s18], [sflag:$0x5] =	stream.indirect.gather [hbm4b:s2+s8], $0x1, s11, s8, $0xb8;
	[tilespmem:$0xC00] =	vst v63  }
0x55: {  	_ = 	snop  }
0x56: {  	[tilespmem:s19], [sflag:$0x5] =	stream.indirect.gather [hbm4b:s5+s8], $0x1, s11, s8, $0xb8;
	[tilespmem:$0xC00] =	vst v63  }
0x57: {  	_ = 	snop  }
0x58: {  	[tilespmem:s20], [sflag:$0x6] =	stream.indirect.gather [hbm4b:s4+s8], $0x1, s12, s8, $0xb8;
	[tilespmem:$0xC00] =	vst v63  }
0x59: {  	_ = 	snop  }
0x5a: {  	[tilespmem:s21], [sflag:$0x6] =	stream.indirect.gather [hbm4b:s2+s8], $0x1, s13, s8, $0xb8;
	[tilespmem:$0xC00] =	vst v63  }
0x5b: {  	_ = 	snop  }
0x5c: {  	[tilespmem:s22], [sflag:$0x6] =	stream.indirect.gather [hbm4b:s5+s8], $0x1, s13, s8, $0xb8;
	[tilespmem:$0xC00] =	vst v63  }
0x5d: {  	_ =	swait.ge [sflag:s23], $0x80  }
0x5e: {  	[sflag:s23] =	ssyncset.done $0x0  }
0x5f: {  	[sflag:s23] =	ssyncadd.s32 $0xFFFFFF80  }
0x60: {  	_ =	swait.ge [sflag:s23], $0x80  }
0x61: {  	[sflag:s23] =	ssyncset.done $0x0  }
0x62: {  	[sflag:s23] =	ssyncadd.s32 $0xFFFFFF80  }
0x63: {  	_ =	swait.ge [sflag:s23], $0x80  }
0x64: {  	[sflag:s23] =	ssyncset.done $0x0  }
0x65: {  	[sflag:s23] =	ssyncadd.s32 $0xFFFFFF80  }
0x66: {  	v0 =	vld [tilespmem:$0x400]  }
0x67: {  	v1 =	vld [tilespmem:$0x600];
	_ =	sdelay $0x1  }
0x68: {  	v2 =	vld [tilespmem:$0x800];
	_ =	sdelay $0x1  }
0x69: {  	v0 =	vmax.f32 v0, $-6.000000000e+01  }
0x6a: {  	v1 =	vmax.f32 v1, $-6.000000000e+01;
	v0 =	vmin.f32 v0, $6.000000000e+01  }
0x6b: {  	v1 =	vmin.f32 v1, $6.000000000e+01;
	v0 =	vsub.f32 $0.0e+00, v0  }
0x6c: {  	v2 =	vmax.f32 v2, $-6.000000000e+01;
	v1 =	vsub.f32 $0.0e+00, v1  }
0x6d: {  	v2 =	vmin.f32 v2, $6.000000000e+01;
	v0 =	vmul.f32 $1.442695020e+00, v0  }
0x6e: {  	v2 =	vsub.f32 $0.0e+00, v2;
	v1 =	vmul.f32 $1.442695020e+00, v1  }
0x6f: {  	(erf) = vpow2.f32 v0  }
0x70: {  	v62 =	vmul.f32 $1.442695020e+00, v2;
	(erf) = vpow2.f32 v1;
	_ =	sdelay $0x1  }
0x71: {  	(erf) = vpow2.f32 v62;
	_ =	sdelay $0x5  }
0x72: {  	v63 =	vpop (erf)  }
0x73: {  	v1 =	vpop (erf)  }
0x74: {  	v8 =	vadd.f32 $1.000000000e+00, v63;
	v3 =	vadd.f32 $1.000000000e+00, v1  }
0x75: {  	v4 =	vpop (erf)  }
0x76: {  	v9 =	vadd.f32 $1.000000000e+00, v4;
	v2 =	vmul.f32 v3, v8;
	_ =	sdelay $0x1  }
0x77: {  	v2 =	vmul.f32 v9, v2;
	_ =	sdelay $0x1  }
0x78: {  	(erf) = vrcp.f32 v2;
	_ =	sdelay $0x5  }
0x79: {  	v0 =	vsub.f32 v1, v63;
	_ =	sdelay $0x1  }
0x7a: {  	v0 =	vmul.f32 $2.720000080e+01, v0  }
0x7b: {  	v10 =	vpop (erf)  }
0x7c: {  	v0 =	vmul.f32 v10, v0;
	_ =	sdelay $0x1  }
0x7d: {  	v0 =	vsub.f32 $0.0e+00, v0;
	_ =	sdelay $0x1  }
0x7e: {  	v0 =	vmul.f32 $1.442695020e+00, v0;
	_ =	sdelay $0x1  }
0x7f: {  	(erf) = vpow2.f32 v0;
	_ =	sdelay $0x8  }
0x80: {  	v0 =	vpop (erf)  }
0x81: {  	v0 =	vsub.f32 $0.0e+00, v0;
	_ =	sdelay $0x1  }
0x82: {  	v0 =	vmul.f32 $1.442695020e+00, v0;
	_ =	sdelay $0x1  }
0x83: {  	(erf) = vpow2.f32 v0;
	_ =	sdelay $0x1  }
0x84: {  	v11 =	vld [tilespmem:$0x410]  }
0x85: {  	v12 =	vld [tilespmem:$0x610];
	_ =	sdelay $0x1  }
0x86: {  	v13 =	vld [tilespmem:$0x810];
	_ =	sdelay $0x1  }
0x87: {  	v0 =	vmax.f32 v11, $-6.000000000e+01  }
0x88: {  	v1 =	vmax.f32 v12, $-6.000000000e+01;
	v0 =	vmin.f32 v0, $6.000000000e+01  }
0x89: {  	v1 =	vmin.f32 v1, $6.000000000e+01;
	v0 =	vsub.f32 $0.0e+00, v0;
	v14 =	vpop (erf)  }
0x8a: {  	v1 =	vsub.f32 $0.0e+00, v1;
	v2 =	vmax.f32 v13, $-6.000000000e+01;
	v3 =	vadd.f32 $1.000000000e+00, v14  }
0x8b: {  	v2 =	vmin.f32 v2, $6.000000000e+01;
	v0 =	vmul.f32 $1.442695020e+00, v0  }
0x8c: {  	v1 =	vmul.f32 $1.442695020e+00, v1;
	v2 =	vsub.f32 $0.0e+00, v2;
	(erf) = vrcp.f32 v3  }
0x8d: {  	(erf) = vpow2.f32 v0  }
0x8e: {  	v15 =	vmul.f32 $1.442695020e+00, v2;
	(erf) = vpow2.f32 v1;
	_ =	sdelay $0x1  }
0x8f: {  	(erf) = vpow2.f32 v15;
	_ =	sdelay $0x4  }
0x90: {  	v0 =	vpop (erf)  }
0x91: {  	v16 =	vpop (erf)  }
0x92: {  	v17 =	vpop (erf)  }
0x93: {  	v18 =	vadd.f32 $1.000000000e+00, v16;
	v19 =	vadd.f32 $1.000000000e+00, v17  }
0x94: {  	v5 =	vpop (erf)  }
0x95: {  	v20 =	vadd.f32 $1.000000000e+00, v5;
	v3 =	vmul.f32 v19, v18;
	_ =	sdelay $0x1  }
0x96: {  	v3 =	vmul.f32 v20, v3;
	_ =	sdelay $0x1  }
0x97: {  	(erf) = vrcp.f32 v3;
	_ =	sdelay $0x5  }
0x98: {  	v1 =	vsub.f32 v17, v16;
	_ =	sdelay $0x1  }
0x99: {  	v1 =	vmul.f32 $2.720000080e+01, v1  }
0x9a: {  	v21 =	vpop (erf)  }
0x9b: {  	v1 =	vmul.f32 v21, v1;
	_ =	sdelay $0x1  }
0x9c: {  	v1 =	vsub.f32 $0.0e+00, v1;
	_ =	sdelay $0x1  }
0x9d: {  	v1 =	vmul.f32 $1.442695020e+00, v1;
	_ =	sdelay $0x1  }
0x9e: {  	(erf) = vpow2.f32 v1;
	_ =	sdelay $0x8  }
0x9f: {  	v1 =	vpop (erf)  }
0xa0: {  	v1 =	vsub.f32 $0.0e+00, v1;
	_ =	sdelay $0x1  }
0xa1: {  	v1 =	vmul.f32 $1.442695020e+00, v1;
	_ =	sdelay $0x1  }
0xa2: {  	(erf) = vpow2.f32 v1;
	_ =	sdelay $0x1  }
0xa3: {  	v22 =	vld [tilespmem:$0x420]  }
0xa4: {  	v23 =	vld [tilespmem:$0x620];
	_ =	sdelay $0x1  }
0xa5: {  	v24 =	vld [tilespmem:$0x820];
	_ =	sdelay $0x1  }
0xa6: {  	v1 =	vmax.f32 v22, $-6.000000000e+01  }
0xa7: {  	v2 =	vmax.f32 v23, $-6.000000000e+01;
	v1 =	vmin.f32 v1, $6.000000000e+01  }
0xa8: {  	v2 =	vmin.f32 v2, $6.000000000e+01;
	v1 =	vsub.f32 $0.0e+00, v1;
	v25 =	vpop (erf)  }
0xa9: {  	v2 =	vsub.f32 $0.0e+00, v2;
	v3 =	vmax.f32 v24, $-6.000000000e+01;
	v4 =	vadd.f32 $1.000000000e+00, v25  }
0xaa: {  	v3 =	vmin.f32 v3, $6.000000000e+01;
	v1 =	vmul.f32 $1.442695020e+00, v1  }
0xab: {  	v2 =	vmul.f32 $1.442695020e+00, v2;
	v3 =	vsub.f32 $0.0e+00, v3;
	(erf) = vrcp.f32 v4  }
0xac: {  	(erf) = vpow2.f32 v1  }
0xad: {  	v26 =	vmul.f32 $1.442695020e+00, v3;
	(erf) = vpow2.f32 v2;
	_ =	sdelay $0x1  }
0xae: {  	(erf) = vpow2.f32 v26;
	_ =	sdelay $0x4  }
0xaf: {  	v27 =	vpop (erf)  }
0xb0: {  	v28 =	vpop (erf)  }
0xb1: {  	v29 =	vpop (erf)  }
0xb2: {  	v30 =	vadd.f32 $1.000000000e+00, v28;
	v31 =	vadd.f32 $1.000000000e+00, v29  }
0xb3: {  	v6 =	vpop (erf)  }
0xb4: {  	v32 =	vadd.f32 $1.000000000e+00, v6;
	v4 =	vmul.f32 v31, v30;
	_ =	sdelay $0x1  }
0xb5: {  	v4 =	vmul.f32 v32, v4;
	_ =	sdelay $0x1  }
0xb6: {  	(erf) = vrcp.f32 v4;
	_ =	sdelay $0x5  }
0xb7: {  	v2 =	vsub.f32 v29, v28;
	_ =	sdelay $0x1  }
0xb8: {  	v2 =	vmul.f32 $2.720000080e+01, v2  }
0xb9: {  	v33 =	vpop (erf)  }
0xba: {  	v2 =	vmul.f32 v33, v2;
	_ =	sdelay $0x1  }
0xbb: {  	v2 =	vsub.f32 $0.0e+00, v2;
	_ =	sdelay $0x1  }
0xbc: {  	v2 =	vmul.f32 $1.442695020e+00, v2;
	_ =	sdelay $0x1  }
0xbd: {  	(erf) = vpow2.f32 v2;
	_ =	sdelay $0x8  }
0xbe: {  	v2 =	vpop (erf)  }
0xbf: {  	v2 =	vsub.f32 $0.0e+00, v2;
	_ =	sdelay $0x1  }
0xc0: {  	v2 =	vmul.f32 $1.442695020e+00, v2;
	_ =	sdelay $0x1  }
0xc1: {  	(erf) = vpow2.f32 v2;
	_ =	sdelay $0x1  }
0xc2: {  	v34 =	vld [tilespmem:$0x430]  }
0xc3: {  	v35 =	vld [tilespmem:$0x630];
	_ =	sdelay $0x1  }
0xc4: {  	v36 =	vld [tilespmem:$0x830];
	_ =	sdelay $0x1  }
0xc5: {  	v2 =	vmax.f32 v34, $-6.000000000e+01  }
0xc6: {  	v3 =	vmax.f32 v35, $-6.000000000e+01;
	v2 =	vmin.f32 v2, $6.000000000e+01  }
0xc7: {  	v3 =	vmin.f32 v3, $6.000000000e+01;
	v2 =	vsub.f32 $0.0e+00, v2;
	v37 =	vpop (erf)  }
0xc8: {  	v3 =	vsub.f32 $0.0e+00, v3;
	v4 =	vmax.f32 v36, $-6.000000000e+01;
	v5 =	vadd.f32 $1.000000000e+00, v37  }
0xc9: {  	v4 =	vmin.f32 v4, $6.000000000e+01;
	v2 =	vmul.f32 $1.442695020e+00, v2  }
0xca: {  	v3 =	vmul.f32 $1.442695020e+00, v3;
	v4 =	vsub.f32 $0.0e+00, v4;
	(erf) = vrcp.f32 v5  }
0xcb: {  	(erf) = vpow2.f32 v2  }
0xcc: {  	v38 =	vmul.f32 $1.442695020e+00, v4;
	(erf) = vpow2.f32 v3;
	_ =	sdelay $0x1  }
0xcd: {  	(erf) = vpow2.f32 v38;
	_ =	sdelay $0x4  }
0xce: {  	v39 =	vpop (erf)  }
0xcf: {  	v40 =	vpop (erf)  }
0xd0: {  	v41 =	vpop (erf)  }
0xd1: {  	v42 =	vadd.f32 $1.000000000e+00, v40;
	v43 =	vadd.f32 $1.000000000e+00, v41  }
0xd2: {  	v7 =	vpop (erf)  }
0xd3: {  	v44 =	vadd.f32 $1.000000000e+00, v7;
	v5 =	vmul.f32 v43, v42;
	_ =	sdelay $0x1  }
0xd4: {  	v5 =	vmul.f32 v44, v5;
	_ =	sdelay $0x1  }
0xd5: {  	(erf) = vrcp.f32 v5;
	_ =	sdelay $0x5  }
0xd6: {  	v3 =	vsub.f32 v41, v40;
	_ =	sdelay $0x1  }
0xd7: {  	v3 =	vmul.f32 $2.720000080e+01, v3  }
0xd8: {  	v45 =	vpop (erf)  }
0xd9: {  	v3 =	vmul.f32 v45, v3;
	_ =	sdelay $0x1  }
0xda: {  	v3 =	vsub.f32 $0.0e+00, v3;
	_ =	sdelay $0x1  }
0xdb: {  	v3 =	vmul.f32 $1.442695020e+00, v3;
	_ =	sdelay $0x1  }
0xdc: {  	(erf) = vpow2.f32 v3;
	_ =	sdelay $0x8  }
0xdd: {  	v3 =	vpop (erf)  }
0xde: {  	v3 =	vsub.f32 $0.0e+00, v3;
	_ =	sdelay $0x1  }
0xdf: {  	v3 =	vmul.f32 $1.442695020e+00, v3;
	_ =	sdelay $0x1  }
0xe0: {  	(erf) = vpow2.f32 v3;
	_ =	sdelay $0x1  }
0xe1: {  	v46 =	vld [tilespmem:$0x440]  }
0xe2: {  	v47 =	vld [tilespmem:$0x640];
	_ =	sdelay $0x1  }
0xe3: {  	v48 =	vld [tilespmem:$0x840];
	_ =	sdelay $0x1  }
0xe4: {  	v3 =	vmax.f32 v46, $-6.000000000e+01  }
0xe5: {  	v4 =	vmax.f32 v47, $-6.000000000e+01;
	v3 =	vmin.f32 v3, $6.000000000e+01  }
0xe6: {  	v4 =	vmin.f32 v4, $6.000000000e+01;
	v3 =	vsub.f32 $0.0e+00, v3;
	v49 =	vpop (erf)  }
0xe7: {  	v4 =	vsub.f32 $0.0e+00, v4;
	v5 =	vmax.f32 v48, $-6.000000000e+01;
	v6 =	vadd.f32 $1.000000000e+00, v49  }
0xe8: {  	v5 =	vmin.f32 v5, $6.000000000e+01;
	v3 =	vmul.f32 $1.442695020e+00, v3  }
0xe9: {  	v4 =	vmul.f32 $1.442695020e+00, v4;
	v5 =	vsub.f32 $0.0e+00, v5;
	(erf) = vrcp.f32 v6  }
0xea: {  	(erf) = vpow2.f32 v3  }
0xeb: {  	v50 =	vmul.f32 $1.442695020e+00, v5;
	(erf) = vpow2.f32 v4;
	_ =	sdelay $0x1  }
0xec: {  	(erf) = vpow2.f32 v50;
	_ =	sdelay $0x4  }
0xed: {  	v51 =	vpop (erf)  }
0xee: {  	v52 =	vpop (erf)  }
0xef: {  	v53 =	vpop (erf)  }
0xf0: {  	v54 =	vadd.f32 $1.000000000e+00, v52;
	v55 =	vadd.f32 $1.000000000e+00, v53  }
0xf1: {  	v8 =	vpop (erf)  }
0xf2: {  	v56 =	vadd.f32 $1.000000000e+00, v8;
	v6 =	vmul.f32 v55, v54;
	_ =	sdelay $0x1  }
0xf3: {  	v6 =	vmul.f32 v56, v6;
	_ =	sdelay $0x1  }
0xf4: {  	(erf) = vrcp.f32 v6;
	_ =	sdelay $0x5  }
0xf5: {  	v4 =	vsub.f32 v53, v52;
	_ =	sdelay $0x1  }
0xf6: {  	v4 =	vmul.f32 $2.720000080e+01, v4  }
0xf7: {  	v57 =	vpop (erf)  }
0xf8: {  	v4 =	vmul.f32 v57, v4;
	_ =	sdelay $0x1  }
0xf9: {  	v4 =	vsub.f32 $0.0e+00, v4;
	_ =	sdelay $0x1  }
0xfa: {  	v4 =	vmul.f32 $1.442695020e+00, v4;
	_ =	sdelay $0x1  }
0xfb: {  	(erf) = vpow2.f32 v4;
	_ =	sdelay $0x8  }
0xfc: {  	v4 =	vpop (erf)  }
0xfd: {  	v4 =	vsub.f32 $0.0e+00, v4;
	_ =	sdelay $0x1  }
0xfe: {  	v4 =	vmul.f32 $1.442695020e+00, v4;
	_ =	sdelay $0x1  }
0xff: {  	(erf) = vpow2.f32 v4;
	_ =	sdelay $0x1  }
0x100: {  	v58 =	vld [tilespmem:$0x450]  }
0x101: {  	v59 =	vld [tilespmem:$0x650];
	_ =	sdelay $0x1  }
0x102: {  	v60 =	vld [tilespmem:$0x850];
	_ =	sdelay $0x1  }
0x103: {  	v4 =	vmax.f32 v58, $-6.000000000e+01  }
0x104: {  	v5 =	vmax.f32 v59, $-6.000000000e+01;
	v4 =	vmin.f32 v4, $6.000000000e+01  }
0x105: {  	v5 =	vmin.f32 v5, $6.000000000e+01;
	v4 =	vsub.f32 $0.0e+00, v4;
	v61 =	vpop (erf)  }
0x106: {  	v5 =	vsub.f32 $0.0e+00, v5;
	v6 =	vmax.f32 v60, $-6.000000000e+01;
	v7 =	vadd.f32 $1.000000000e+00, v61  }
0x107: {  	v6 =	vmin.f32 v6, $6.000000000e+01;
	v4 =	vmul.f32 $1.442695020e+00, v4  }
0x108: {  	v5 =	vmul.f32 $1.442695020e+00, v5;
	v6 =	vsub.f32 $0.0e+00, v6;
	(erf) = vrcp.f32 v7  }
0x109: {  	(erf) = vpow2.f32 v4  }
0x10a: {  	v62 =	vmul.f32 $1.442695020e+00, v6;
	(erf) = vpow2.f32 v5;
	_ =	sdelay $0x1  }
0x10b: {  	(erf) = vpow2.f32 v62;
	_ =	sdelay $0x4  }
0x10c: {  	v63 =	vpop (erf)  }
0x10d: {  	v12 =	vpop (erf)  }
0x10e: {  	v13 =	vpop (erf)  }
0x10f: {  	v14 =	vadd.f32 $1.000000000e+00, v12;
	v15 =	vadd.f32 $1.000000000e+00, v13  }
0x110: {  	v9 =	vpop (erf)  }
0x111: {  	v16 =	vadd.f32 $1.000000000e+00, v9;
	v7 =	vmul.f32 v15, v14;
	_ =	sdelay $0x1  }
0x112: {  	v7 =	vmul.f32 v16, v7;
	_ =	sdelay $0x1  }
0x113: {  	(erf) = vrcp.f32 v7;
	_ =	sdelay $0x5  }
0x114: {  	v5 =	vsub.f32 v13, v12;
	_ =	sdelay $0x1  }
0x115: {  	v5 =	vmul.f32 $2.720000080e+01, v5  }
0x116: {  	v17 =	vpop (erf)  }
0x117: {  	v5 =	vmul.f32 v17, v5;
	_ =	sdelay $0x1  }
0x118: {  	v5 =	vsub.f32 $0.0e+00, v5;
	_ =	sdelay $0x1  }
0x119: {  	v5 =	vmul.f32 $1.442695020e+00, v5;
	_ =	sdelay $0x1  }
0x11a: {  	(erf) = vpow2.f32 v5;
	_ =	sdelay $0x8  }
0x11b: {  	v5 =	vpop (erf)  }
0x11c: {  	v5 =	vsub.f32 $0.0e+00, v5;
	_ =	sdelay $0x1  }
0x11d: {  	v5 =	vmul.f32 $1.442695020e+00, v5;
	_ =	sdelay $0x1  }
0x11e: {  	(erf) = vpow2.f32 v5;
	_ =	sdelay $0x8  }
0x11f: {  	v5 =	vpop (erf)  }
0x120: {  	v5 =	vadd.f32 $1.000000000e+00, v5;
	_ =	sdelay $0x1  }
0x121: {  	(erf) = vrcp.f32 v5;
	_ =	sdelay $0x4  }
0x122: {  	[tilespmem:$0xA00] =	vst v0  }
0x123: {  	[tilespmem:$0xA10] =	vst v27  }
0x124: {  	[tilespmem:$0xA20] =	vst v39  }
0x125: {  	v18 =	vld [tilespmem:$0x460];
	[tilespmem:$0xA30] =	vst v51  }
0x126: {  	v20 =	vld [tilespmem:$0x660];
	[tilespmem:$0xA40] =	vst v63;
	v19 =	vpop (erf)  }
0x127: {  	[tilespmem:$0xA50] =	vst v19  }
0x128: {  	v1 =	vld [tilespmem:$0x860];
	_ =	sdelay $0x1  }
0x129: {  	v0 =	vmax.f32 v18, $-6.000000000e+01  }
0x12a: {  	v0 =	vmin.f32 v0, $6.000000000e+01;
	v2 =	vmax.f32 v20, $-6.000000000e+01  }
0x12b: {  	v0 =	vsub.f32 $0.0e+00, v0;
	v2 =	vmin.f32 v2, $6.000000000e+01  }
0x12c: {  	v2 =	vsub.f32 $0.0e+00, v2;
	v1 =	vmax.f32 v1, $-6.000000000e+01  }
0x12d: {  	v0 =	vmul.f32 $1.442695020e+00, v0;
	v1 =	vmin.f32 v1, $6.000000000e+01  }
0x12e: {  	v2 =	vmul.f32 $1.442695020e+00, v2;
	v1 =	vsub.f32 $0.0e+00, v1  }
0x12f: {  	(erf) = vpow2.f32 v0  }
0x130: {  	(erf) = vpow2.f32 v2;
	v21 =	vmul.f32 $1.442695020e+00, v1;
	_ =	sdelay $0x1  }
0x131: {  	(erf) = vpow2.f32 v21;
	_ =	sdelay $0x5  }
0x132: {  	v22 =	vpop (erf)  }
0x133: {  	v23 =	vpop (erf)  }
0x134: {  	v24 =	vadd.f32 $1.000000000e+00, v22;
	v25 =	vadd.f32 $1.000000000e+00, v23  }
0x135: {  	v26 =	vpop (erf)  }
0x136: {  	v2 =	vmul.f32 v25, v24;
	v27 =	vadd.f32 $1.000000000e+00, v26;
	_ =	sdelay $0x1  }
0x137: {  	v2 =	vmul.f32 v27, v2;
	_ =	sdelay $0x1  }
0x138: {  	(erf) = vrcp.f32 v2;
	_ =	sdelay $0x5  }
0x139: {  	v0 =	vsub.f32 v23, v22;
	_ =	sdelay $0x1  }
0x13a: {  	v0 =	vmul.f32 $2.720000080e+01, v0  }
0x13b: {  	v28 =	vpop (erf)  }
0x13c: {  	v0 =	vmul.f32 v28, v0;
	_ =	sdelay $0x1  }
0x13d: {  	v0 =	vsub.f32 $0.0e+00, v0;
	_ =	sdelay $0x1  }
0x13e: {  	v0 =	vmul.f32 $1.442695020e+00, v0;
	_ =	sdelay $0x1  }
0x13f: {  	(erf) = vpow2.f32 v0;
	_ =	sdelay $0x8  }
0x140: {  	v0 =	vpop (erf)  }
0x141: {  	v0 =	vsub.f32 $0.0e+00, v0;
	_ =	sdelay $0x1  }
0x142: {  	v0 =	vmul.f32 $1.442695020e+00, v0;
	_ =	sdelay $0x1  }
0x143: {  	(erf) = vpow2.f32 v0;
	_ =	sdelay $0x1  }
0x144: {  	v29 =	vld [tilespmem:$0x470]  }
0x145: {  	v30 =	vld [tilespmem:$0x670];
	_ =	sdelay $0x1  }
0x146: {  	v31 =	vld [tilespmem:$0x870];
	_ =	sdelay $0x1  }
0x147: {  	v0 =	vmax.f32 v29, $-6.000000000e+01  }
0x148: {  	v1 =	vmax.f32 v30, $-6.000000000e+01;
	v0 =	vmin.f32 v0, $6.000000000e+01  }
0x149: {  	v1 =	vmin.f32 v1, $6.000000000e+01;
	v0 =	vsub.f32 $0.0e+00, v0;
	v32 =	vpop (erf)  }
0x14a: {  	v1 =	vsub.f32 $0.0e+00, v1;
	v2 =	vmax.f32 v31, $-6.000000000e+01;
	v3 =	vadd.f32 $1.000000000e+00, v32  }
0x14b: {  	v2 =	vmin.f32 v2, $6.000000000e+01;
	v0 =	vmul.f32 $1.442695020e+00, v0  }
0x14c: {  	v1 =	vmul.f32 $1.442695020e+00, v1;
	v2 =	vsub.f32 $0.0e+00, v2;
	(erf) = vrcp.f32 v3  }
0x14d: {  	(erf) = vpow2.f32 v0  }
0x14e: {  	v33 =	vmul.f32 $1.442695020e+00, v2;
	(erf) = vpow2.f32 v1;
	_ =	sdelay $0x1  }
0x14f: {  	(erf) = vpow2.f32 v33;
	_ =	sdelay $0x4  }
0x150: {  	v34 =	vpop (erf)  }
0x151: {  	v35 =	vpop (erf)  }
0x152: {  	v36 =	vpop (erf)  }
0x153: {  	v37 =	vadd.f32 $1.000000000e+00, v35;
	v38 =	vadd.f32 $1.000000000e+00, v36  }
0x154: {  	v39 =	vpop (erf)  }
0x155: {  	v40 =	vadd.f32 $1.000000000e+00, v39;
	v3 =	vmul.f32 v38, v37;
	_ =	sdelay $0x1  }
0x156: {  	v3 =	vmul.f32 v40, v3;
	_ =	sdelay $0x1  }
0x157: {  	(erf) = vrcp.f32 v3;
	_ =	sdelay $0x5  }
0x158: {  	v1 =	vsub.f32 v36, v35;
	_ =	sdelay $0x1  }
0x159: {  	v1 =	vmul.f32 $2.720000080e+01, v1  }
0x15a: {  	v41 =	vpop (erf)  }
0x15b: {  	v1 =	vmul.f32 v41, v1;
	_ =	sdelay $0x1  }
0x15c: {  	v1 =	vsub.f32 $0.0e+00, v1;
	_ =	sdelay $0x1  }
0x15d: {  	v1 =	vmul.f32 $1.442695020e+00, v1;
	_ =	sdelay $0x1  }
0x15e: {  	(erf) = vpow2.f32 v1;
	_ =	sdelay $0x8  }
0x15f: {  	v1 =	vpop (erf)  }
0x160: {  	v1 =	vsub.f32 $0.0e+00, v1;
	_ =	sdelay $0x1  }
0x161: {  	v1 =	vmul.f32 $1.442695020e+00, v1;
	_ =	sdelay $0x1  }
0x162: {  	(erf) = vpow2.f32 v1;
	_ =	sdelay $0x8  }
0x163: {  	v1 =	vpop (erf)  }
0x164: {  	v1 =	vadd.f32 $1.000000000e+00, v1;
	_ =	sdelay $0x1  }
0x165: {  	(erf) = vrcp.f32 v1;
	_ =	sdelay $0x8  }
0x166: {  	[tilespmem:$0xA60] =	vst v34;
	v42 =	vpop (erf)  }
0x167: {  	s15 =	rddreg [dreg:$0xd];
	[tilespmem:$0xA70] =	vst v42  }
0x168: {  	[hbm4b:s15+s3] =	stream.linear.scatter [tilespmem:s24], [sflag:$0x2], $0x80, $0x38;
	[tilespmem:$0xC00] =	vst v63  }
0x169: {  	_ =	swait.ge [sflag:s25], $0x80  }
0x16a: {  	[sflag:s25] =	ssyncset.done $0x0  }
0x16b: {  	[sflag:s25] =	ssyncadd.s32 $0xFFFFFF80  }
0x16c: {  	_ =	swait.ge [sflag:s25], $0x80  }
0x16d: {  	[sflag:s25] =	ssyncset.done $0x0  }
0x16e: {  	[sflag:s25] =	ssyncadd.s32 $0xFFFFFF80  }
0x16f: {  	_ =	swait.ge [sflag:s25], $0x80  }
0x170: {  	[sflag:s25] =	ssyncset.done $0x0  }
0x171: {  	[sflag:s25] =	ssyncadd.s32 $0xFFFFFF80  }
0x172: {  	v43 =	vld [tilespmem:$0x480]  }
0x173: {  	v44 =	vld [tilespmem:$0x680];
	_ =	sdelay $0x1  }
0x174: {  	v45 =	vld [tilespmem:$0x880];
	_ =	sdelay $0x1  }
0x175: {  	v0 =	vmax.f32 v43, $-6.000000000e+01  }
0x176: {  	v1 =	vmax.f32 v44, $-6.000000000e+01;
	v0 =	vmin.f32 v0, $6.000000000e+01  }
0x177: {  	v1 =	vmin.f32 v1, $6.000000000e+01;
	v0 =	vsub.f32 $0.0e+00, v0  }
0x178: {  	v2 =	vmax.f32 v45, $-6.000000000e+01;
	v1 =	vsub.f32 $0.0e+00, v1  }
0x179: {  	v2 =	vmin.f32 v2, $6.000000000e+01;
	v0 =	vmul.f32 $1.442695020e+00, v0  }
0x17a: {  	v2 =	vsub.f32 $0.0e+00, v2;
	v1 =	vmul.f32 $1.442695020e+00, v1  }
0x17b: {  	(erf) = vpow2.f32 v0  }
0x17c: {  	v46 =	vmul.f32 $1.442695020e+00, v2;
	(erf) = vpow2.f32 v1;
	_ =	sdelay $0x1  }
0x17d: {  	(erf) = vpow2.f32 v46;
	_ =	sdelay $0x5  }
0x17e: {  	v47 =	vpop (erf)  }
0x17f: {  	v1 =	vpop (erf)  }
0x180: {  	v48 =	vadd.f32 $1.000000000e+00, v47;
	v49 =	vadd.f32 $1.000000000e+00, v1  }
0x181: {  	v50 =	vpop (erf)  }
0x182: {  	v51 =	vadd.f32 $1.000000000e+00, v50;
	v2 =	vmul.f32 v49, v48;
	_ =	sdelay $0x1  }
0x183: {  	v2 =	vmul.f32 v51, v2;
	_ =	sdelay $0x1  }
0x184: {  	(erf) = vrcp.f32 v2;
	_ =	sdelay $0x5  }
0x185: {  	v0 =	vsub.f32 v1, v47;
	_ =	sdelay $0x1  }
0x186: {  	v0 =	vmul.f32 $2.720000080e+01, v0  }
0x187: {  	v52 =	vpop (erf)  }
0x188: {  	v0 =	vmul.f32 v52, v0;
	_ =	sdelay $0x1  }
0x189: {  	v0 =	vsub.f32 $0.0e+00, v0;
	_ =	sdelay $0x1  }
0x18a: {  	v0 =	vmul.f32 $1.442695020e+00, v0;
	_ =	sdelay $0x1  }
0x18b: {  	(erf) = vpow2.f32 v0;
	_ =	sdelay $0x8  }
0x18c: {  	v0 =	vpop (erf)  }
0x18d: {  	v0 =	vsub.f32 $0.0e+00, v0;
	_ =	sdelay $0x1  }
0x18e: {  	v0 =	vmul.f32 $1.442695020e+00, v0;
	_ =	sdelay $0x1  }
0x18f: {  	(erf) = vpow2.f32 v0;
	_ =	sdelay $0x1  }
0x190: {  	v53 =	vld [tilespmem:$0x490]  }
0x191: {  	v54 =	vld [tilespmem:$0x690];
	_ =	sdelay $0x1  }
0x192: {  	v55 =	vld [tilespmem:$0x890];
	_ =	sdelay $0x1  }
0x193: {  	v0 =	vmax.f32 v53, $-6.000000000e+01  }
0x194: {  	v1 =	vmax.f32 v54, $-6.000000000e+01;
	v0 =	vmin.f32 v0, $6.000000000e+01  }
0x195: {  	v1 =	vmin.f32 v1, $6.000000000e+01;
	v0 =	vsub.f32 $0.0e+00, v0;
	v56 =	vpop (erf)  }
0x196: {  	v1 =	vsub.f32 $0.0e+00, v1;
	v2 =	vmax.f32 v55, $-6.000000000e+01;
	v3 =	vadd.f32 $1.000000000e+00, v56  }
0x197: {  	v2 =	vmin.f32 v2, $6.000000000e+01;
	v0 =	vmul.f32 $1.442695020e+00, v0  }
0x198: {  	v1 =	vmul.f32 $1.442695020e+00, v1;
	v2 =	vsub.f32 $0.0e+00, v2;
	(erf) = vrcp.f32 v3  }
0x199: {  	(erf) = vpow2.f32 v0  }
0x19a: {  	v57 =	vmul.f32 $1.442695020e+00, v2;
	(erf) = vpow2.f32 v1;
	_ =	sdelay $0x1  }
0x19b: {  	(erf) = vpow2.f32 v57;
	_ =	sdelay $0x4  }
0x19c: {  	v0 =	vpop (erf)  }
0x19d: {  	v58 =	vpop (erf)  }
0x19e: {  	v59 =	vpop (erf)  }
0x19f: {  	v60 =	vadd.f32 $1.000000000e+00, v58;
	v61 =	vadd.f32 $1.000000000e+00, v59  }
0x1a0: {  	v62 =	vpop (erf)  }
0x1a1: {  	v63 =	vadd.f32 $1.000000000e+00, v62;
	v3 =	vmul.f32 v61, v60;
	_ =	sdelay $0x1  }
0x1a2: {  	v3 =	vmul.f32 v63, v3;
	_ =	sdelay $0x1  }
0x1a3: {  	(erf) = vrcp.f32 v3;
	_ =	sdelay $0x5  }
0x1a4: {  	v1 =	vsub.f32 v59, v58;
	_ =	sdelay $0x1  }
0x1a5: {  	v1 =	vmul.f32 $2.720000080e+01, v1  }
0x1a6: {  	v5 =	vpop (erf)  }
0x1a7: {  	v1 =	vmul.f32 v5, v1;
	_ =	sdelay $0x1  }
0x1a8: {  	v1 =	vsub.f32 $0.0e+00, v1;
	_ =	sdelay $0x1  }
0x1a9: {  	v1 =	vmul.f32 $1.442695020e+00, v1;
	_ =	sdelay $0x1  }
0x1aa: {  	(erf) = vpow2.f32 v1;
	_ =	sdelay $0x8  }
0x1ab: {  	v1 =	vpop (erf)  }
0x1ac: {  	v1 =	vsub.f32 $0.0e+00, v1;
	_ =	sdelay $0x1  }
0x1ad: {  	v1 =	vmul.f32 $1.442695020e+00, v1;
	_ =	sdelay $0x1  }
0x1ae: {  	(erf) = vpow2.f32 v1;
	_ =	sdelay $0x1  }
0x1af: {  	v6 =	vld [tilespmem:$0x4A0]  }
0x1b0: {  	v7 =	vld [tilespmem:$0x6A0];
	_ =	sdelay $0x1  }
0x1b1: {  	v8 =	vld [tilespmem:$0x8A0];
	_ =	sdelay $0x1  }
0x1b2: {  	v1 =	vmax.f32 v6, $-6.000000000e+01  }
0x1b3: {  	v2 =	vmax.f32 v7, $-6.000000000e+01;
	v1 =	vmin.f32 v1, $6.000000000e+01  }
0x1b4: {  	v2 =	vmin.f32 v2, $6.000000000e+01;
	v1 =	vsub.f32 $0.0e+00, v1;
	v9 =	vpop (erf)  }
0x1b5: {  	v2 =	vsub.f32 $0.0e+00, v2;
	v3 =	vmax.f32 v8, $-6.000000000e+01;
	v4 =	vadd.f32 $1.000000000e+00, v9  }
0x1b6: {  	v3 =	vmin.f32 v3, $6.000000000e+01;
	v1 =	vmul.f32 $1.442695020e+00, v1  }
0x1b7: {  	v2 =	vmul.f32 $1.442695020e+00, v2;
	v3 =	vsub.f32 $0.0e+00, v3;
	(erf) = vrcp.f32 v4  }
0x1b8: {  	(erf) = vpow2.f32 v1  }
0x1b9: {  	v10 =	vmul.f32 $1.442695020e+00, v3;
	(erf) = vpow2.f32 v2;
	_ =	sdelay $0x1  }
0x1ba: {  	(erf) = vpow2.f32 v10;
	_ =	sdelay $0x4  }
0x1bb: {  	v1 =	vpop (erf)  }
0x1bc: {  	v11 =	vpop (erf)  }
0x1bd: {  	v12 =	vpop (erf)  }
0x1be: {  	v13 =	vadd.f32 $1.000000000e+00, v11;
	v14 =	vadd.f32 $1.000000000e+00, v12  }
0x1bf: {  	v15 =	vpop (erf)  }
0x1c0: {  	v16 =	vadd.f32 $1.000000000e+00, v15;
	v4 =	vmul.f32 v14, v13;
	_ =	sdelay $0x1  }
0x1c1: {  	v4 =	vmul.f32 v16, v4;
	_ =	sdelay $0x1  }
0x1c2: {  	(erf) = vrcp.f32 v4;
	_ =	sdelay $0x5  }
0x1c3: {  	v2 =	vsub.f32 v12, v11;
	_ =	sdelay $0x1  }
0x1c4: {  	v2 =	vmul.f32 $2.720000080e+01, v2  }
0x1c5: {  	v17 =	vpop (erf)  }
0x1c6: {  	v2 =	vmul.f32 v17, v2;
	_ =	sdelay $0x1  }
0x1c7: {  	v2 =	vsub.f32 $0.0e+00, v2;
	_ =	sdelay $0x1  }
0x1c8: {  	v2 =	vmul.f32 $1.442695020e+00, v2;
	_ =	sdelay $0x1  }
0x1c9: {  	(erf) = vpow2.f32 v2;
	_ =	sdelay $0x8  }
0x1ca: {  	v2 =	vpop (erf)  }
0x1cb: {  	v2 =	vsub.f32 $0.0e+00, v2;
	_ =	sdelay $0x1  }
0x1cc: {  	v2 =	vmul.f32 $1.442695020e+00, v2;
	_ =	sdelay $0x1  }
0x1cd: {  	(erf) = vpow2.f32 v2;
	_ =	sdelay $0x1  }
0x1ce: {  	v18 =	vld [tilespmem:$0x4B0]  }
0x1cf: {  	v19 =	vld [tilespmem:$0x6B0];
	_ =	sdelay $0x1  }
0x1d0: {  	v20 =	vld [tilespmem:$0x8B0];
	_ =	sdelay $0x1  }
0x1d1: {  	v2 =	vmax.f32 v18, $-6.000000000e+01  }
0x1d2: {  	v3 =	vmax.f32 v19, $-6.000000000e+01;
	v2 =	vmin.f32 v2, $6.000000000e+01  }
0x1d3: {  	v3 =	vmin.f32 v3, $6.000000000e+01;
	v2 =	vsub.f32 $0.0e+00, v2;
	v21 =	vpop (erf)  }
0x1d4: {  	v3 =	vsub.f32 $0.0e+00, v3;
	v4 =	vmax.f32 v20, $-6.000000000e+01;
	v5 =	vadd.f32 $1.000000000e+00, v21  }
0x1d5: {  	v4 =	vmin.f32 v4, $6.000000000e+01;
	v2 =	vmul.f32 $1.442695020e+00, v2  }
0x1d6: {  	v3 =	vmul.f32 $1.442695020e+00, v3;
	v4 =	vsub.f32 $0.0e+00, v4;
	(erf) = vrcp.f32 v5  }
0x1d7: {  	(erf) = vpow2.f32 v2  }
0x1d8: {  	v22 =	vmul.f32 $1.442695020e+00, v4;
	(erf) = vpow2.f32 v3;
	_ =	sdelay $0x1  }
0x1d9: {  	(erf) = vpow2.f32 v22;
	_ =	sdelay $0x4  }
0x1da: {  	v2 =	vpop (erf)  }
0x1db: {  	v23 =	vpop (erf)  }
0x1dc: {  	v24 =	vpop (erf)  }
0x1dd: {  	v25 =	vadd.f32 $1.000000000e+00, v23;
	v26 =	vadd.f32 $1.000000000e+00, v24  }
0x1de: {  	v27 =	vpop (erf)  }
0x1df: {  	v28 =	vadd.f32 $1.000000000e+00, v27;
	v5 =	vmul.f32 v26, v25;
	_ =	sdelay $0x1  }
0x1e0: {  	v5 =	vmul.f32 v28, v5;
	_ =	sdelay $0x1  }
0x1e1: {  	(erf) = vrcp.f32 v5;
	_ =	sdelay $0x5  }
0x1e2: {  	v3 =	vsub.f32 v24, v23;
	_ =	sdelay $0x1  }
0x1e3: {  	v3 =	vmul.f32 $2.720000080e+01, v3  }
0x1e4: {  	v29 =	vpop (erf)  }
0x1e5: {  	v3 =	vmul.f32 v29, v3;
	_ =	sdelay $0x1  }
0x1e6: {  	v3 =	vsub.f32 $0.0e+00, v3;
	_ =	sdelay $0x1  }
0x1e7: {  	v3 =	vmul.f32 $1.442695020e+00, v3;
	_ =	sdelay $0x1  }
0x1e8: {  	(erf) = vpow2.f32 v3;
	_ =	sdelay $0x8  }
0x1e9: {  	v3 =	vpop (erf)  }
0x1ea: {  	v3 =	vsub.f32 $0.0e+00, v3;
	_ =	sdelay $0x1  }
0x1eb: {  	v3 =	vmul.f32 $1.442695020e+00, v3;
	_ =	sdelay $0x1  }
0x1ec: {  	(erf) = vpow2.f32 v3;
	_ =	sdelay $0x1  }
0x1ed: {  	v30 =	vld [tilespmem:$0x4C0]  }
0x1ee: {  	v31 =	vld [tilespmem:$0x6C0];
	_ =	sdelay $0x1  }
0x1ef: {  	v32 =	vld [tilespmem:$0x8C0];
	_ =	sdelay $0x1  }
0x1f0: {  	v3 =	vmax.f32 v30, $-6.000000000e+01  }
0x1f1: {  	v4 =	vmax.f32 v31, $-6.000000000e+01;
	v3 =	vmin.f32 v3, $6.000000000e+01  }
0x1f2: {  	v4 =	vmin.f32 v4, $6.000000000e+01;
	v3 =	vsub.f32 $0.0e+00, v3;
	v33 =	vpop (erf)  }
0x1f3: {  	v4 =	vsub.f32 $0.0e+00, v4;
	v5 =	vmax.f32 v32, $-6.000000000e+01;
	v6 =	vadd.f32 $1.000000000e+00, v33  }
0x1f4: {  	v5 =	vmin.f32 v5, $6.000000000e+01;
	v3 =	vmul.f32 $1.442695020e+00, v3  }
0x1f5: {  	v4 =	vmul.f32 $1.442695020e+00, v4;
	v5 =	vsub.f32 $0.0e+00, v5;
	(erf) = vrcp.f32 v6  }
0x1f6: {  	(erf) = vpow2.f32 v3  }
0x1f7: {  	v34 =	vmul.f32 $1.442695020e+00, v5;
	(erf) = vpow2.f32 v4;
	_ =	sdelay $0x1  }
0x1f8: {  	(erf) = vpow2.f32 v34;
	_ =	sdelay $0x4  }
0x1f9: {  	v35 =	vpop (erf)  }
0x1fa: {  	v36 =	vpop (erf)  }
0x1fb: {  	v37 =	vpop (erf)  }
0x1fc: {  	v38 =	vadd.f32 $1.000000000e+00, v36;
	v39 =	vadd.f32 $1.000000000e+00, v37  }
0x1fd: {  	v40 =	vpop (erf)  }
0x1fe: {  	v41 =	vadd.f32 $1.000000000e+00, v40;
	v6 =	vmul.f32 v39, v38;
	_ =	sdelay $0x1  }
0x1ff: {  	v6 =	vmul.f32 v41, v6;
	_ =	sdelay $0x1  }
0x200: {  	(erf) = vrcp.f32 v6;
	_ =	sdelay $0x5  }
0x201: {  	v4 =	vsub.f32 v37, v36;
	_ =	sdelay $0x1  }
0x202: {  	v4 =	vmul.f32 $2.720000080e+01, v4  }
0x203: {  	v42 =	vpop (erf)  }
0x204: {  	v4 =	vmul.f32 v42, v4;
	_ =	sdelay $0x1  }
0x205: {  	v4 =	vsub.f32 $0.0e+00, v4;
	_ =	sdelay $0x1  }
0x206: {  	v4 =	vmul.f32 $1.442695020e+00, v4;
	_ =	sdelay $0x1  }
0x207: {  	(erf) = vpow2.f32 v4;
	_ =	sdelay $0x8  }
0x208: {  	v4 =	vpop (erf)  }
0x209: {  	v4 =	vsub.f32 $0.0e+00, v4;
	_ =	sdelay $0x1  }
0x20a: {  	v4 =	vmul.f32 $1.442695020e+00, v4;
	_ =	sdelay $0x1  }
0x20b: {  	(erf) = vpow2.f32 v4;
	_ =	sdelay $0x1  }
0x20c: {  	v43 =	vld [tilespmem:$0x4D0]  }
0x20d: {  	v44 =	vld [tilespmem:$0x6D0];
	_ =	sdelay $0x1  }
0x20e: {  	v45 =	vld [tilespmem:$0x8D0];
	_ =	sdelay $0x1  }
0x20f: {  	v4 =	vmax.f32 v43, $-6.000000000e+01  }
0x210: {  	v5 =	vmax.f32 v44, $-6.000000000e+01;
	v4 =	vmin.f32 v4, $6.000000000e+01  }
0x211: {  	v5 =	vmin.f32 v5, $6.000000000e+01;
	v4 =	vsub.f32 $0.0e+00, v4;
	v46 =	vpop (erf)  }
0x212: {  	v5 =	vsub.f32 $0.0e+00, v5;
	v6 =	vmax.f32 v45, $-6.000000000e+01;
	v7 =	vadd.f32 $1.000000000e+00, v46  }
0x213: {  	v6 =	vmin.f32 v6, $6.000000000e+01;
	v4 =	vmul.f32 $1.442695020e+00, v4  }
0x214: {  	v5 =	vmul.f32 $1.442695020e+00, v5;
	v6 =	vsub.f32 $0.0e+00, v6;
	(erf) = vrcp.f32 v7  }
0x215: {  	(erf) = vpow2.f32 v4  }
0x216: {  	v47 =	vmul.f32 $1.442695020e+00, v6;
	(erf) = vpow2.f32 v5;
	_ =	sdelay $0x1  }
0x217: {  	(erf) = vpow2.f32 v47;
	_ =	sdelay $0x4  }
0x218: {  	v48 =	vpop (erf)  }
0x219: {  	v49 =	vpop (erf)  }
0x21a: {  	v50 =	vpop (erf)  }
0x21b: {  	v51 =	vadd.f32 $1.000000000e+00, v49;
	v52 =	vadd.f32 $1.000000000e+00, v50  }
0x21c: {  	v53 =	vpop (erf)  }
0x21d: {  	v54 =	vadd.f32 $1.000000000e+00, v53;
	v7 =	vmul.f32 v52, v51;
	_ =	sdelay $0x1  }
0x21e: {  	v7 =	vmul.f32 v54, v7;
	_ =	sdelay $0x1  }
0x21f: {  	(erf) = vrcp.f32 v7;
	_ =	sdelay $0x5  }
0x220: {  	v5 =	vsub.f32 v50, v49;
	_ =	sdelay $0x1  }
0x221: {  	v5 =	vmul.f32 $2.720000080e+01, v5  }
0x222: {  	v55 =	vpop (erf)  }
0x223: {  	v5 =	vmul.f32 v55, v5;
	_ =	sdelay $0x1  }
0x224: {  	v5 =	vsub.f32 $0.0e+00, v5;
	_ =	sdelay $0x1  }
0x225: {  	v5 =	vmul.f32 $1.442695020e+00, v5;
	_ =	sdelay $0x1  }
0x226: {  	(erf) = vpow2.f32 v5;
	_ =	sdelay $0x8  }
0x227: {  	v5 =	vpop (erf)  }
0x228: {  	v5 =	vsub.f32 $0.0e+00, v5;
	_ =	sdelay $0x1  }
0x229: {  	v5 =	vmul.f32 $1.442695020e+00, v5;
	_ =	sdelay $0x1  }
0x22a: {  	(erf) = vpow2.f32 v5;
	_ =	sdelay $0x1  }
0x22b: {  	v56 =	vld [tilespmem:$0x4E0]  }
0x22c: {  	v57 =	vld [tilespmem:$0x6E0];
	_ =	sdelay $0x1  }
0x22d: {  	v58 =	vld [tilespmem:$0x8E0];
	_ =	sdelay $0x1  }
0x22e: {  	v5 =	vmax.f32 v56, $-6.000000000e+01  }
0x22f: {  	v6 =	vmax.f32 v57, $-6.000000000e+01;
	v5 =	vmin.f32 v5, $6.000000000e+01  }
0x230: {  	v6 =	vmin.f32 v6, $6.000000000e+01;
	v5 =	vsub.f32 $0.0e+00, v5;
	v59 =	vpop (erf)  }
0x231: {  	v6 =	vsub.f32 $0.0e+00, v6;
	v7 =	vmax.f32 v58, $-6.000000000e+01;
	v8 =	vadd.f32 $1.000000000e+00, v59  }
0x232: {  	v7 =	vmin.f32 v7, $6.000000000e+01;
	v5 =	vmul.f32 $1.442695020e+00, v5  }
0x233: {  	v6 =	vmul.f32 $1.442695020e+00, v6;
	v7 =	vsub.f32 $0.0e+00, v7;
	(erf) = vrcp.f32 v8  }
0x234: {  	(erf) = vpow2.f32 v5  }
0x235: {  	v60 =	vmul.f32 $1.442695020e+00, v7;
	(erf) = vpow2.f32 v6;
	_ =	sdelay $0x1  }
0x236: {  	(erf) = vpow2.f32 v60;
	_ =	sdelay $0x4  }
0x237: {  	v61 =	vpop (erf)  }
0x238: {  	v62 =	vpop (erf)  }
0x239: {  	v63 =	vpop (erf)  }
0x23a: {  	v12 =	vadd.f32 $1.000000000e+00, v62;
	v13 =	vadd.f32 $1.000000000e+00, v63  }
0x23b: {  	v10 =	vpop (erf)  }
0x23c: {  	v14 =	vadd.f32 $1.000000000e+00, v10;
	v8 =	vmul.f32 v13, v12;
	_ =	sdelay $0x1  }
0x23d: {  	v8 =	vmul.f32 v14, v8;
	_ =	sdelay $0x1  }
0x23e: {  	(erf) = vrcp.f32 v8;
	_ =	sdelay $0x5  }
0x23f: {  	v6 =	vsub.f32 v63, v62;
	_ =	sdelay $0x1  }
0x240: {  	v6 =	vmul.f32 $2.720000080e+01, v6  }
0x241: {  	v15 =	vpop (erf)  }
0x242: {  	v6 =	vmul.f32 v15, v6;
	_ =	sdelay $0x1  }
0x243: {  	v6 =	vsub.f32 $0.0e+00, v6;
	_ =	sdelay $0x1  }
0x244: {  	v6 =	vmul.f32 $1.442695020e+00, v6;
	_ =	sdelay $0x1  }
0x245: {  	(erf) = vpow2.f32 v6;
	_ =	sdelay $0x8  }
0x246: {  	v6 =	vpop (erf)  }
0x247: {  	v6 =	vsub.f32 $0.0e+00, v6;
	_ =	sdelay $0x1  }
0x248: {  	v6 =	vmul.f32 $1.442695020e+00, v6;
	_ =	sdelay $0x1  }
0x249: {  	(erf) = vpow2.f32 v6;
	_ =	sdelay $0x1  }
0x24a: {  	v16 =	vld [tilespmem:$0x4F0]  }
0x24b: {  	v17 =	vld [tilespmem:$0x6F0];
	_ =	sdelay $0x1  }
0x24c: {  	v18 =	vld [tilespmem:$0x8F0];
	_ =	sdelay $0x1  }
0x24d: {  	v6 =	vmax.f32 v16, $-6.000000000e+01  }
0x24e: {  	v7 =	vmax.f32 v17, $-6.000000000e+01;
	v6 =	vmin.f32 v6, $6.000000000e+01  }
0x24f: {  	v7 =	vmin.f32 v7, $6.000000000e+01;
	v6 =	vsub.f32 $0.0e+00, v6;
	v19 =	vpop (erf)  }
0x250: {  	v7 =	vsub.f32 $0.0e+00, v7;
	v8 =	vmax.f32 v18, $-6.000000000e+01;
	v9 =	vadd.f32 $1.000000000e+00, v19  }
0x251: {  	v8 =	vmin.f32 v8, $6.000000000e+01;
	v6 =	vmul.f32 $1.442695020e+00, v6  }
0x252: {  	v7 =	vmul.f32 $1.442695020e+00, v7;
	v8 =	vsub.f32 $0.0e+00, v8;
	(erf) = vrcp.f32 v9  }
0x253: {  	(erf) = vpow2.f32 v6  }
0x254: {  	v20 =	vmul.f32 $1.442695020e+00, v8;
	(erf) = vpow2.f32 v7;
	_ =	sdelay $0x1  }
0x255: {  	(erf) = vpow2.f32 v20;
	_ =	sdelay $0x4  }
0x256: {  	v21 =	vpop (erf)  }
0x257: {  	v22 =	vpop (erf)  }
0x258: {  	v23 =	vpop (erf)  }
0x259: {  	v24 =	vadd.f32 $1.000000000e+00, v22;
	v25 =	vadd.f32 $1.000000000e+00, v23  }
0x25a: {  	v11 =	vpop (erf)  }
0x25b: {  	v26 =	vadd.f32 $1.000000000e+00, v11;
	v9 =	vmul.f32 v25, v24;
	_ =	sdelay $0x1  }
0x25c: {  	v9 =	vmul.f32 v26, v9;
	_ =	sdelay $0x1  }
0x25d: {  	(erf) = vrcp.f32 v9;
	_ =	sdelay $0x5  }
0x25e: {  	v7 =	vsub.f32 v23, v22;
	_ =	sdelay $0x1  }
0x25f: {  	v7 =	vmul.f32 $2.720000080e+01, v7  }
0x260: {  	v27 =	vpop (erf)  }
0x261: {  	v7 =	vmul.f32 v27, v7;
	_ =	sdelay $0x1  }
0x262: {  	v7 =	vsub.f32 $0.0e+00, v7;
	_ =	sdelay $0x1  }
0x263: {  	v7 =	vmul.f32 $1.442695020e+00, v7;
	_ =	sdelay $0x1  }
0x264: {  	(erf) = vpow2.f32 v7;
	_ =	sdelay $0x8  }
0x265: {  	v7 =	vpop (erf)  }
0x266: {  	v7 =	vsub.f32 $0.0e+00, v7;
	_ =	sdelay $0x1  }
0x267: {  	v7 =	vmul.f32 $1.442695020e+00, v7;
	_ =	sdelay $0x1  }
0x268: {  	(erf) = vpow2.f32 v7;
	_ =	sdelay $0x8  }
0x269: {  	v7 =	vpop (erf)  }
0x26a: {  	v7 =	vadd.f32 $1.000000000e+00, v7;
	_ =	sdelay $0x1  }
0x26b: {  	(erf) = vrcp.f32 v7;
	_ =	sdelay $0x2  }
0x26c: {  	[tilespmem:$0xA80] =	vst v0  }
0x26d: {  	[tilespmem:$0xA90] =	vst v1  }
0x26e: {  	[tilespmem:$0xAA0] =	vst v2  }
0x26f: {  	[tilespmem:$0xAB0] =	vst v35  }
0x270: {  	[tilespmem:$0xAC0] =	vst v48  }
0x271: {  	[tilespmem:$0xAD0] =	vst v61  }
0x272: {  	[tilespmem:$0xAE0] =	vst v21;
	v28 =	vpop (erf)  }
0x273: {  	s15 =	rddreg [dreg:$0xe];
	[tilespmem:$0xAF0] =	vst v28  }
0x274: {  	[hbm4b:s15+s3] =	stream.linear.scatter [tilespmem:s26], [sflag:$0x2], $0x80, $0x38;
	[tilespmem:$0xC00] =	vst v63  }
0x275: {  	_ =	swait.ge [sflag:s28], $0x80  }
0x276: {  	[sflag:s28] =	ssyncset.done $0x0  }
0x277: {  	[sflag:s28] =	ssyncadd.s32 $0xFFFFFF80  }
0x278: {  	_ =	swait.ge [sflag:s28], $0x80  }
0x279: {  	[sflag:s28] =	ssyncset.done $0x0  }
0x27a: {  	[sflag:s28] =	ssyncadd.s32 $0xFFFFFF80  }
0x27b: {  	_ =	swait.ge [sflag:s28], $0x80  }
0x27c: {  	[sflag:s28] =	ssyncset.done $0x0  }
0x27d: {  	[sflag:s28] =	ssyncadd.s32 $0xFFFFFF80  }
0x27e: {  	v29 =	vld [tilespmem:$0x500]  }
0x27f: {  	v30 =	vld [tilespmem:$0x700];
	_ =	sdelay $0x1  }
0x280: {  	v31 =	vld [tilespmem:$0x900];
	_ =	sdelay $0x1  }
0x281: {  	v0 =	vmax.f32 v29, $-6.000000000e+01  }
0x282: {  	v1 =	vmax.f32 v30, $-6.000000000e+01;
	v0 =	vmin.f32 v0, $6.000000000e+01  }
0x283: {  	v1 =	vmin.f32 v1, $6.000000000e+01;
	v0 =	vsub.f32 $0.0e+00, v0  }
0x284: {  	v2 =	vmax.f32 v31, $-6.000000000e+01;
	v1 =	vsub.f32 $0.0e+00, v1  }
0x285: {  	v2 =	vmin.f32 v2, $6.000000000e+01;
	v0 =	vmul.f32 $1.442695020e+00, v0  }
0x286: {  	v2 =	vsub.f32 $0.0e+00, v2;
	v1 =	vmul.f32 $1.442695020e+00, v1  }
0x287: {  	(erf) = vpow2.f32 v0  }
0x288: {  	v32 =	vmul.f32 $1.442695020e+00, v2;
	(erf) = vpow2.f32 v1;
	_ =	sdelay $0x1  }
0x289: {  	(erf) = vpow2.f32 v32;
	_ =	sdelay $0x5  }
0x28a: {  	v33 =	vpop (erf)  }
0x28b: {  	v1 =	vpop (erf)  }
0x28c: {  	v34 =	vadd.f32 $1.000000000e+00, v33;
	v35 =	vadd.f32 $1.000000000e+00, v1  }
0x28d: {  	v36 =	vpop (erf)  }
0x28e: {  	v37 =	vadd.f32 $1.000000000e+00, v36;
	v2 =	vmul.f32 v35, v34;
	_ =	sdelay $0x1  }
0x28f: {  	v2 =	vmul.f32 v37, v2;
	_ =	sdelay $0x1  }
0x290: {  	(erf) = vrcp.f32 v2;
	_ =	sdelay $0x5  }
0x291: {  	v0 =	vsub.f32 v1, v33;
	_ =	sdelay $0x1  }
0x292: {  	v0 =	vmul.f32 $2.720000080e+01, v0  }
0x293: {  	v38 =	vpop (erf)  }
0x294: {  	v0 =	vmul.f32 v38, v0;
	_ =	sdelay $0x1  }
0x295: {  	v0 =	vsub.f32 $0.0e+00, v0;
	_ =	sdelay $0x1  }
0x296: {  	v0 =	vmul.f32 $1.442695020e+00, v0;
	_ =	sdelay $0x1  }
0x297: {  	(erf) = vpow2.f32 v0;
	_ =	sdelay $0x8  }
0x298: {  	v0 =	vpop (erf)  }
0x299: {  	v0 =	vsub.f32 $0.0e+00, v0;
	_ =	sdelay $0x1  }
0x29a: {  	v0 =	vmul.f32 $1.442695020e+00, v0;
	_ =	sdelay $0x1  }
0x29b: {  	(erf) = vpow2.f32 v0;
	_ =	sdelay $0x1  }
0x29c: {  	v39 =	vld [tilespmem:$0x510]  }
0x29d: {  	v40 =	vld [tilespmem:$0x710];
	_ =	sdelay $0x1  }
0x29e: {  	v41 =	vld [tilespmem:$0x910];
	_ =	sdelay $0x1  }
0x29f: {  	v0 =	vmax.f32 v39, $-6.000000000e+01  }
0x2a0: {  	v1 =	vmax.f32 v40, $-6.000000000e+01;
	v0 =	vmin.f32 v0, $6.000000000e+01  }
0x2a1: {  	v1 =	vmin.f32 v1, $6.000000000e+01;
	v0 =	vsub.f32 $0.0e+00, v0;
	v42 =	vpop (erf)  }
0x2a2: {  	v1 =	vsub.f32 $0.0e+00, v1;
	v2 =	vmax.f32 v41, $-6.000000000e+01;
	v3 =	vadd.f32 $1.000000000e+00, v42  }
0x2a3: {  	v2 =	vmin.f32 v2, $6.000000000e+01;
	v0 =	vmul.f32 $1.442695020e+00, v0  }
0x2a4: {  	v1 =	vmul.f32 $1.442695020e+00, v1;
	v2 =	vsub.f32 $0.0e+00, v2;
	(erf) = vrcp.f32 v3  }
0x2a5: {  	(erf) = vpow2.f32 v0  }
0x2a6: {  	v43 =	vmul.f32 $1.442695020e+00, v2;
	(erf) = vpow2.f32 v1;
	_ =	sdelay $0x1  }
0x2a7: {  	(erf) = vpow2.f32 v43;
	_ =	sdelay $0x4  }
0x2a8: {  	v0 =	vpop (erf)  }
0x2a9: {  	v44 =	vpop (erf)  }
0x2aa: {  	v45 =	vpop (erf)  }
0x2ab: {  	v46 =	vadd.f32 $1.000000000e+00, v44;
	v47 =	vadd.f32 $1.000000000e+00, v45  }
0x2ac: {  	v48 =	vpop (erf)  }
0x2ad: {  	v49 =	vadd.f32 $1.000000000e+00, v48;
	v3 =	vmul.f32 v47, v46;
	_ =	sdelay $0x1  }
0x2ae: {  	v3 =	vmul.f32 v49, v3;
	_ =	sdelay $0x1  }
0x2af: {  	(erf) = vrcp.f32 v3;
	_ =	sdelay $0x5  }
0x2b0: {  	v1 =	vsub.f32 v45, v44;
	_ =	sdelay $0x1  }
0x2b1: {  	v1 =	vmul.f32 $2.720000080e+01, v1  }
0x2b2: {  	v50 =	vpop (erf)  }
0x2b3: {  	v1 =	vmul.f32 v50, v1;
	_ =	sdelay $0x1  }
0x2b4: {  	v1 =	vsub.f32 $0.0e+00, v1;
	_ =	sdelay $0x1  }
0x2b5: {  	v1 =	vmul.f32 $1.442695020e+00, v1;
	_ =	sdelay $0x1  }
0x2b6: {  	(erf) = vpow2.f32 v1;
	_ =	sdelay $0x8  }
0x2b7: {  	v1 =	vpop (erf)  }
0x2b8: {  	v1 =	vsub.f32 $0.0e+00, v1;
	_ =	sdelay $0x1  }
0x2b9: {  	v1 =	vmul.f32 $1.442695020e+00, v1;
	_ =	sdelay $0x1  }
0x2ba: {  	(erf) = vpow2.f32 v1;
	_ =	sdelay $0x1  }
0x2bb: {  	v51 =	vld [tilespmem:$0x520]  }
0x2bc: {  	v52 =	vld [tilespmem:$0x720];
	_ =	sdelay $0x1  }
0x2bd: {  	v53 =	vld [tilespmem:$0x920];
	_ =	sdelay $0x1  }
0x2be: {  	v1 =	vmax.f32 v51, $-6.000000000e+01  }
0x2bf: {  	v2 =	vmax.f32 v52, $-6.000000000e+01;
	v1 =	vmin.f32 v1, $6.000000000e+01  }
0x2c0: {  	v2 =	vmin.f32 v2, $6.000000000e+01;
	v1 =	vsub.f32 $0.0e+00, v1;
	v54 =	vpop (erf)  }
0x2c1: {  	v2 =	vsub.f32 $0.0e+00, v2;
	v3 =	vmax.f32 v53, $-6.000000000e+01;
	v4 =	vadd.f32 $1.000000000e+00, v54  }
0x2c2: {  	v3 =	vmin.f32 v3, $6.000000000e+01;
	v1 =	vmul.f32 $1.442695020e+00, v1  }
0x2c3: {  	v2 =	vmul.f32 $1.442695020e+00, v2;
	v3 =	vsub.f32 $0.0e+00, v3;
	(erf) = vrcp.f32 v4  }
0x2c4: {  	(erf) = vpow2.f32 v1  }
0x2c5: {  	v55 =	vmul.f32 $1.442695020e+00, v3;
	(erf) = vpow2.f32 v2;
	_ =	sdelay $0x1  }
0x2c6: {  	(erf) = vpow2.f32 v55;
	_ =	sdelay $0x4  }
0x2c7: {  	v1 =	vpop (erf)  }
0x2c8: {  	v56 =	vpop (erf)  }
0x2c9: {  	v57 =	vpop (erf)  }
0x2ca: {  	v58 =	vadd.f32 $1.000000000e+00, v56;
	v59 =	vadd.f32 $1.000000000e+00, v57  }
0x2cb: {  	v60 =	vpop (erf)  }
0x2cc: {  	v61 =	vadd.f32 $1.000000000e+00, v60;
	v4 =	vmul.f32 v59, v58;
	_ =	sdelay $0x1  }
0x2cd: {  	v4 =	vmul.f32 v61, v4;
	_ =	sdelay $0x1  }
0x2ce: {  	(erf) = vrcp.f32 v4;
	_ =	sdelay $0x5  }
0x2cf: {  	v2 =	vsub.f32 v57, v56;
	_ =	sdelay $0x1  }
0x2d0: {  	v2 =	vmul.f32 $2.720000080e+01, v2  }
0x2d1: {  	v62 =	vpop (erf)  }
0x2d2: {  	v2 =	vmul.f32 v62, v2;
	_ =	sdelay $0x1  }
0x2d3: {  	v2 =	vsub.f32 $0.0e+00, v2;
	_ =	sdelay $0x1  }
0x2d4: {  	v2 =	vmul.f32 $1.442695020e+00, v2;
	_ =	sdelay $0x1  }
0x2d5: {  	(erf) = vpow2.f32 v2;
	_ =	sdelay $0x8  }
0x2d6: {  	v2 =	vpop (erf)  }
0x2d7: {  	v2 =	vsub.f32 $0.0e+00, v2;
	_ =	sdelay $0x1  }
0x2d8: {  	v2 =	vmul.f32 $1.442695020e+00, v2;
	_ =	sdelay $0x1  }
0x2d9: {  	(erf) = vpow2.f32 v2;
	_ =	sdelay $0x1  }
0x2da: {  	v63 =	vld [tilespmem:$0x530]  }
0x2db: {  	v8 =	vld [tilespmem:$0x730];
	_ =	sdelay $0x1  }
0x2dc: {  	v9 =	vld [tilespmem:$0x930];
	_ =	sdelay $0x1  }
0x2dd: {  	v2 =	vmax.f32 v63, $-6.000000000e+01  }
0x2de: {  	v3 =	vmax.f32 v8, $-6.000000000e+01;
	v2 =	vmin.f32 v2, $6.000000000e+01  }
0x2df: {  	v3 =	vmin.f32 v3, $6.000000000e+01;
	v2 =	vsub.f32 $0.0e+00, v2;
	v10 =	vpop (erf)  }
0x2e0: {  	v3 =	vsub.f32 $0.0e+00, v3;
	v4 =	vmax.f32 v9, $-6.000000000e+01;
	v5 =	vadd.f32 $1.000000000e+00, v10  }
0x2e1: {  	v4 =	vmin.f32 v4, $6.000000000e+01;
	v2 =	vmul.f32 $1.442695020e+00, v2  }
0x2e2: {  	v3 =	vmul.f32 $1.442695020e+00, v3;
	v4 =	vsub.f32 $0.0e+00, v4;
	(erf) = vrcp.f32 v5  }
0x2e3: {  	(erf) = vpow2.f32 v2  }
0x2e4: {  	v11 =	vmul.f32 $1.442695020e+00, v4;
	(erf) = vpow2.f32 v3;
	_ =	sdelay $0x1  }
0x2e5: {  	(erf) = vpow2.f32 v11;
	_ =	sdelay $0x4  }
0x2e6: {  	v2 =	vpop (erf)  }
0x2e7: {  	v12 =	vpop (erf)  }
0x2e8: {  	v13 =	vpop (erf)  }
0x2e9: {  	v14 =	vadd.f32 $1.000000000e+00, v12;
	v15 =	vadd.f32 $1.000000000e+00, v13  }
0x2ea: {  	v16 =	vpop (erf)  }
0x2eb: {  	v17 =	vadd.f32 $1.000000000e+00, v16;
	v5 =	vmul.f32 v15, v14;
	_ =	sdelay $0x1  }
0x2ec: {  	v5 =	vmul.f32 v17, v5;
	_ =	sdelay $0x1  }
0x2ed: {  	(erf) = vrcp.f32 v5;
	_ =	sdelay $0x5  }
0x2ee: {  	v3 =	vsub.f32 v13, v12;
	_ =	sdelay $0x1  }
0x2ef: {  	v3 =	vmul.f32 $2.720000080e+01, v3  }
0x2f0: {  	v18 =	vpop (erf)  }
0x2f1: {  	v3 =	vmul.f32 v18, v3;
	_ =	sdelay $0x1  }
0x2f2: {  	v3 =	vsub.f32 $0.0e+00, v3;
	_ =	sdelay $0x1  }
0x2f3: {  	v3 =	vmul.f32 $1.442695020e+00, v3;
	_ =	sdelay $0x1  }
0x2f4: {  	(erf) = vpow2.f32 v3;
	_ =	sdelay $0x8  }
0x2f5: {  	v3 =	vpop (erf)  }
0x2f6: {  	v3 =	vsub.f32 $0.0e+00, v3;
	_ =	sdelay $0x1  }
0x2f7: {  	v3 =	vmul.f32 $1.442695020e+00, v3;
	_ =	sdelay $0x1  }
0x2f8: {  	(erf) = vpow2.f32 v3;
	_ =	sdelay $0x1  }
0x2f9: {  	v19 =	vld [tilespmem:$0x540]  }
0x2fa: {  	v20 =	vld [tilespmem:$0x740];
	_ =	sdelay $0x1  }
0x2fb: {  	v21 =	vld [tilespmem:$0x940];
	_ =	sdelay $0x1  }
0x2fc: {  	v3 =	vmax.f32 v19, $-6.000000000e+01  }
0x2fd: {  	v4 =	vmax.f32 v20, $-6.000000000e+01;
	v3 =	vmin.f32 v3, $6.000000000e+01  }
0x2fe: {  	v4 =	vmin.f32 v4, $6.000000000e+01;
	v3 =	vsub.f32 $0.0e+00, v3;
	v22 =	vpop (erf)  }
0x2ff: {  	v4 =	vsub.f32 $0.0e+00, v4;
	v5 =	vmax.f32 v21, $-6.000000000e+01;
	v6 =	vadd.f32 $1.000000000e+00, v22  }
0x300: {  	v5 =	vmin.f32 v5, $6.000000000e+01;
	v3 =	vmul.f32 $1.442695020e+00, v3  }
0x301: {  	v4 =	vmul.f32 $1.442695020e+00, v4;
	v5 =	vsub.f32 $0.0e+00, v5;
	(erf) = vrcp.f32 v6  }
0x302: {  	(erf) = vpow2.f32 v3  }
0x303: {  	v23 =	vmul.f32 $1.442695020e+00, v5;
	(erf) = vpow2.f32 v4;
	_ =	sdelay $0x1  }
0x304: {  	(erf) = vpow2.f32 v23;
	_ =	sdelay $0x4  }
0x305: {  	v24 =	vpop (erf)  }
0x306: {  	v25 =	vpop (erf)  }
0x307: {  	v26 =	vpop (erf)  }
0x308: {  	v27 =	vadd.f32 $1.000000000e+00, v25;
	v28 =	vadd.f32 $1.000000000e+00, v26  }
0x309: {  	v29 =	vpop (erf)  }
0x30a: {  	v30 =	vadd.f32 $1.000000000e+00, v29;
	v6 =	vmul.f32 v28, v27;
	_ =	sdelay $0x1  }
0x30b: {  	v6 =	vmul.f32 v30, v6;
	_ =	sdelay $0x1  }
0x30c: {  	(erf) = vrcp.f32 v6;
	_ =	sdelay $0x5  }
0x30d: {  	v4 =	vsub.f32 v26, v25;
	_ =	sdelay $0x1  }
0x30e: {  	v4 =	vmul.f32 $2.720000080e+01, v4  }
0x30f: {  	v31 =	vpop (erf)  }
0x310: {  	v4 =	vmul.f32 v31, v4;
	_ =	sdelay $0x1  }
0x311: {  	v4 =	vsub.f32 $0.0e+00, v4;
	_ =	sdelay $0x1  }
0x312: {  	v4 =	vmul.f32 $1.442695020e+00, v4;
	_ =	sdelay $0x1  }
0x313: {  	(erf) = vpow2.f32 v4;
	_ =	sdelay $0x8  }
0x314: {  	v4 =	vpop (erf)  }
0x315: {  	v4 =	vsub.f32 $0.0e+00, v4;
	_ =	sdelay $0x1  }
0x316: {  	v4 =	vmul.f32 $1.442695020e+00, v4;
	_ =	sdelay $0x1  }
0x317: {  	(erf) = vpow2.f32 v4;
	_ =	sdelay $0x1  }
0x318: {  	v32 =	vld [tilespmem:$0x550]  }
0x319: {  	v33 =	vld [tilespmem:$0x750];
	_ =	sdelay $0x1  }
0x31a: {  	v34 =	vld [tilespmem:$0x950];
	_ =	sdelay $0x1  }
0x31b: {  	v4 =	vmax.f32 v32, $-6.000000000e+01  }
0x31c: {  	v5 =	vmax.f32 v33, $-6.000000000e+01;
	v4 =	vmin.f32 v4, $6.000000000e+01  }
0x31d: {  	v5 =	vmin.f32 v5, $6.000000000e+01;
	v4 =	vsub.f32 $0.0e+00, v4;
	v35 =	vpop (erf)  }
0x31e: {  	v5 =	vsub.f32 $0.0e+00, v5;
	v6 =	vmax.f32 v34, $-6.000000000e+01;
	v7 =	vadd.f32 $1.000000000e+00, v35  }
0x31f: {  	v6 =	vmin.f32 v6, $6.000000000e+01;
	v4 =	vmul.f32 $1.442695020e+00, v4  }
0x320: {  	v5 =	vmul.f32 $1.442695020e+00, v5;
	v6 =	vsub.f32 $0.0e+00, v6;
	(erf) = vrcp.f32 v7  }
0x321: {  	(erf) = vpow2.f32 v4  }
0x322: {  	v36 =	vmul.f32 $1.442695020e+00, v6;
	(erf) = vpow2.f32 v5;
	_ =	sdelay $0x1  }
0x323: {  	(erf) = vpow2.f32 v36;
	_ =	sdelay $0x4  }
0x324: {  	v37 =	vpop (erf)  }
0x325: {  	v38 =	vpop (erf)  }
0x326: {  	v39 =	vpop (erf)  }
0x327: {  	v40 =	vadd.f32 $1.000000000e+00, v38;
	v41 =	vadd.f32 $1.000000000e+00, v39  }
0x328: {  	v42 =	vpop (erf)  }
0x329: {  	v43 =	vadd.f32 $1.000000000e+00, v42;
	v7 =	vmul.f32 v41, v40;
	_ =	sdelay $0x1  }
0x32a: {  	v7 =	vmul.f32 v43, v7;
	_ =	sdelay $0x1  }
0x32b: {  	(erf) = vrcp.f32 v7;
	_ =	sdelay $0x5  }
0x32c: {  	v5 =	vsub.f32 v39, v38;
	_ =	sdelay $0x1  }
0x32d: {  	v5 =	vmul.f32 $2.720000080e+01, v5  }
0x32e: {  	v44 =	vpop (erf)  }
0x32f: {  	v5 =	vmul.f32 v44, v5;
	_ =	sdelay $0x1  }
0x330: {  	v5 =	vsub.f32 $0.0e+00, v5;
	_ =	sdelay $0x1  }
0x331: {  	v5 =	vmul.f32 $1.442695020e+00, v5;
	_ =	sdelay $0x1  }
0x332: {  	(erf) = vpow2.f32 v5;
	_ =	sdelay $0x8  }
0x333: {  	v5 =	vpop (erf)  }
0x334: {  	v5 =	vsub.f32 $0.0e+00, v5;
	_ =	sdelay $0x1  }
0x335: {  	v5 =	vmul.f32 $1.442695020e+00, v5;
	_ =	sdelay $0x1  }
0x336: {  	(erf) = vpow2.f32 v5;
	_ =	sdelay $0x1  }
0x337: {  	v45 =	vld [tilespmem:$0x560]  }
0x338: {  	v46 =	vld [tilespmem:$0x760];
	_ =	sdelay $0x1  }
0x339: {  	v47 =	vld [tilespmem:$0x960];
	_ =	sdelay $0x1  }
0x33a: {  	v5 =	vmax.f32 v45, $-6.000000000e+01  }
0x33b: {  	v6 =	vmax.f32 v46, $-6.000000000e+01;
	v5 =	vmin.f32 v5, $6.000000000e+01  }
0x33c: {  	v6 =	vmin.f32 v6, $6.000000000e+01;
	v5 =	vsub.f32 $0.0e+00, v5;
	v48 =	vpop (erf)  }
0x33d: {  	v6 =	vsub.f32 $0.0e+00, v6;
	v7 =	vmax.f32 v47, $-6.000000000e+01;
	v8 =	vadd.f32 $1.000000000e+00, v48  }
0x33e: {  	v7 =	vmin.f32 v7, $6.000000000e+01;
	v5 =	vmul.f32 $1.442695020e+00, v5  }
0x33f: {  	v6 =	vmul.f32 $1.442695020e+00, v6;
	v7 =	vsub.f32 $0.0e+00, v7;
	(erf) = vrcp.f32 v8  }
0x340: {  	(erf) = vpow2.f32 v5  }
0x341: {  	v49 =	vmul.f32 $1.442695020e+00, v7;
	(erf) = vpow2.f32 v6;
	_ =	sdelay $0x1  }
0x342: {  	(erf) = vpow2.f32 v49;
	_ =	sdelay $0x4  }
0x343: {  	v50 =	vpop (erf)  }
0x344: {  	v51 =	vpop (erf)  }
0x345: {  	v52 =	vpop (erf)  }
0x346: {  	v53 =	vadd.f32 $1.000000000e+00, v51;
	v54 =	vadd.f32 $1.000000000e+00, v52  }
0x347: {  	v55 =	vpop (erf)  }
0x348: {  	v56 =	vadd.f32 $1.000000000e+00, v55;
	v8 =	vmul.f32 v54, v53;
	_ =	sdelay $0x1  }
0x349: {  	v8 =	vmul.f32 v56, v8;
	_ =	sdelay $0x1  }
0x34a: {  	(erf) = vrcp.f32 v8;
	_ =	sdelay $0x5  }
0x34b: {  	v6 =	vsub.f32 v52, v51;
	_ =	sdelay $0x1  }
0x34c: {  	v6 =	vmul.f32 $2.720000080e+01, v6  }
0x34d: {  	v57 =	vpop (erf)  }
0x34e: {  	v6 =	vmul.f32 v57, v6;
	_ =	sdelay $0x1  }
0x34f: {  	v6 =	vsub.f32 $0.0e+00, v6;
	_ =	sdelay $0x1  }
0x350: {  	v6 =	vmul.f32 $1.442695020e+00, v6;
	_ =	sdelay $0x1  }
0x351: {  	(erf) = vpow2.f32 v6;
	_ =	sdelay $0x8  }
0x352: {  	v6 =	vpop (erf)  }
0x353: {  	v6 =	vsub.f32 $0.0e+00, v6;
	_ =	sdelay $0x1  }
0x354: {  	v6 =	vmul.f32 $1.442695020e+00, v6;
	_ =	sdelay $0x1  }
0x355: {  	(erf) = vpow2.f32 v6;
	_ =	sdelay $0x1  }
0x356: {  	v58 =	vld [tilespmem:$0x570]  }
0x357: {  	v59 =	vld [tilespmem:$0x770];
	_ =	sdelay $0x1  }
0x358: {  	v60 =	vld [tilespmem:$0x970];
	_ =	sdelay $0x1  }
0x359: {  	v6 =	vmax.f32 v58, $-6.000000000e+01  }
0x35a: {  	v7 =	vmax.f32 v59, $-6.000000000e+01;
	v6 =	vmin.f32 v6, $6.000000000e+01  }
0x35b: {  	v7 =	vmin.f32 v7, $6.000000000e+01;
	v6 =	vsub.f32 $0.0e+00, v6;
	v61 =	vpop (erf)  }
0x35c: {  	v7 =	vsub.f32 $0.0e+00, v7;
	v8 =	vmax.f32 v60, $-6.000000000e+01;
	v9 =	vadd.f32 $1.000000000e+00, v61  }
0x35d: {  	v8 =	vmin.f32 v8, $6.000000000e+01;
	v6 =	vmul.f32 $1.442695020e+00, v6  }
0x35e: {  	v7 =	vmul.f32 $1.442695020e+00, v7;
	v8 =	vsub.f32 $0.0e+00, v8;
	(erf) = vrcp.f32 v9  }
0x35f: {  	(erf) = vpow2.f32 v6  }
0x360: {  	v62 =	vmul.f32 $1.442695020e+00, v8;
	(erf) = vpow2.f32 v7;
	_ =	sdelay $0x1  }
0x361: {  	(erf) = vpow2.f32 v62;
	_ =	sdelay $0x4  }
0x362: {  	v63 =	vpop (erf)  }
0x363: {  	v12 =	vpop (erf)  }
0x364: {  	v13 =	vpop (erf)  }
0x365: {  	v14 =	vadd.f32 $1.000000000e+00, v12;
	v15 =	vadd.f32 $1.000000000e+00, v13  }
0x366: {  	v16 =	vpop (erf)  }
0x367: {  	v17 =	vadd.f32 $1.000000000e+00, v16;
	v9 =	vmul.f32 v15, v14;
	_ =	sdelay $0x1  }
0x368: {  	v9 =	vmul.f32 v17, v9;
	_ =	sdelay $0x1  }
0x369: {  	(erf) = vrcp.f32 v9;
	_ =	sdelay $0x5  }
0x36a: {  	v7 =	vsub.f32 v13, v12;
	_ =	sdelay $0x1  }
0x36b: {  	v7 =	vmul.f32 $2.720000080e+01, v7  }
0x36c: {  	v18 =	vpop (erf)  }
0x36d: {  	v7 =	vmul.f32 v18, v7;
	_ =	sdelay $0x1  }
0x36e: {  	v7 =	vsub.f32 $0.0e+00, v7;
	_ =	sdelay $0x1  }
0x36f: {  	v7 =	vmul.f32 $1.442695020e+00, v7;
	_ =	sdelay $0x1  }
0x370: {  	(erf) = vpow2.f32 v7;
	_ =	sdelay $0x8  }
0x371: {  	v7 =	vpop (erf)  }
0x372: {  	v7 =	vsub.f32 $0.0e+00, v7;
	_ =	sdelay $0x1  }
0x373: {  	v7 =	vmul.f32 $1.442695020e+00, v7;
	_ =	sdelay $0x1  }
0x374: {  	(erf) = vpow2.f32 v7;
	_ =	sdelay $0x8  }
0x375: {  	v7 =	vpop (erf)  }
0x376: {  	v7 =	vadd.f32 $1.000000000e+00, v7;
	_ =	sdelay $0x1  }
0x377: {  	(erf) = vrcp.f32 v7;
	_ =	sdelay $0x2  }
0x378: {  	[tilespmem:$0xB00] =	vst v0  }
0x379: {  	[tilespmem:$0xB10] =	vst v1  }
0x37a: {  	[tilespmem:$0xB20] =	vst v2  }
0x37b: {  	[tilespmem:$0xB30] =	vst v24  }
0x37c: {  	[tilespmem:$0xB40] =	vst v37  }
0x37d: {  	[tilespmem:$0xB50] =	vst v50  }
0x37e: {  	[tilespmem:$0xB60] =	vst v63;
	v19 =	vpop (erf)  }
0x37f: {  	s15 =	rddreg [dreg:$0xf];
	[tilespmem:$0xB70] =	vst v19  }
0x380: {  	[hbm4b:s15+s3] =	stream.linear.scatter [tilespmem:s29], [sflag:$0x2], $0x80, $0x38;
	[tilespmem:$0xC00] =	vst v63  }
0x381: {  	_ =	swait.ge [sflag:s30], $0x80  }
0x382: {  	[sflag:s30] =	ssyncset.done $0x0  }
0x383: {  	[sflag:s30] =	ssyncadd.s32 $0xFFFFFF80  }
0x384: {  	_ =	swait.ge [sflag:s30], $0x80  }
0x385: {  	[sflag:s30] =	ssyncset.done $0x0  }
0x386: {  	[sflag:s30] =	ssyncadd.s32 $0xFFFFFF80  }
0x387: {  	_ =	swait.ge [sflag:s30], $0x80  }
0x388: {  	[sflag:s30] =	ssyncset.done $0x0  }
0x389: {  	[sflag:s30] =	ssyncadd.s32 $0xFFFFFF80  }
0x38a: {  	v20 =	vld [tilespmem:$0x580]  }
0x38b: {  	v21 =	vld [tilespmem:$0x780];
	_ =	sdelay $0x1  }
0x38c: {  	v22 =	vld [tilespmem:$0x980];
	_ =	sdelay $0x1  }
0x38d: {  	v0 =	vmax.f32 v20, $-6.000000000e+01  }
0x38e: {  	v1 =	vmax.f32 v21, $-6.000000000e+01;
	v0 =	vmin.f32 v0, $6.000000000e+01  }
0x38f: {  	v1 =	vmin.f32 v1, $6.000000000e+01;
	v0 =	vsub.f32 $0.0e+00, v0  }
0x390: {  	v2 =	vmax.f32 v22, $-6.000000000e+01;
	v1 =	vsub.f32 $0.0e+00, v1  }
0x391: {  	v2 =	vmin.f32 v2, $6.000000000e+01;
	v0 =	vmul.f32 $1.442695020e+00, v0  }
0x392: {  	v2 =	vsub.f32 $0.0e+00, v2;
	v1 =	vmul.f32 $1.442695020e+00, v1  }
0x393: {  	(erf) = vpow2.f32 v0  }
0x394: {  	v23 =	vmul.f32 $1.442695020e+00, v2;
	(erf) = vpow2.f32 v1;
	_ =	sdelay $0x1  }
0x395: {  	(erf) = vpow2.f32 v23;
	_ =	sdelay $0x5  }
0x396: {  	v24 =	vpop (erf)  }
0x397: {  	v1 =	vpop (erf)  }
0x398: {  	v25 =	vadd.f32 $1.000000000e+00, v24;
	v26 =	vadd.f32 $1.000000000e+00, v1  }
0x399: {  	v27 =	vpop (erf)  }
0x39a: {  	v28 =	vadd.f32 $1.000000000e+00, v27;
	v2 =	vmul.f32 v26, v25;
	_ =	sdelay $0x1  }
0x39b: {  	v2 =	vmul.f32 v28, v2;
	_ =	sdelay $0x1  }
0x39c: {  	(erf) = vrcp.f32 v2;
	_ =	sdelay $0x5  }
0x39d: {  	v0 =	vsub.f32 v1, v24;
	_ =	sdelay $0x1  }
0x39e: {  	v0 =	vmul.f32 $2.720000080e+01, v0  }
0x39f: {  	v29 =	vpop (erf)  }
0x3a0: {  	v0 =	vmul.f32 v29, v0;
	_ =	sdelay $0x1  }
0x3a1: {  	v0 =	vsub.f32 $0.0e+00, v0;
	_ =	sdelay $0x1  }
0x3a2: {  	v0 =	vmul.f32 $1.442695020e+00, v0;
	_ =	sdelay $0x1  }
0x3a3: {  	(erf) = vpow2.f32 v0;
	_ =	sdelay $0x8  }
0x3a4: {  	v0 =	vpop (erf)  }
0x3a5: {  	v0 =	vsub.f32 $0.0e+00, v0;
	_ =	sdelay $0x1  }
0x3a6: {  	v0 =	vmul.f32 $1.442695020e+00, v0;
	_ =	sdelay $0x1  }
0x3a7: {  	(erf) = vpow2.f32 v0;
	_ =	sdelay $0x1  }
0x3a8: {  	v30 =	vld [tilespmem:$0x590]  }
0x3a9: {  	v31 =	vld [tilespmem:$0x790];
	_ =	sdelay $0x1  }
0x3aa: {  	v32 =	vld [tilespmem:$0x990];
	_ =	sdelay $0x1  }
0x3ab: {  	v0 =	vmax.f32 v30, $-6.000000000e+01  }
0x3ac: {  	v1 =	vmax.f32 v31, $-6.000000000e+01;
	v0 =	vmin.f32 v0, $6.000000000e+01  }
0x3ad: {  	v1 =	vmin.f32 v1, $6.000000000e+01;
	v0 =	vsub.f32 $0.0e+00, v0;
	v33 =	vpop (erf)  }
0x3ae: {  	v1 =	vsub.f32 $0.0e+00, v1;
	v2 =	vmax.f32 v32, $-6.000000000e+01;
	v3 =	vadd.f32 $1.000000000e+00, v33  }
0x3af: {  	v2 =	vmin.f32 v2, $6.000000000e+01;
	v0 =	vmul.f32 $1.442695020e+00, v0  }
0x3b0: {  	v1 =	vmul.f32 $1.442695020e+00, v1;
	v2 =	vsub.f32 $0.0e+00, v2;
	(erf) = vrcp.f32 v3  }
0x3b1: {  	(erf) = vpow2.f32 v0  }
0x3b2: {  	v34 =	vmul.f32 $1.442695020e+00, v2;
	(erf) = vpow2.f32 v1;
	_ =	sdelay $0x1  }
0x3b3: {  	(erf) = vpow2.f32 v34;
	_ =	sdelay $0x4  }
0x3b4: {  	v0 =	vpop (erf)  }
0x3b5: {  	v35 =	vpop (erf)  }
0x3b6: {  	v36 =	vpop (erf)  }
0x3b7: {  	v37 =	vadd.f32 $1.000000000e+00, v35;
	v38 =	vadd.f32 $1.000000000e+00, v36  }
0x3b8: {  	v39 =	vpop (erf)  }
0x3b9: {  	v40 =	vadd.f32 $1.000000000e+00, v39;
	v3 =	vmul.f32 v38, v37;
	_ =	sdelay $0x1  }
0x3ba: {  	v3 =	vmul.f32 v40, v3;
	_ =	sdelay $0x1  }
0x3bb: {  	(erf) = vrcp.f32 v3;
	_ =	sdelay $0x5  }
0x3bc: {  	v1 =	vsub.f32 v36, v35;
	_ =	sdelay $0x1  }
0x3bd: {  	v1 =	vmul.f32 $2.720000080e+01, v1  }
0x3be: {  	v41 =	vpop (erf)  }
0x3bf: {  	v1 =	vmul.f32 v41, v1;
	_ =	sdelay $0x1  }
0x3c0: {  	v1 =	vsub.f32 $0.0e+00, v1;
	_ =	sdelay $0x1  }
0x3c1: {  	v1 =	vmul.f32 $1.442695020e+00, v1;
	_ =	sdelay $0x1  }
0x3c2: {  	(erf) = vpow2.f32 v1;
	_ =	sdelay $0x8  }
0x3c3: {  	v1 =	vpop (erf)  }
0x3c4: {  	v1 =	vsub.f32 $0.0e+00, v1;
	_ =	sdelay $0x1  }
0x3c5: {  	v1 =	vmul.f32 $1.442695020e+00, v1;
	_ =	sdelay $0x1  }
0x3c6: {  	(erf) = vpow2.f32 v1;
	_ =	sdelay $0x1  }
0x3c7: {  	v42 =	vld [tilespmem:$0x5A0]  }
0x3c8: {  	v43 =	vld [tilespmem:$0x7A0];
	_ =	sdelay $0x1  }
0x3c9: {  	v44 =	vld [tilespmem:$0x9A0];
	_ =	sdelay $0x1  }
0x3ca: {  	v1 =	vmax.f32 v42, $-6.000000000e+01  }
0x3cb: {  	v2 =	vmax.f32 v43, $-6.000000000e+01;
	v1 =	vmin.f32 v1, $6.000000000e+01  }
0x3cc: {  	v2 =	vmin.f32 v2, $6.000000000e+01;
	v1 =	vsub.f32 $0.0e+00, v1;
	v45 =	vpop (erf)  }
0x3cd: {  	v2 =	vsub.f32 $0.0e+00, v2;
	v3 =	vmax.f32 v44, $-6.000000000e+01;
	v4 =	vadd.f32 $1.000000000e+00, v45  }
0x3ce: {  	v3 =	vmin.f32 v3, $6.000000000e+01;
	v1 =	vmul.f32 $1.442695020e+00, v1  }
0x3cf: {  	v2 =	vmul.f32 $1.442695020e+00, v2;
	v3 =	vsub.f32 $0.0e+00, v3;
	(erf) = vrcp.f32 v4  }
0x3d0: {  	(erf) = vpow2.f32 v1  }
0x3d1: {  	v46 =	vmul.f32 $1.442695020e+00, v3;
	(erf) = vpow2.f32 v2;
	_ =	sdelay $0x1  }
0x3d2: {  	(erf) = vpow2.f32 v46;
	_ =	sdelay $0x4  }
0x3d3: {  	v1 =	vpop (erf)  }
0x3d4: {  	v47 =	vpop (erf)  }
0x3d5: {  	v48 =	vpop (erf)  }
0x3d6: {  	v49 =	vadd.f32 $1.000000000e+00, v47;
	v50 =	vadd.f32 $1.000000000e+00, v48  }
0x3d7: {  	v51 =	vpop (erf)  }
0x3d8: {  	v52 =	vadd.f32 $1.000000000e+00, v51;
	v4 =	vmul.f32 v50, v49;
	_ =	sdelay $0x1  }
0x3d9: {  	v4 =	vmul.f32 v52, v4;
	_ =	sdelay $0x1  }
0x3da: {  	(erf) = vrcp.f32 v4;
	_ =	sdelay $0x5  }
0x3db: {  	v2 =	vsub.f32 v48, v47;
	_ =	sdelay $0x1  }
0x3dc: {  	v2 =	vmul.f32 $2.720000080e+01, v2  }
0x3dd: {  	v53 =	vpop (erf)  }
0x3de: {  	v2 =	vmul.f32 v53, v2;
	_ =	sdelay $0x1  }
0x3df: {  	v2 =	vsub.f32 $0.0e+00, v2;
	_ =	sdelay $0x1  }
0x3e0: {  	v2 =	vmul.f32 $1.442695020e+00, v2;
	_ =	sdelay $0x1  }
0x3e1: {  	(erf) = vpow2.f32 v2;
	_ =	sdelay $0x8  }
0x3e2: {  	v2 =	vpop (erf)  }
0x3e3: {  	v2 =	vsub.f32 $0.0e+00, v2;
	_ =	sdelay $0x1  }
0x3e4: {  	v2 =	vmul.f32 $1.442695020e+00, v2;
	_ =	sdelay $0x1  }
0x3e5: {  	(erf) = vpow2.f32 v2;
	_ =	sdelay $0x1  }
0x3e6: {  	v54 =	vld [tilespmem:$0x5B0]  }
0x3e7: {  	v55 =	vld [tilespmem:$0x7B0];
	_ =	sdelay $0x1  }
0x3e8: {  	v56 =	vld [tilespmem:$0x9B0];
	_ =	sdelay $0x1  }
0x3e9: {  	v2 =	vmax.f32 v54, $-6.000000000e+01  }
0x3ea: {  	v3 =	vmax.f32 v55, $-6.000000000e+01;
	v2 =	vmin.f32 v2, $6.000000000e+01  }
0x3eb: {  	v3 =	vmin.f32 v3, $6.000000000e+01;
	v2 =	vsub.f32 $0.0e+00, v2;
	v57 =	vpop (erf)  }
0x3ec: {  	v3 =	vsub.f32 $0.0e+00, v3;
	v4 =	vmax.f32 v56, $-6.000000000e+01;
	v5 =	vadd.f32 $1.000000000e+00, v57  }
0x3ed: {  	v4 =	vmin.f32 v4, $6.000000000e+01;
	v2 =	vmul.f32 $1.442695020e+00, v2  }
0x3ee: {  	v3 =	vmul.f32 $1.442695020e+00, v3;
	v4 =	vsub.f32 $0.0e+00, v4;
	(erf) = vrcp.f32 v5  }
0x3ef: {  	(erf) = vpow2.f32 v2  }
0x3f0: {  	v58 =	vmul.f32 $1.442695020e+00, v4;
	(erf) = vpow2.f32 v3;
	_ =	sdelay $0x1  }
0x3f1: {  	(erf) = vpow2.f32 v58;
	_ =	sdelay $0x4  }
0x3f2: {  	v2 =	vpop (erf)  }
0x3f3: {  	v59 =	vpop (erf)  }
0x3f4: {  	v60 =	vpop (erf)  }
0x3f5: {  	v61 =	vadd.f32 $1.000000000e+00, v59;
	v62 =	vadd.f32 $1.000000000e+00, v60  }
0x3f6: {  	v63 =	vpop (erf)  }
0x3f7: {  	v9 =	vadd.f32 $1.000000000e+00, v63;
	v5 =	vmul.f32 v62, v61;
	_ =	sdelay $0x1  }
0x3f8: {  	v5 =	vmul.f32 v9, v5;
	_ =	sdelay $0x1  }
0x3f9: {  	(erf) = vrcp.f32 v5;
	_ =	sdelay $0x5  }
0x3fa: {  	v3 =	vsub.f32 v60, v59;
	_ =	sdelay $0x1  }
0x3fb: {  	v3 =	vmul.f32 $2.720000080e+01, v3  }
0x3fc: {  	v10 =	vpop (erf)  }
0x3fd: {  	v3 =	vmul.f32 v10, v3;
	_ =	sdelay $0x1  }
0x3fe: {  	v3 =	vsub.f32 $0.0e+00, v3;
	_ =	sdelay $0x1  }
0x3ff: {  	v3 =	vmul.f32 $1.442695020e+00, v3;
	_ =	sdelay $0x1  }
0x400: {  	(erf) = vpow2.f32 v3;
	_ =	sdelay $0x8  }
0x401: {  	v3 =	vpop (erf)  }
0x402: {  	v3 =	vsub.f32 $0.0e+00, v3;
	_ =	sdelay $0x1  }
0x403: {  	v3 =	vmul.f32 $1.442695020e+00, v3;
	_ =	sdelay $0x1  }
0x404: {  	(erf) = vpow2.f32 v3;
	_ =	sdelay $0x1  }
0x405: {  	v11 =	vld [tilespmem:$0x5C0]  }
0x406: {  	v12 =	vld [tilespmem:$0x7C0];
	_ =	sdelay $0x1  }
0x407: {  	v13 =	vld [tilespmem:$0x9C0];
	_ =	sdelay $0x1  }
0x408: {  	v3 =	vmax.f32 v11, $-6.000000000e+01  }
0x409: {  	v4 =	vmax.f32 v12, $-6.000000000e+01;
	v3 =	vmin.f32 v3, $6.000000000e+01  }
0x40a: {  	v4 =	vmin.f32 v4, $6.000000000e+01;
	v3 =	vsub.f32 $0.0e+00, v3;
	v14 =	vpop (erf)  }
0x40b: {  	v4 =	vsub.f32 $0.0e+00, v4;
	v5 =	vmax.f32 v13, $-6.000000000e+01;
	v6 =	vadd.f32 $1.000000000e+00, v14  }
0x40c: {  	v5 =	vmin.f32 v5, $6.000000000e+01;
	v3 =	vmul.f32 $1.442695020e+00, v3  }
0x40d: {  	v4 =	vmul.f32 $1.442695020e+00, v4;
	v5 =	vsub.f32 $0.0e+00, v5;
	(erf) = vrcp.f32 v6  }
0x40e: {  	(erf) = vpow2.f32 v3  }
0x40f: {  	v15 =	vmul.f32 $1.442695020e+00, v5;
	(erf) = vpow2.f32 v4;
	_ =	sdelay $0x1  }
0x410: {  	(erf) = vpow2.f32 v15;
	_ =	sdelay $0x4  }
0x411: {  	v16 =	vpop (erf)  }
0x412: {  	v17 =	vpop (erf)  }
0x413: {  	v18 =	vpop (erf)  }
0x414: {  	v19 =	vadd.f32 $1.000000000e+00, v17;
	v20 =	vadd.f32 $1.000000000e+00, v18  }
0x415: {  	v21 =	vpop (erf)  }
0x416: {  	v22 =	vadd.f32 $1.000000000e+00, v21;
	v6 =	vmul.f32 v20, v19;
	_ =	sdelay $0x1  }
0x417: {  	v6 =	vmul.f32 v22, v6;
	_ =	sdelay $0x1  }
0x418: {  	(erf) = vrcp.f32 v6;
	_ =	sdelay $0x5  }
0x419: {  	v4 =	vsub.f32 v18, v17;
	_ =	sdelay $0x1  }
0x41a: {  	v4 =	vmul.f32 $2.720000080e+01, v4  }
0x41b: {  	v23 =	vpop (erf)  }
0x41c: {  	v4 =	vmul.f32 v23, v4;
	_ =	sdelay $0x1  }
0x41d: {  	v4 =	vsub.f32 $0.0e+00, v4;
	_ =	sdelay $0x1  }
0x41e: {  	v4 =	vmul.f32 $1.442695020e+00, v4;
	_ =	sdelay $0x1  }
0x41f: {  	(erf) = vpow2.f32 v4;
	_ =	sdelay $0x8  }
0x420: {  	v4 =	vpop (erf)  }
0x421: {  	v4 =	vsub.f32 $0.0e+00, v4;
	_ =	sdelay $0x1  }
0x422: {  	v4 =	vmul.f32 $1.442695020e+00, v4;
	_ =	sdelay $0x1  }
0x423: {  	(erf) = vpow2.f32 v4;
	_ =	sdelay $0x1  }
0x424: {  	v24 =	vld [tilespmem:$0x5D0]  }
0x425: {  	v25 =	vld [tilespmem:$0x7D0];
	_ =	sdelay $0x1  }
0x426: {  	v26 =	vld [tilespmem:$0x9D0];
	_ =	sdelay $0x1  }
0x427: {  	v4 =	vmax.f32 v24, $-6.000000000e+01  }
0x428: {  	v5 =	vmax.f32 v25, $-6.000000000e+01;
	v4 =	vmin.f32 v4, $6.000000000e+01  }
0x429: {  	v5 =	vmin.f32 v5, $6.000000000e+01;
	v4 =	vsub.f32 $0.0e+00, v4;
	v27 =	vpop (erf)  }
0x42a: {  	v5 =	vsub.f32 $0.0e+00, v5;
	v6 =	vmax.f32 v26, $-6.000000000e+01;
	v7 =	vadd.f32 $1.000000000e+00, v27  }
0x42b: {  	v6 =	vmin.f32 v6, $6.000000000e+01;
	v4 =	vmul.f32 $1.442695020e+00, v4  }
0x42c: {  	v5 =	vmul.f32 $1.442695020e+00, v5;
	v6 =	vsub.f32 $0.0e+00, v6;
	(erf) = vrcp.f32 v7  }
0x42d: {  	(erf) = vpow2.f32 v4  }
0x42e: {  	v28 =	vmul.f32 $1.442695020e+00, v6;
	(erf) = vpow2.f32 v5;
	_ =	sdelay $0x1  }
0x42f: {  	(erf) = vpow2.f32 v28;
	_ =	sdelay $0x4  }
0x430: {  	v29 =	vpop (erf)  }
0x431: {  	v30 =	vpop (erf)  }
0x432: {  	v31 =	vpop (erf)  }
0x433: {  	v32 =	vadd.f32 $1.000000000e+00, v30;
	v33 =	vadd.f32 $1.000000000e+00, v31  }
0x434: {  	v34 =	vpop (erf)  }
0x435: {  	v35 =	vadd.f32 $1.000000000e+00, v34;
	v7 =	vmul.f32 v33, v32;
	_ =	sdelay $0x1  }
0x436: {  	v7 =	vmul.f32 v35, v7;
	_ =	sdelay $0x1  }
0x437: {  	(erf) = vrcp.f32 v7;
	_ =	sdelay $0x5  }
0x438: {  	v5 =	vsub.f32 v31, v30;
	_ =	sdelay $0x1  }
0x439: {  	v5 =	vmul.f32 $2.720000080e+01, v5  }
0x43a: {  	v36 =	vpop (erf)  }
0x43b: {  	v5 =	vmul.f32 v36, v5;
	_ =	sdelay $0x1  }
0x43c: {  	v5 =	vsub.f32 $0.0e+00, v5;
	_ =	sdelay $0x1  }
0x43d: {  	v5 =	vmul.f32 $1.442695020e+00, v5;
	_ =	sdelay $0x1  }
0x43e: {  	(erf) = vpow2.f32 v5;
	_ =	sdelay $0x8  }
0x43f: {  	v5 =	vpop (erf)  }
0x440: {  	v5 =	vsub.f32 $0.0e+00, v5;
	_ =	sdelay $0x1  }
0x441: {  	v5 =	vmul.f32 $1.442695020e+00, v5;
	_ =	sdelay $0x1  }
0x442: {  	(erf) = vpow2.f32 v5;
	_ =	sdelay $0x1  }
0x443: {  	v37 =	vld [tilespmem:$0x5E0]  }
0x444: {  	v38 =	vld [tilespmem:$0x7E0];
	_ =	sdelay $0x1  }
0x445: {  	v39 =	vld [tilespmem:$0x9E0];
	_ =	sdelay $0x1  }
0x446: {  	v5 =	vmax.f32 v37, $-6.000000000e+01  }
0x447: {  	v6 =	vmax.f32 v38, $-6.000000000e+01;
	v5 =	vmin.f32 v5, $6.000000000e+01  }
0x448: {  	v6 =	vmin.f32 v6, $6.000000000e+01;
	v5 =	vsub.f32 $0.0e+00, v5;
	v40 =	vpop (erf)  }
0x449: {  	v6 =	vsub.f32 $0.0e+00, v6;
	v7 =	vmax.f32 v39, $-6.000000000e+01;
	v8 =	vadd.f32 $1.000000000e+00, v40  }
0x44a: {  	v7 =	vmin.f32 v7, $6.000000000e+01;
	v5 =	vmul.f32 $1.442695020e+00, v5  }
0x44b: {  	v6 =	vmul.f32 $1.442695020e+00, v6;
	v7 =	vsub.f32 $0.0e+00, v7;
	(erf) = vrcp.f32 v8  }
0x44c: {  	(erf) = vpow2.f32 v5  }
0x44d: {  	v41 =	vmul.f32 $1.442695020e+00, v7;
	(erf) = vpow2.f32 v6;
	_ =	sdelay $0x1  }
0x44e: {  	(erf) = vpow2.f32 v41;
	_ =	sdelay $0x4  }
0x44f: {  	v42 =	vpop (erf)  }
0x450: {  	v43 =	vpop (erf)  }
0x451: {  	v44 =	vpop (erf)  }
0x452: {  	v45 =	vadd.f32 $1.000000000e+00, v43;
	v46 =	vadd.f32 $1.000000000e+00, v44  }
0x453: {  	v47 =	vpop (erf)  }
0x454: {  	v48 =	vadd.f32 $1.000000000e+00, v47;
	v8 =	vmul.f32 v46, v45;
	_ =	sdelay $0x1  }
0x455: {  	v8 =	vmul.f32 v48, v8;
	_ =	sdelay $0x1  }
0x456: {  	(erf) = vrcp.f32 v8;
	_ =	sdelay $0x5  }
0x457: {  	v6 =	vsub.f32 v44, v43;
	_ =	sdelay $0x1  }
0x458: {  	v6 =	vmul.f32 $2.720000080e+01, v6  }
0x459: {  	v49 =	vpop (erf)  }
0x45a: {  	v6 =	vmul.f32 v49, v6;
	_ =	sdelay $0x1  }
0x45b: {  	v6 =	vsub.f32 $0.0e+00, v6;
	_ =	sdelay $0x1  }
0x45c: {  	v6 =	vmul.f32 $1.442695020e+00, v6;
	_ =	sdelay $0x1  }
0x45d: {  	(erf) = vpow2.f32 v6;
	_ =	sdelay $0x8  }
0x45e: {  	v6 =	vpop (erf)  }
0x45f: {  	v6 =	vsub.f32 $0.0e+00, v6;
	_ =	sdelay $0x1  }
0x460: {  	v6 =	vmul.f32 $1.442695020e+00, v6;
	_ =	sdelay $0x1  }
0x461: {  	(erf) = vpow2.f32 v6;
	_ =	sdelay $0x1  }
0x462: {  	v50 =	vld [tilespmem:$0x5F0]  }
0x463: {  	v51 =	vld [tilespmem:$0x7F0];
	_ =	sdelay $0x1  }
0x464: {  	v52 =	vld [tilespmem:$0x9F0];
	_ =	sdelay $0x1  }
0x465: {  	v6 =	vmax.f32 v50, $-6.000000000e+01  }
0x466: {  	v7 =	vmax.f32 v51, $-6.000000000e+01;
	v6 =	vmin.f32 v6, $6.000000000e+01  }
0x467: {  	v7 =	vmin.f32 v7, $6.000000000e+01;
	v6 =	vsub.f32 $0.0e+00, v6;
	v53 =	vpop (erf)  }
0x468: {  	v7 =	vsub.f32 $0.0e+00, v7;
	v8 =	vmax.f32 v52, $-6.000000000e+01;
	v9 =	vadd.f32 $1.000000000e+00, v53  }
0x469: {  	v8 =	vmin.f32 v8, $6.000000000e+01;
	v6 =	vmul.f32 $1.442695020e+00, v6  }
0x46a: {  	v7 =	vmul.f32 $1.442695020e+00, v7;
	v8 =	vsub.f32 $0.0e+00, v8;
	(erf) = vrcp.f32 v9  }
0x46b: {  	(erf) = vpow2.f32 v6  }
0x46c: {  	v54 =	vmul.f32 $1.442695020e+00, v8;
	(erf) = vpow2.f32 v7;
	_ =	sdelay $0x1  }
0x46d: {  	(erf) = vpow2.f32 v54;
	_ =	sdelay $0x4  }
0x46e: {  	v55 =	vpop (erf)  }
0x46f: {  	v56 =	vpop (erf)  }
0x470: {  	v57 =	vpop (erf)  }
0x471: {  	v58 =	vadd.f32 $1.000000000e+00, v56;
	v59 =	vadd.f32 $1.000000000e+00, v57  }
0x472: {  	v60 =	vpop (erf)  }
0x473: {  	v61 =	vadd.f32 $1.000000000e+00, v60;
	v9 =	vmul.f32 v59, v58;
	_ =	sdelay $0x1  }
0x474: {  	v9 =	vmul.f32 v61, v9;
	_ =	sdelay $0x1  }
0x475: {  	(erf) = vrcp.f32 v9;
	_ =	sdelay $0x5  }
0x476: {  	v7 =	vsub.f32 v57, v56;
	_ =	sdelay $0x1  }
0x477: {  	v7 =	vmul.f32 $2.720000080e+01, v7  }
0x478: {  	v62 =	vpop (erf)  }
0x479: {  	v7 =	vmul.f32 v62, v7;
	_ =	sdelay $0x1  }
0x47a: {  	v7 =	vsub.f32 $0.0e+00, v7;
	_ =	sdelay $0x1  }
0x47b: {  	v7 =	vmul.f32 $1.442695020e+00, v7;
	_ =	sdelay $0x1  }
0x47c: {  	(erf) = vpow2.f32 v7;
	_ =	sdelay $0x8  }
0x47d: {  	v7 =	vpop (erf)  }
0x47e: {  	v7 =	vsub.f32 $0.0e+00, v7;
	_ =	sdelay $0x1  }
0x47f: {  	v7 =	vmul.f32 $1.442695020e+00, v7;
	_ =	sdelay $0x1  }
0x480: {  	(erf) = vpow2.f32 v7;
	_ =	sdelay $0x8  }
0x481: {  	v7 =	vpop (erf)  }
0x482: {  	v7 =	vadd.f32 $1.000000000e+00, v7;
	_ =	sdelay $0x1  }
0x483: {  	(erf) = vrcp.f32 v7;
	_ =	sdelay $0x2  }
0x484: {  	[tilespmem:$0xB80] =	vst v0  }
0x485: {  	[tilespmem:$0xB90] =	vst v1  }
0x486: {  	[tilespmem:$0xBA0] =	vst v2  }
0x487: {  	[tilespmem:$0xBB0] =	vst v16  }
0x488: {  	[tilespmem:$0xBC0] =	vst v29  }
0x489: {  	[tilespmem:$0xBD0] =	vst v42  }
0x48a: {  	[tilespmem:$0xBE0] =	vst v55;
	v63 =	vpop (erf)  }
0x48b: {  	s15 =	rddreg [dreg:$0x10];
	[tilespmem:$0xBF0] =	vst v63  }
0x48c: {  	[hbm4b:s15+s3] =	stream.linear.scatter [tilespmem:s31], [sflag:$0x2], $0x80, $0x38;
	[tilespmem:$0xC00] =	vst v63  }
0x48d: {  	_ =	swait.ge [sflag:s0], $0x80  }
0x48e: {  	[sflag:s0] =	ssyncset.done $0x0  }
0x48f: {  	[sflag:s0] =	ssyncadd.s32 $0xFFFFFF80  }
0x490: {  	_ =	swait.ge [sflag:s0], $0x80  }
0x491: {  	[sflag:s0] =	ssyncset.done $0x0  }
0x492: {  	[sflag:s0] =	ssyncadd.s32 $0xFFFFFF80  }
0x493: {  	p0 =	sne.s32 s6, $0x1;
	_ =	swait.ge [sflag:s0], $0x80  }
.Ltmp0:
0x494: {  	[sflag:s0] =	ssyncset.done $0x0;
	(pc) =	sbr.rel @p0 .LBB2_1-.Ltmp0, $4  }
0x495: {  	[sflag:s0] =	ssyncadd.s32 $0xFFFFFF80  }
0x496: {  	_ =	swait.ge [sflag:s0], $0x80  }
0x497: {  	[sflag:s0] =	ssyncset.done $0x0  }
0x498: {  	s6 =	sadd.s32 $0xFFFFFFFF, s6;
	[sflag:s0] =	ssyncadd.s32 $0xFFFFFF80  }
0x499: {  	_ =	sfence.sel $0x180000  }
0x49a: {  	[bflag:$0x0] =	sbarrier.arrive $0xFFFF  }
0x49b: {  	_ =	strace $0x90000047  }
0x49c: {  	s0 =	stileid.u32;
	[bflag:$0x2] =	sbarrier.arrive $0xFFFF  }
0x49d: {  	p0 =	sne.s32 s0, $0x0;
	s0 =	rddreg [dreg:$0x4]  }
0x49e: {  	s0 =	sadd.s32 @!p0 $0x100000, s0  }
0x49f: {  	[sflag:s0] =	ssyncadd.tile.s32 @!p0 $0x1;
	_ =	shalt  }
.Lfunc_end2:
_tile_overlayer_lowered:
.L_overlay_start_2:
0x4a0: {  	(tag) =	ssettag $0x2  }
0x4a1: {  	s0 =	rddreg [dreg:$0x0];
	s2 =	stileid.u32  }
0x4a2: {  	s1 =	rddreg [dreg:$0x1];
	p0 =	sne.s32 s2, $0x0  }
0x4a3: {  	s3 =	rddreg [dreg:$0x2];
	[bflag:$0x3] =	sbarrier.arrive $0xFFFF;
	s2 =	simm.s32 @!p0 $0x1C07  }
0x4a4: {  	[timem:s3], [sflag:s2] =	dma.local @!p0 [hbm:s0], s1  }
0x4a5: {  	s0 =	simm.s32 @!p0 $0x7  }
0x4a6: {  	_ =	swait.ge @!p0 [sflag:s0], s1  }
0x4a7: {  	s1 =	ssub.s32 @!p0 $0x0, s1;
	[sflag:s0] =	ssyncset.done @!p0 $0x0  }
0x4a8: {  	[sflag:s0] =	ssyncadd.s32 @!p0 s1  }
0x4a9: {  	[bflag:$0x3] =	sbarrier.arrive $0xFFFF  }
0x4aa: {  	_ =	shalt  }

</sc_bundles>
